<compile_context>
chip_gen: v7x
topology: tpu7x:2x2x1
jax: 0.10.2.dev20260603
libtpu: 0.0.44.dev20260713+nightly
codegen_flags: <defaults>
</compile_context>

<pallas_src>
import jax
import jax.numpy as jnp
from jax import lax
from jax.experimental import pallas as pl
from jax.experimental.pallas import tpu as pltpu
from jax.experimental.pallas import tpu_sc as plsc

BATCH = 4096
HIST = 200
D_EMBED = 64
N_VOCAB = 1000000
NUM_CORES = 2
NUM_SUBCORES = 16
NW = NUM_CORES * NUM_SUBCORES
L = 16

TILE_COLS = N_VOCAB // 128
TAIL_R0 = TILE_COLS * 128
N_PAIR = N_VOCAB // 2
WPK_FLAT = N_VOCAB * D_EMBED

B_BLK = BATCH // NW


def _fmt_body(wt_hbm, tail_hbm, wpk_hbm, src0_v, src1_v, src2_v, dst0_v, dst1_v,
              dst2_v, tail_v, isem, osem):
    wid = lax.axis_index("s") * NUM_CORES + lax.axis_index("c")

    lane = lax.iota(jnp.int32, L)
    cols_q = [lane + 16 * q + 128 * half
              for half in range(2) for q in range(8)]
    base_q = [lane * 64 + (16 * q + 128 * half) * 64
              for half in range(2) for q in range(8)]

    srcs = (src0_v, src1_v, src2_v)
    dsts = (dst0_v, dst1_v, dst2_v)

    def start_in(j2, b):
        pltpu.async_copy(
            wt_hbm.at[:, pl.ds(j2 * 256, 256)], srcs[b], isem.at[b]
        )

    def wait_in(b):
        pltpu.make_async_copy(
            wt_hbm.at[:, pl.ds(0, 256)], srcs[b], isem.at[b]
        ).wait()

    def start_out(j2, b):
        pltpu.async_copy(
            dsts[b], wpk_hbm.at[pl.ds(j2 * 16384, 16384)], osem.at[b]
        )

    def wait_out(b):
        pltpu.make_async_copy(
            dsts[b], wpk_hbm.at[pl.ds(0, 16384)], osem.at[b]
        ).wait()

    N_PAIRCOLS = TILE_COLS // 2
    n_steps = (N_PAIRCOLS + NW - 1) // NW
    start_in(wid, 0)
    start_in(wid + NW, 1)

    def step_tt(tt, carry):
        for s in (0, 1, 2):
            t = tt * 3 + s
            j2 = wid + t * NW

            @pl.when(j2 < N_PAIRCOLS)
            def _():
                j2n = wid + (t + 2) * NW

                @pl.when(j2n < N_PAIRCOLS)
                def _():
                    start_in(j2n, (s + 2) % 3)

                wait_in(s)

                @pl.when(t >= 3)
                def _():
                    wait_out(s)

                def kloop(k, c):
                    dvec = (k + lane) & 63
                    for qq in range(16):
                        v = plsc.load_gather(srcs[s], [dvec, cols_q[qq]])
                        plsc.store_scatter(dsts[s], [base_q[qq] + dvec], v)
                    return c

                lax.fori_loop(0, 64, kloop, 0)
                start_out(j2, s)

        return carry

    lax.fori_loop(0, (n_steps + 2) // 3, step_tt, 0)
    wait_out(0)
    wait_out(1)
    wait_out(2)

    @pl.when(wid == 0)
    def _():
        pltpu.sync_copy(tail_hbm, tail_v)
        pltpu.sync_copy(tail_v, wpk_hbm.at[pl.ds(WPK_FLAT - 4096, 4096)])


def _gather_body(xt_hbm, wpk_hbm, out_hbm, idx_v, par_v, gbuf_v, obuf_v,
                 gsem, osem):
    wid = lax.axis_index("s") * NUM_CORES + lax.axis_index("c")
    b0 = wid * B_BLK

    pltpu.sync_copy(xt_hbm.at[:, pl.ds(b0, B_BLK)], idx_v)

    lane = lax.iota(jnp.int32, L)
    rows_m = [m * L + lane for m in range(8)]

    def conv_h(h, c):
        for m in range(8):
            r = idx_v[h, pl.ds(m * L, L)]
            par_v[h, pl.ds(m * L, L)] = (r & 1) * 64
            idx_v[h, pl.ds(m * L, L)] = r >> 1
        return c

    lax.fori_loop(0, HIST, conv_h, 0)

    def wait_g(slot):
        pltpu.make_async_copy(
            wpk_hbm.at[idx_v.at[0]], gbuf_v.at[slot], gsem.at[slot]
        ).wait()

    def start_g(h, slot):
        pltpu.async_copy(
            wpk_hbm.at[idx_v.at[h]], gbuf_v.at[slot], gsem.at[slot]
        )

    def wait_o(slot):
        pltpu.make_async_copy(
            obuf_v.at[slot], out_hbm.at[0, :, pl.ds(b0, B_BLK)], osem.at[slot]
        ).wait()

    def start_o(h, slot):
        pltpu.async_copy(
            obuf_v.at[slot], out_hbm.at[h, :, pl.ds(b0, B_BLK)], osem.at[slot]
        )

    start_g(0, 0)
    start_g(1, 1)

    def step_hh(hh, carry):
        for slot in (0, 1):
            h = hh * 2 + slot
            wait_g(slot)

            @pl.when(h >= 2)
            def _():
                wait_o(slot)

            offs = [par_v[h, pl.ds(m * L, L)] for m in range(8)]

            def kloop(k, c):
                dvec = (k + lane) & 63
                for m in range(8):
                    v = plsc.load_gather(
                        gbuf_v.at[slot], [rows_m[m], offs[m] + dvec]
                    )
                    plsc.store_scatter(
                        obuf_v.at[slot], [dvec, rows_m[m]], v
                    )
                return c

            lax.fori_loop(0, 64, kloop, 0)
            start_o(h, slot)

            @pl.when(h + 2 < HIST)
            def _():
                start_g(h + 2, slot)

        return carry

    lax.fori_loop(0, HIST // 2, step_hh, 0)
    wait_o(0)
    wait_o(1)


def kernel(x, W_E):
    mesh = plsc.VectorSubcoreMesh(core_axis_name="c", subcore_axis_name="s")
    wt = W_E.T
    tail = W_E[TAIL_R0:].reshape(-1)

    wpk = pl.kernel(
        _fmt_body,
        mesh=mesh,
        out_type=jax.ShapeDtypeStruct((WPK_FLAT,), jnp.float32),
        scratch_types=[
            pltpu.VMEM((64, 256), jnp.float32),
            pltpu.VMEM((64, 256), jnp.float32),
            pltpu.VMEM((64, 256), jnp.float32),
            pltpu.VMEM((16384,), jnp.float32),
            pltpu.VMEM((16384,), jnp.float32),
            pltpu.VMEM((16384,), jnp.float32),
            pltpu.VMEM((4096,), jnp.float32),
            pltpu.SemaphoreType.DMA((3,)),
            pltpu.SemaphoreType.DMA((3,)),
        ],
        compiler_params=pltpu.CompilerParams(
            use_tc_tiling_on_sc=True, needs_layout_passes=False
        ),
    )(wt, tail)

    xt = x.T.astype(jnp.int32)
    out = pl.kernel(
        _gather_body,
        mesh=mesh,
        out_type=jax.ShapeDtypeStruct((HIST, D_EMBED, BATCH), jnp.float32),
        scratch_types=[
            pltpu.VMEM((HIST, B_BLK), jnp.int32),
            pltpu.VMEM((HIST, B_BLK), jnp.int32),
            pltpu.VMEM((2, B_BLK, 128), jnp.float32),
            pltpu.VMEM((2, D_EMBED, B_BLK), jnp.float32),
            pltpu.SemaphoreType.DMA((2,)),
            pltpu.SemaphoreType.DMA((2,)),
        ],
        compiler_params=pltpu.CompilerParams(
            use_tc_tiling_on_sc=True, needs_layout_passes=False
        ),
    )(xt, wpk.reshape(N_PAIR, 128))
    return jnp.transpose(out, (2, 0, 1))

# --- scband reference (transcript-rebuilt; emitter-appended) ---
"""Pipeline reference for scband-embed-2774548873270 (READ-ONLY COPY).

The authoritative reference and input builder live on the scoring server;
editing this copy changes nothing except your own understanding.
"""

import jax, jax.numpy as jnp
import numpy as np

N_VOCAB = 1000000
D_EMBED = 64
WEIGHT_ALPHA = 1.0
BATCH = 4096
HIST = 200

def setup_inputs(seed: int = 0) -> dict:
    key = jax.random.key(seed)
    k_x, k_w = jax.random.split(key)
    x = jax.random.randint(k_x, (BATCH, HIST), 0, N_VOCAB, dtype=jnp.int64 if jax.config.jax_enable_x64 else jnp.int32)
    W_E = WEIGHT_ALPHA * jax.random.normal(k_w, (N_VOCAB, D_EMBED), dtype=jnp.float32) / np.sqrt(D_EMBED)
    return {"x": x, "W_E": W_E}

def reference(x, W_E):
    # Embed.forward: return self.W_E[x]
    return jnp.take(W_E, x, axis=0)

if __name__ == "__main__":
    import jax
    _d = setup_inputs()
    print(jax.jit(kernel)(*tuple(_d.values())))

</pallas_src>

<mosaic_0001>
#map = affine_map<(d0, d1) -> (0, 0)>
#map1 = affine_map<(d0, d1) -> (0, 0, 0)>
module attributes {stable_mosaic.version = 14 : i64} {
  func.func @_gather_body(%arg0: i32, %arg1: i32, %arg2: memref<200x4096xi32, #tpu.memory_space<hbm>>, %arg3: memref<500000x128xf32, #tpu.memory_space<hbm>>, %arg4: memref<200x64x4096xf32, #tpu.memory_space<hbm>>, %arg5: memref<200x128xi32, #tpu.memory_space<vmem>>, %arg6: memref<200x128xi32, #tpu.memory_space<vmem>>, %arg7: memref<2x128x128xf32, #tpu.memory_space<vmem>>, %arg8: memref<2x64x128xf32, #tpu.memory_space<vmem>>, %arg9: memref<2x!tpu.dma_semaphore, #tpu.memory_space<semaphore_mem>>, %arg10: memref<2x!tpu.dma_semaphore, #tpu.memory_space<semaphore_mem>>) attributes {dimension_semantics = [#tpu.dimension_semantics<core_parallel>, #tpu.dimension_semantics<subcore_parallel>], iteration_bounds = array<i64: 2, 16>, scalar_prefetch = 0 : i64, scratch_operands = 6 : i64, tpu.core_type = #tpu.core_type<sc_vector_subcore>, window_params = [{transform_indices = #map}, {transform_indices = #map}, {transform_indices = #map1}]} {
    %mul3A = arith.constant 2 : i32
    %mul3A_0 = arith.muli %arg1, %mul3A : i32
    %add3A = arith.addi %mul3A_0, %arg0 : i32
    %mul3A_1 = arith.constant 128 : i32
    %mul3A_2 = arith.muli %add3A, %mul3A_1 : i32
    "tpu.region"() ({
      %run_scoped3A = tpu.sem_alloc : memref<!tpu.dma_semaphore, #tpu.memory_space<semaphore_mem>>
      %dma_start3A_104 = arith.constant 0 : i32
      %dma_start3A_105 = tpu.memref_slice %arg2[%dma_start3A_104, %mul3A_2] : memref<200x4096xi32, #tpu.memory_space<hbm>> -> memref<200x128xi32, #tpu.memory_space<hbm>>
      %dma_start3A_106 = arith.constant 0 : i32
      %dma_start3A_107 = tpu.memref_slice %arg2[%dma_start3A_106, %mul3A_2] : memref<200x4096xi32, #tpu.memory_space<hbm>> -> memref<200x128xi32, #tpu.memory_space<hbm>>
      tpu.enqueue_dma source(%dma_start3A_107 : memref<200x128xi32, #tpu.memory_space<hbm>>) target(%arg5 : memref<200x128xi32, #tpu.memory_space<vmem>>) target_semaphore(%run_scoped3A : memref<!tpu.dma_semaphore, #tpu.memory_space<semaphore_mem>>)
      %dma_wait3A_108 = arith.constant 0 : i32
      %dma_wait3A_109 = tpu.memref_slice %arg2[%dma_wait3A_108, %mul3A_2] : memref<200x4096xi32, #tpu.memory_space<hbm>> -> memref<200x128xi32, #tpu.memory_space<hbm>>
      %dma_wait3A_110 = arith.constant 0 : i32
      %dma_wait3A_111 = tpu.memref_slice %arg2[%dma_wait3A_110, %mul3A_2] : memref<200x4096xi32, #tpu.memory_space<hbm>> -> memref<200x128xi32, #tpu.memory_space<hbm>>
      tpu.wait_dma2 semaphore(%run_scoped3A : memref<!tpu.dma_semaphore, #tpu.memory_space<semaphore_mem>>) src(%dma_wait3A_111 : memref<200x128xi32, #tpu.memory_space<hbm>>) dst(%arg5 : memref<200x128xi32, #tpu.memory_space<vmem>>)
      tpu.yield
    }) : () -> ()
    %iota3A = tpu.iota {dimensions = array<i32: 0>} : vector<16xi32>
    %add3A_3 = arith.constant 0 : i32
    %add3A_4 = vector.broadcast %add3A_3 : i32 to vector<16xi32>
    %add3A_5 = arith.addi %add3A_4, %iota3A : vector<16xi32>
    %add3A_6 = arith.constant 16 : i32
    %add3A_7 = vector.broadcast %add3A_6 : i32 to vector<16xi32>
    %add3A_8 = arith.addi %add3A_7, %iota3A : vector<16xi32>
    %add3A_9 = arith.constant 32 : i32
    %add3A_10 = vector.broadcast %add3A_9 : i32 to vector<16xi32>
    %add3A_11 = arith.addi %add3A_10, %iota3A : vector<16xi32>
    %add3A_12 = arith.constant 48 : i32
    %add3A_13 = vector.broadcast %add3A_12 : i32 to vector<16xi32>
    %add3A_14 = arith.addi %add3A_13, %iota3A : vector<16xi32>
    %add3A_15 = arith.constant 64 : i32
    %add3A_16 = vector.broadcast %add3A_15 : i32 to vector<16xi32>
    %add3A_17 = arith.addi %add3A_16, %iota3A : vector<16xi32>
    %add3A_18 = arith.constant 80 : i32
    %add3A_19 = vector.broadcast %add3A_18 : i32 to vector<16xi32>
    %add3A_20 = arith.addi %add3A_19, %iota3A : vector<16xi32>
    %add3A_21 = arith.constant 96 : i32
    %add3A_22 = vector.broadcast %add3A_21 : i32 to vector<16xi32>
    %add3A_23 = arith.addi %add3A_22, %iota3A : vector<16xi32>
    %add3A_24 = arith.constant 112 : i32
    %add3A_25 = vector.broadcast %add3A_24 : i32 to vector<16xi32>
    %add3A_26 = arith.addi %add3A_25, %iota3A : vector<16xi32>
    %scan3A = arith.constant 0 : i32
    %scan3A_27 = arith.constant 0 : i32
    %scan3A_28 = arith.constant 200 : i32
    %scan3A_29 = arith.addi %scan3A_27, %scan3A_28 : i32
    %scan3A_30 = arith.constant 1 : i32
    scf.for %scan3A_104 = %scan3A_27 to %scan3A_29 step %scan3A_30  : i32 {
      %get3A = arith.index_cast %scan3A_104 : i32 to index
      %get3A_105 = arith.constant 0 : index
      %get3A_106 = tpu.vector_load %arg5[%get3A, %get3A_105] {strides = array<i32>} : memref<200x128xi32, #tpu.memory_space<vmem>>, vector<16xi32>,
      %and3A = arith.constant 1 : i32
      %and3A_107 = vector.broadcast %and3A : i32 to vector<16xi32>
      %and3A_108 = arith.andi %get3A_106, %and3A_107 : vector<16xi32>
      %mul3A_109 = arith.constant 64 : i32
      %mul3A_110 = vector.broadcast %mul3A_109 : i32 to vector<16xi32>
      %mul3A_111 = arith.muli %and3A_108, %mul3A_110 : vector<16xi32>
      %swap3A = arith.index_cast %scan3A_104 : i32 to index
      %swap3A_112 = arith.constant 0 : index
      %swap3A_113 = tpu.vector_load %arg6[%swap3A, %swap3A_112] {strides = array<i32>} : memref<200x128xi32, #tpu.memory_space<vmem>>, vector<16xi32>,
      tpu.vector_store %arg6[%swap3A, %swap3A_112], %mul3A_111 {strides = array<i32>} : memref<200x128xi32, #tpu.memory_space<vmem>>, vector<16xi32>,
      %shift_right_arithmetic3A = arith.constant 1 : i32
      %shift_right_arithmetic3A_114 = vector.broadcast %shift_right_arithmetic3A : i32 to vector<16xi32>
      %shift_right_arithmetic3A_115 = arith.shrsi %get3A_106, %shift_right_arithmetic3A_114 : vector<16xi32>
      %swap3A_116 = arith.index_cast %scan3A_104 : i32 to index
      %swap3A_117 = arith.constant 0 : index
      %swap3A_118 = tpu.vector_load %arg5[%swap3A_116, %swap3A_117] {strides = array<i32>} : memref<200x128xi32, #tpu.memory_space<vmem>>, vector<16xi32>,
      tpu.vector_store %arg5[%swap3A_116, %swap3A_117], %shift_right_arithmetic3A_115 {strides = array<i32>} : memref<200x128xi32, #tpu.memory_space<vmem>>, vector<16xi32>,
      %get3A_119 = arith.index_cast %scan3A_104 : i32 to index
      %get3A_120 = arith.constant 16 : index
      %get3A_121 = tpu.vector_load %arg5[%get3A_119, %get3A_120] {strides = array<i32>} : memref<200x128xi32, #tpu.memory_space<vmem>>, vector<16xi32>,
      %and3A_122 = arith.constant 1 : i32
      %and3A_123 = vector.broadcast %and3A_122 : i32 to vector<16xi32>
      %and3A_124 = arith.andi %get3A_121, %and3A_123 : vector<16xi32>
      %mul3A_125 = arith.constant 64 : i32
      %mul3A_126 = vector.broadcast %mul3A_125 : i32 to vector<16xi32>
      %mul3A_127 = arith.muli %and3A_124, %mul3A_126 : vector<16xi32>
      %swap3A_128 = arith.index_cast %scan3A_104 : i32 to index
      %swap3A_129 = arith.constant 16 : index
      %swap3A_130 = tpu.vector_load %arg6[%swap3A_128, %swap3A_129] {strides = array<i32>} : memref<200x128xi32, #tpu.memory_space<vmem>>, vector<16xi32>,
      tpu.vector_store %arg6[%swap3A_128, %swap3A_129], %mul3A_127 {strides = array<i32>} : memref<200x128xi32, #tpu.memory_space<vmem>>, vector<16xi32>,
      %shift_right_arithmetic3A_131 = arith.constant 1 : i32
      %shift_right_arithmetic3A_132 = vector.broadcast %shift_right_arithmetic3A_131 : i32 to vector<16xi32>
      %shift_right_arithmetic3A_133 = arith.shrsi %get3A_121, %shift_right_arithmetic3A_132 : vector<16xi32>
      %swap3A_134 = arith.index_cast %scan3A_104 : i32 to index
      %swap3A_135 = arith.constant 16 : index
      %swap3A_136 = tpu.vector_load %arg5[%swap3A_134, %swap3A_135] {strides = array<i32>} : memref<200x128xi32, #tpu.memory_space<vmem>>, vector<16xi32>,
      tpu.vector_store %arg5[%swap3A_134, %swap3A_135], %shift_right_arithmetic3A_133 {strides = array<i32>} : memref<200x128xi32, #tpu.memory_space<vmem>>, vector<16xi32>,
      %get3A_137 = arith.index_cast %scan3A_104 : i32 to index
      %get3A_138 = arith.constant 32 : index
      %get3A_139 = tpu.vector_load %arg5[%get3A_137, %get3A_138] {strides = array<i32>} : memref<200x128xi32, #tpu.memory_space<vmem>>, vector<16xi32>,
      %and3A_140 = arith.constant 1 : i32
      %and3A_141 = vector.broadcast %and3A_140 : i32 to vector<16xi32>
      %and3A_142 = arith.andi %get3A_139, %and3A_141 : vector<16xi32>
      %mul3A_143 = arith.constant 64 : i32
      %mul3A_144 = vector.broadcast %mul3A_143 : i32 to vector<16xi32>
      %mul3A_145 = arith.muli %and3A_142, %mul3A_144 : vector<16xi32>
      %swap3A_146 = arith.index_cast %scan3A_104 : i32 to index
      %swap3A_147 = arith.constant 32 : index
      %swap3A_148 = tpu.vector_load %arg6[%swap3A_146, %swap3A_147] {strides = array<i32>} : memref<200x128xi32, #tpu.memory_space<vmem>>, vector<16xi32>,
      tpu.vector_store %arg6[%swap3A_146, %swap3A_147], %mul3A_145 {strides = array<i32>} : memref<200x128xi32, #tpu.memory_space<vmem>>, vector<16xi32>,
      %shift_right_arithmetic3A_149 = arith.constant 1 : i32
      %shift_right_arithmetic3A_150 = vector.broadcast %shift_right_arithmetic3A_149 : i32 to vector<16xi32>
      %shift_right_arithmetic3A_151 = arith.shrsi %get3A_139, %shift_right_arithmetic3A_150 : vector<16xi32>
      %swap3A_152 = arith.index_cast %scan3A_104 : i32 to index
      %swap3A_153 = arith.constant 32 : index
      %swap3A_154 = tpu.vector_load %arg5[%swap3A_152, %swap3A_153] {strides = array<i32>} : memref<200x128xi32, #tpu.memory_space<vmem>>, vector<16xi32>,
      tpu.vector_store %arg5[%swap3A_152, %swap3A_153], %shift_right_arithmetic3A_151 {strides = array<i32>} : memref<200x128xi32, #tpu.memory_space<vmem>>, vector<16xi32>,
      %get3A_155 = arith.index_cast %scan3A_104 : i32 to index
      %get3A_156 = arith.constant 48 : index
      %get3A_157 = tpu.vector_load %arg5[%get3A_155, %get3A_156] {strides = array<i32>} : memref<200x128xi32, #tpu.memory_space<vmem>>, vector<16xi32>,
      %and3A_158 = arith.constant 1 : i32
      %and3A_159 = vector.broadcast %and3A_158 : i32 to vector<16xi32>
      %and3A_160 = arith.andi %get3A_157, %and3A_159 : vector<16xi32>
      %mul3A_161 = arith.constant 64 : i32
      %mul3A_162 = vector.broadcast %mul3A_161 : i32 to vector<16xi32>
      %mul3A_163 = arith.muli %and3A_160, %mul3A_162 : vector<16xi32>
      %swap3A_164 = arith.index_cast %scan3A_104 : i32 to index
      %swap3A_165 = arith.constant 48 : index
      %swap3A_166 = tpu.vector_load %arg6[%swap3A_164, %swap3A_165] {strides = array<i32>} : memref<200x128xi32, #tpu.memory_space<vmem>>, vector<16xi32>,
      tpu.vector_store %arg6[%swap3A_164, %swap3A_165], %mul3A_163 {strides = array<i32>} : memref<200x128xi32, #tpu.memory_space<vmem>>, vector<16xi32>,
      %shift_right_arithmetic3A_167 = arith.constant 1 : i32
      %shift_right_arithmetic3A_168 = vector.broadcast %shift_right_arithmetic3A_167 : i32 to vector<16xi32>
      %shift_right_arithmetic3A_169 = arith.shrsi %get3A_157, %shift_right_arithmetic3A_168 : vector<16xi32>
      %swap3A_170 = arith.index_cast %scan3A_104 : i32 to index
      %swap3A_171 = arith.constant 48 : index
      %swap3A_172 = tpu.vector_load %arg5[%swap3A_170, %swap3A_171] {strides = array<i32>} : memref<200x128xi32, #tpu.memory_space<vmem>>, vector<16xi32>,
      tpu.vector_store %arg5[%swap3A_170, %swap3A_171], %shift_right_arithmetic3A_169 {strides = array<i32>} : memref<200x128xi32, #tpu.memory_space<vmem>>, vector<16xi32>,
      %get3A_173 = arith.index_cast %scan3A_104 : i32 to index
      %get3A_174 = arith.constant 64 : index
      %get3A_175 = tpu.vector_load %arg5[%get3A_173, %get3A_174] {strides = array<i32>} : memref<200x128xi32, #tpu.memory_space<vmem>>, vector<16xi32>,
      %and3A_176 = arith.constant 1 : i32
      %and3A_177 = vector.broadcast %and3A_176 : i32 to vector<16xi32>
      %and3A_178 = arith.andi %get3A_175, %and3A_177 : vector<16xi32>
      %mul3A_179 = arith.constant 64 : i32
      %mul3A_180 = vector.broadcast %mul3A_179 : i32 to vector<16xi32>
      %mul3A_181 = arith.muli %and3A_178, %mul3A_180 : vector<16xi32>
      %swap3A_182 = arith.index_cast %scan3A_104 : i32 to index
      %swap3A_183 = arith.constant 64 : index
      %swap3A_184 = tpu.vector_load %arg6[%swap3A_182, %swap3A_183] {strides = array<i32>} : memref<200x128xi32, #tpu.memory_space<vmem>>, vector<16xi32>,
      tpu.vector_store %arg6[%swap3A_182, %swap3A_183], %mul3A_181 {strides = array<i32>} : memref<200x128xi32, #tpu.memory_space<vmem>>, vector<16xi32>,
      %shift_right_arithmetic3A_185 = arith.constant 1 : i32
      %shift_right_arithmetic3A_186 = vector.broadcast %shift_right_arithmetic3A_185 : i32 to vector<16xi32>
      %shift_right_arithmetic3A_187 = arith.shrsi %get3A_175, %shift_right_arithmetic3A_186 : vector<16xi32>
      %swap3A_188 = arith.index_cast %scan3A_104 : i32 to index
      %swap3A_189 = arith.constant 64 : index
      %swap3A_190 = tpu.vector_load %arg5[%swap3A_188, %swap3A_189] {strides = array<i32>} : memref<200x128xi32, #tpu.memory_space<vmem>>, vector<16xi32>,
      tpu.vector_store %arg5[%swap3A_188, %swap3A_189], %shift_right_arithmetic3A_187 {strides = array<i32>} : memref<200x128xi32, #tpu.memory_space<vmem>>, vector<16xi32>,
      %get3A_191 = arith.index_cast %scan3A_104 : i32 to index
      %get3A_192 = arith.constant 80 : index
      %get3A_193 = tpu.vector_load %arg5[%get3A_191, %get3A_192] {strides = array<i32>} : memref<200x128xi32, #tpu.memory_space<vmem>>, vector<16xi32>,
      %and3A_194 = arith.constant 1 : i32
      %and3A_195 = vector.broadcast %and3A_194 : i32 to vector<16xi32>
      %and3A_196 = arith.andi %get3A_193, %and3A_195 : vector<16xi32>
      %mul3A_197 = arith.constant 64 : i32
      %mul3A_198 = vector.broadcast %mul3A_197 : i32 to vector<16xi32>
      %mul3A_199 = arith.muli %and3A_196, %mul3A_198 : vector<16xi32>
      %swap3A_200 = arith.index_cast %scan3A_104 : i32 to index
      %swap3A_201 = arith.constant 80 : index
      %swap3A_202 = tpu.vector_load %arg6[%swap3A_200, %swap3A_201] {strides = array<i32>} : memref<200x128xi32, #tpu.memory_space<vmem>>, vector<16xi32>,
      tpu.vector_store %arg6[%swap3A_200, %swap3A_201], %mul3A_199 {strides = array<i32>} : memref<200x128xi32, #tpu.memory_space<vmem>>, vector<16xi32>,
      %shift_right_arithmetic3A_203 = arith.constant 1 : i32
      %shift_right_arithmetic3A_204 = vector.broadcast %shift_right_arithmetic3A_203 : i32 to vector<16xi32>
      %shift_right_arithmetic3A_205 = arith.shrsi %get3A_193, %shift_right_arithmetic3A_204 : vector<16xi32>
      %swap3A_206 = arith.index_cast %scan3A_104 : i32 to index
      %swap3A_207 = arith.constant 80 : index
      %swap3A_208 = tpu.vector_load %arg5[%swap3A_206, %swap3A_207] {strides = array<i32>} : memref<200x128xi32, #tpu.memory_space<vmem>>, vector<16xi32>,
      tpu.vector_store %arg5[%swap3A_206, %swap3A_207], %shift_right_arithmetic3A_205 {strides = array<i32>} : memref<200x128xi32, #tpu.memory_space<vmem>>, vector<16xi32>,
      %get3A_209 = arith.index_cast %scan3A_104 : i32 to index
      %get3A_210 = arith.constant 96 : index
      %get3A_211 = tpu.vector_load %arg5[%get3A_209, %get3A_210] {strides = array<i32>} : memref<200x128xi32, #tpu.memory_space<vmem>>, vector<16xi32>,
      %and3A_212 = arith.constant 1 : i32
      %and3A_213 = vector.broadcast %and3A_212 : i32 to vector<16xi32>
      %and3A_214 = arith.andi %get3A_211, %and3A_213 : vector<16xi32>
      %mul3A_215 = arith.constant 64 : i32
      %mul3A_216 = vector.broadcast %mul3A_215 : i32 to vector<16xi32>
      %mul3A_217 = arith.muli %and3A_214, %mul3A_216 : vector<16xi32>
      %swap3A_218 = arith.index_cast %scan3A_104 : i32 to index
      %swap3A_219 = arith.constant 96 : index
      %swap3A_220 = tpu.vector_load %arg6[%swap3A_218, %swap3A_219] {strides = array<i32>} : memref<200x128xi32, #tpu.memory_space<vmem>>, vector<16xi32>,
      tpu.vector_store %arg6[%swap3A_218, %swap3A_219], %mul3A_217 {strides = array<i32>} : memref<200x128xi32, #tpu.memory_space<vmem>>, vector<16xi32>,
      %shift_right_arithmetic3A_221 = arith.constant 1 : i32
      %shift_right_arithmetic3A_222 = vector.broadcast %shift_right_arithmetic3A_221 : i32 to vector<16xi32>
      %shift_right_arithmetic3A_223 = arith.shrsi %get3A_211, %shift_right_arithmetic3A_222 : vector<16xi32>
      %swap3A_224 = arith.index_cast %scan3A_104 : i32 to index
      %swap3A_225 = arith.constant 96 : index
      %swap3A_226 = tpu.vector_load %arg5[%swap3A_224, %swap3A_225] {strides = array<i32>} : memref<200x128xi32, #tpu.memory_space<vmem>>, vector<16xi32>,
      tpu.vector_store %arg5[%swap3A_224, %swap3A_225], %shift_right_arithmetic3A_223 {strides = array<i32>} : memref<200x128xi32, #tpu.memory_space<vmem>>, vector<16xi32>,
      %get3A_227 = arith.index_cast %scan3A_104 : i32 to index
      %get3A_228 = arith.constant 112 : index
      %get3A_229 = tpu.vector_load %arg5[%get3A_227, %get3A_228] {strides = array<i32>} : memref<200x128xi32, #tpu.memory_space<vmem>>, vector<16xi32>,
      %and3A_230 = arith.constant 1 : i32
      %and3A_231 = vector.broadcast %and3A_230 : i32 to vector<16xi32>
      %and3A_232 = arith.andi %get3A_229, %and3A_231 : vector<16xi32>
      %mul3A_233 = arith.constant 64 : i32
      %mul3A_234 = vector.broadcast %mul3A_233 : i32 to vector<16xi32>
      %mul3A_235 = arith.muli %and3A_232, %mul3A_234 : vector<16xi32>
      %swap3A_236 = arith.index_cast %scan3A_104 : i32 to index
      %swap3A_237 = arith.constant 112 : index
      %swap3A_238 = tpu.vector_load %arg6[%swap3A_236, %swap3A_237] {strides = array<i32>} : memref<200x128xi32, #tpu.memory_space<vmem>>, vector<16xi32>,
      tpu.vector_store %arg6[%swap3A_236, %swap3A_237], %mul3A_235 {strides = array<i32>} : memref<200x128xi32, #tpu.memory_space<vmem>>, vector<16xi32>,
      %shift_right_arithmetic3A_239 = arith.constant 1 : i32
      %shift_right_arithmetic3A_240 = vector.broadcast %shift_right_arithmetic3A_239 : i32 to vector<16xi32>
      %shift_right_arithmetic3A_241 = arith.shrsi %get3A_229, %shift_right_arithmetic3A_240 : vector<16xi32>
      %swap3A_242 = arith.index_cast %scan3A_104 : i32 to index
      %swap3A_243 = arith.constant 112 : index
      %swap3A_244 = tpu.vector_load %arg5[%swap3A_242, %swap3A_243] {strides = array<i32>} : memref<200x128xi32, #tpu.memory_space<vmem>>, vector<16xi32>,
      tpu.vector_store %arg5[%swap3A_242, %swap3A_243], %shift_right_arithmetic3A_241 {strides = array<i32>} : memref<200x128xi32, #tpu.memory_space<vmem>>, vector<16xi32>,
    }
    %scan3A_31 = arith.constant 200 : i32
    %dma_start3A = arith.constant 0 : i32
    %dma_start3A_32 = arith.constant 0 : i32
    %dma_start3A_33 = arith.constant 0 : i32
    %dma_start3A_34 = arith.constant 0 : i32
    %dma_start3A_35 = arith.constant 0 : i32
    %dma_start3A_36 = tpu.memref_slice %arg7[%dma_start3A_32, %dma_start3A_34, %dma_start3A_35] : memref<2x128x128xf32, #tpu.memory_space<vmem>> -> memref<1x128x128xf32, #tpu.memory_space<vmem>>
    %dma_start3A_37 = tpu.memref_squeeze %dma_start3A_36 : memref<1x128x128xf32, #tpu.memory_space<vmem>> -> memref<128x128xf32, #tpu.memory_space<vmem>>
    %dma_start3A_38 = arith.constant 0 : i32
    %dma_start3A_39 = tpu.memref_slice %arg5[%dma_start3A, %dma_start3A_38] : memref<200x128xi32, #tpu.memory_space<vmem>> -> memref<1x128xi32, #tpu.memory_space<vmem>>
    %dma_start3A_40 = tpu.memref_squeeze %dma_start3A_39 : memref<1x128xi32, #tpu.memory_space<vmem>> -> memref<128xi32, #tpu.memory_space<vmem>>
    %dma_start3A_41 = arith.constant 0 : i32
    %dma_start3A_42 = arith.constant 0 : i32
    %dma_start3A_43 = tpu.memref_slice %arg3[%dma_start3A_41, %dma_start3A_42] : memref<500000x128xf32, #tpu.memory_space<hbm>> -> memref<500000x128xf32, #tpu.memory_space<hbm>>
    %dma_start3A_44 = tpu.memref_slice %arg9[%dma_start3A_33] : memref<2x!tpu.dma_semaphore, #tpu.memory_space<semaphore_mem>> -> memref<1x!tpu.dma_semaphore, #tpu.memory_space<semaphore_mem>>
    %dma_start3A_45 = tpu.memref_squeeze %dma_start3A_44 : memref<1x!tpu.dma_semaphore, #tpu.memory_space<semaphore_mem>> -> memref<!tpu.dma_semaphore, #tpu.memory_space<semaphore_mem>>
    tpu.enqueue_indirect_dma source(%dma_start3A_43 : memref<500000x128xf32, #tpu.memory_space<hbm>>) target(%dma_start3A_37 : memref<128x128xf32, #tpu.memory_space<vmem>>) offsets(%dma_start3A_40 : memref<128xi32, #tpu.memory_space<vmem>>) semaphore(%dma_start3A_45 : memref<!tpu.dma_semaphore, #tpu.memory_space<semaphore_mem>>)
    %dma_start3A_46 = arith.constant 1 : i32
    %dma_start3A_47 = arith.constant 1 : i32
    %dma_start3A_48 = arith.constant 1 : i32
    %dma_start3A_49 = arith.constant 0 : i32
    %dma_start3A_50 = arith.constant 0 : i32
    %dma_start3A_51 = tpu.memref_slice %arg7[%dma_start3A_47, %dma_start3A_49, %dma_start3A_50] : memref<2x128x128xf32, #tpu.memory_space<vmem>> -> memref<1x128x128xf32, #tpu.memory_space<vmem>>
    %dma_start3A_52 = tpu.memref_squeeze %dma_start3A_51 : memref<1x128x128xf32, #tpu.memory_space<vmem>> -> memref<128x128xf32, #tpu.memory_space<vmem>>
    %dma_start3A_53 = arith.constant 0 : i32
    %dma_start3A_54 = tpu.memref_slice %arg5[%dma_start3A_46, %dma_start3A_53] : memref<200x128xi32, #tpu.memory_space<vmem>> -> memref<1x128xi32, #tpu.memory_space<vmem>>
    %dma_start3A_55 = tpu.memref_squeeze %dma_start3A_54 : memref<1x128xi32, #tpu.memory_space<vmem>> -> memref<128xi32, #tpu.memory_space<vmem>>
    %dma_start3A_56 = arith.constant 0 : i32
    %dma_start3A_57 = arith.constant 0 : i32
    %dma_start3A_58 = tpu.memref_slice %arg3[%dma_start3A_56, %dma_start3A_57] : memref<500000x128xf32, #tpu.memory_space<hbm>> -> memref<500000x128xf32, #tpu.memory_space<hbm>>
    %dma_start3A_59 = tpu.memref_slice %arg9[%dma_start3A_48] : memref<2x!tpu.dma_semaphore, #tpu.memory_space<semaphore_mem>> -> memref<1x!tpu.dma_semaphore, #tpu.memory_space<semaphore_mem>>
    %dma_start3A_60 = tpu.memref_squeeze %dma_start3A_59 : memref<1x!tpu.dma_semaphore, #tpu.memory_space<semaphore_mem>> -> memref<!tpu.dma_semaphore, #tpu.memory_space<semaphore_mem>>
    tpu.enqueue_indirect_dma source(%dma_start3A_58 : memref<500000x128xf32, #tpu.memory_space<hbm>>) target(%dma_start3A_52 : memref<128x128xf32, #tpu.memory_space<vmem>>) offsets(%dma_start3A_55 : memref<128xi32, #tpu.memory_space<vmem>>) semaphore(%dma_start3A_60 : memref<!tpu.dma_semaphore, #tpu.memory_space<semaphore_mem>>)
    %scan3A_61 = arith.constant 0 : i32
    %scan3A_62 = arith.constant 0 : i32
    %scan3A_63 = arith.constant 100 : i32
    %scan3A_64 = arith.addi %scan3A_62, %scan3A_63 : i32
    %scan3A_65 = arith.constant 1 : i32
    scf.for %scan3A_104 = %scan3A_62 to %scan3A_64 step %scan3A_65  : i32 {
      %mul3A_105 = arith.constant 2 : i32
      %mul3A_106 = arith.muli %scan3A_104, %mul3A_105 : i32
      %add3A_107 = arith.constant 0 : i32
      %add3A_108 = arith.addi %mul3A_106, %add3A_107 : i32
      %dma_wait3A_109 = arith.constant 0 : i32
      %dma_wait3A_110 = arith.constant 0 : i32
      %dma_wait3A_111 = arith.constant 0 : i32
      %dma_wait3A_112 = arith.constant 0 : i32
      %dma_wait3A_113 = arith.constant 0 : i32
      %dma_wait3A_114 = tpu.memref_slice %arg7[%dma_wait3A_110, %dma_wait3A_112, %dma_wait3A_113] : memref<2x128x128xf32, #tpu.memory_space<vmem>> -> memref<1x128x128xf32, #tpu.memory_space<vmem>>
      %dma_wait3A_115 = tpu.memref_squeeze %dma_wait3A_114 : memref<1x128x128xf32, #tpu.memory_space<vmem>> -> memref<128x128xf32, #tpu.memory_space<vmem>>
      %dma_wait3A_116 = arith.constant 0 : i32
      %dma_wait3A_117 = tpu.memref_slice %arg5[%dma_wait3A_109, %dma_wait3A_116] : memref<200x128xi32, #tpu.memory_space<vmem>> -> memref<1x128xi32, #tpu.memory_space<vmem>>
      %dma_wait3A_118 = tpu.memref_squeeze %dma_wait3A_117 : memref<1x128xi32, #tpu.memory_space<vmem>> -> memref<128xi32, #tpu.memory_space<vmem>>
      %dma_wait3A_119 = arith.constant 0 : i32
      %dma_wait3A_120 = arith.constant 0 : i32
      %dma_wait3A_121 = tpu.memref_slice %arg3[%dma_wait3A_119, %dma_wait3A_120] : memref<500000x128xf32, #tpu.memory_space<hbm>> -> memref<500000x128xf32, #tpu.memory_space<hbm>>
      %dma_wait3A_122 = tpu.memref_slice %arg9[%dma_wait3A_111] : memref<2x!tpu.dma_semaphore, #tpu.memory_space<semaphore_mem>> -> memref<1x!tpu.dma_semaphore, #tpu.memory_space<semaphore_mem>>
      %dma_wait3A_123 = tpu.memref_squeeze %dma_wait3A_122 : memref<1x!tpu.dma_semaphore, #tpu.memory_space<semaphore_mem>> -> memref<!tpu.dma_semaphore, #tpu.memory_space<semaphore_mem>>
      tpu.wait_indirect_dma semaphore(%dma_wait3A_123 : memref<!tpu.dma_semaphore, #tpu.memory_space<semaphore_mem>>) src(%dma_wait3A_121 : memref<500000x128xf32, #tpu.memory_space<hbm>>) dst(%dma_wait3A_115 : memref<128x128xf32, #tpu.memory_space<vmem>>)
      %ge3A = arith.constant 2 : i32
      %ge3A_124 = arith.cmpi sge, %add3A_108, %ge3A : i32
      %convert_element_type3A = arith.extui %ge3A_124 : i1 to i32
      %cond3A = arith.constant 0 : i32
      %cond3A_125 = arith.cmpi ne, %convert_element_type3A, %cond3A : i32
      scf.if %cond3A_125 {
        %dma_wait3A_258 = arith.constant 0 : i32
        %dma_wait3A_259 = arith.constant 0 : i32
        %dma_wait3A_260 = arith.constant 0 : i32
        %dma_wait3A_261 = arith.constant 0 : i32
        %dma_wait3A_262 = arith.constant 0 : i32
        %dma_wait3A_263 = tpu.memref_slice %arg8[%dma_wait3A_258, %dma_wait3A_261, %dma_wait3A_262] : memref<2x64x128xf32, #tpu.memory_space<vmem>> -> memref<1x64x128xf32, #tpu.memory_space<vmem>>
        %dma_wait3A_264 = tpu.memref_squeeze %dma_wait3A_263 : memref<1x64x128xf32, #tpu.memory_space<vmem>> -> memref<64x128xf32, #tpu.memory_space<vmem>>
        %dma_wait3A_265 = arith.constant 0 : i32
        %dma_wait3A_266 = tpu.memref_slice %arg4[%dma_wait3A_259, %dma_wait3A_265, %mul3A_2] : memref<200x64x4096xf32, #tpu.memory_space<hbm>> -> memref<1x64x128xf32, #tpu.memory_space<hbm>>
        %dma_wait3A_267 = tpu.memref_squeeze %dma_wait3A_266 : memref<1x64x128xf32, #tpu.memory_space<hbm>> -> memref<64x128xf32, #tpu.memory_space<hbm>>
        %dma_wait3A_268 = tpu.memref_slice %arg10[%dma_wait3A_260] : memref<2x!tpu.dma_semaphore, #tpu.memory_space<semaphore_mem>> -> memref<1x!tpu.dma_semaphore, #tpu.memory_space<semaphore_mem>>
        %dma_wait3A_269 = tpu.memref_squeeze %dma_wait3A_268 : memref<1x!tpu.dma_semaphore, #tpu.memory_space<semaphore_mem>> -> memref<!tpu.dma_semaphore, #tpu.memory_space<semaphore_mem>>
        %dma_wait3A_270 = arith.constant 0 : i32
        %dma_wait3A_271 = tpu.memref_slice %arg4[%dma_wait3A_259, %dma_wait3A_270, %mul3A_2] : memref<200x64x4096xf32, #tpu.memory_space<hbm>> -> memref<1x64x128xf32, #tpu.memory_space<hbm>>
        %dma_wait3A_272 = tpu.memref_squeeze %dma_wait3A_271 : memref<1x64x128xf32, #tpu.memory_space<hbm>> -> memref<64x128xf32, #tpu.memory_space<hbm>>
        %dma_wait3A_273 = arith.constant 0 : i32
        %dma_wait3A_274 = arith.constant 0 : i32
        %dma_wait3A_275 = tpu.memref_slice %arg8[%dma_wait3A_258, %dma_wait3A_273, %dma_wait3A_274] : memref<2x64x128xf32, #tpu.memory_space<vmem>> -> memref<1x64x128xf32, #tpu.memory_space<vmem>>
        %dma_wait3A_276 = tpu.memref_squeeze %dma_wait3A_275 : memref<1x64x128xf32, #tpu.memory_space<vmem>> -> memref<64x128xf32, #tpu.memory_space<vmem>>
        tpu.wait_dma2 semaphore(%dma_wait3A_269 : memref<!tpu.dma_semaphore, #tpu.memory_space<semaphore_mem>>) src(%dma_wait3A_276 : memref<64x128xf32, #tpu.memory_space<vmem>>) dst(%dma_wait3A_272 : memref<64x128xf32, #tpu.memory_space<hbm>>)
      } else {
      }
      %get3A = arith.index_cast %add3A_108 : i32 to index
      %get3A_126 = arith.constant 0 : index
      %get3A_127 = tpu.vector_load %arg6[%get3A, %get3A_126] {strides = array<i32>} : memref<200x128xi32, #tpu.memory_space<vmem>>, vector<16xi32>,
      %get3A_128 = arith.index_cast %add3A_108 : i32 to index
      %get3A_129 = arith.constant 16 : index
      %get3A_130 = tpu.vector_load %arg6[%get3A_128, %get3A_129] {strides = array<i32>} : memref<200x128xi32, #tpu.memory_space<vmem>>, vector<16xi32>,
      %get3A_131 = arith.index_cast %add3A_108 : i32 to index
      %get3A_132 = arith.constant 32 : index
      %get3A_133 = tpu.vector_load %arg6[%get3A_131, %get3A_132] {strides = array<i32>} : memref<200x128xi32, #tpu.memory_space<vmem>>, vector<16xi32>,
      %get3A_134 = arith.index_cast %add3A_108 : i32 to index
      %get3A_135 = arith.constant 48 : index
      %get3A_136 = tpu.vector_load %arg6[%get3A_134, %get3A_135] {strides = array<i32>} : memref<200x128xi32, #tpu.memory_space<vmem>>, vector<16xi32>,
      %get3A_137 = arith.index_cast %add3A_108 : i32 to index
      %get3A_138 = arith.constant 64 : index
      %get3A_139 = tpu.vector_load %arg6[%get3A_137, %get3A_138] {strides = array<i32>} : memref<200x128xi32, #tpu.memory_space<vmem>>, vector<16xi32>,
      %get3A_140 = arith.index_cast %add3A_108 : i32 to index
      %get3A_141 = arith.constant 80 : index
      %get3A_142 = tpu.vector_load %arg6[%get3A_140, %get3A_141] {strides = array<i32>} : memref<200x128xi32, #tpu.memory_space<vmem>>, vector<16xi32>,
      %get3A_143 = arith.index_cast %add3A_108 : i32 to index
      %get3A_144 = arith.constant 96 : index
      %get3A_145 = tpu.vector_load %arg6[%get3A_143, %get3A_144] {strides = array<i32>} : memref<200x128xi32, #tpu.memory_space<vmem>>, vector<16xi32>,
      %get3A_146 = arith.index_cast %add3A_108 : i32 to index
      %get3A_147 = arith.constant 112 : index
      %get3A_148 = tpu.vector_load %arg6[%get3A_146, %get3A_147] {strides = array<i32>} : memref<200x128xi32, #tpu.memory_space<vmem>>, vector<16xi32>,
      %scan3A_149 = arith.constant 0 : i32
      %scan3A_150 = arith.constant 0 : i32
      %scan3A_151 = arith.constant 64 : i32
      %scan3A_152 = arith.addi %scan3A_150, %scan3A_151 : i32
      %scan3A_153 = arith.constant 1 : i32
      scf.for %scan3A_258 = %scan3A_150 to %scan3A_152 step %scan3A_153  : i32 {
        %add3A_259 = vector.broadcast %scan3A_258 : i32 to vector<16xi32>
        %add3A_260 = arith.addi %add3A_259, %iota3A : vector<16xi32>
        %and3A = arith.constant 63 : i32
        %and3A_261 = vector.broadcast %and3A : i32 to vector<16xi32>
        %and3A_262 = arith.andi %add3A_260, %and3A_261 : vector<16xi32>
        %add3A_263 = arith.addi %get3A_127, %and3A_262 : vector<16xi32>
        %gather3A = arith.constant 0 : i32
        %gather3A_264 = arith.constant 0 : i32
        %gather3A_265 = arith.constant 0 : i32
        %gather3A_266 = tpu.memref_slice %arg7[%gather3A, %gather3A_264, %gather3A_265] : memref<2x128x128xf32, #tpu.memory_space<vmem>> -> memref<1x128x128xf32, #tpu.memory_space<vmem>>
        %gather3A_267 = tpu.memref_squeeze %gather3A_266 : memref<1x128x128xf32, #tpu.memory_space<vmem>> -> memref<128x128xf32, #tpu.memory_space<vmem>>
        %gather3A_268 = tpu.vector_load_idx %gather3A_267[%add3A_5, %add3A_263] : memref<128x128xf32, #tpu.memory_space<vmem>>[vector<16xi32>, vector<16xi32>], vector<16xf32>,
        %scatter3A = arith.constant 0 : i32
        %scatter3A_269 = arith.constant 0 : i32
        %scatter3A_270 = arith.constant 0 : i32
        %scatter3A_271 = tpu.memref_slice %arg8[%scatter3A, %scatter3A_269, %scatter3A_270] : memref<2x64x128xf32, #tpu.memory_space<vmem>> -> memref<1x64x128xf32, #tpu.memory_space<vmem>>
        %scatter3A_272 = tpu.memref_squeeze %scatter3A_271 : memref<1x64x128xf32, #tpu.memory_space<vmem>> -> memref<64x128xf32, #tpu.memory_space<vmem>>
        tpu.vector_store_idx %scatter3A_272[%and3A_262, %add3A_5], %gather3A_268 : memref<64x128xf32, #tpu.memory_space<vmem>>[vector<16xi32>, vector<16xi32>], vector<16xf32>,
        %add3A_273 = arith.addi %get3A_130, %and3A_262 : vector<16xi32>
        %gather3A_274 = arith.constant 0 : i32
        %gather3A_275 = arith.constant 0 : i32
        %gather3A_276 = arith.constant 0 : i32
        %gather3A_277 = tpu.memref_slice %arg7[%gather3A_274, %gather3A_275, %gather3A_276] : memref<2x128x128xf32, #tpu.memory_space<vmem>> -> memref<1x128x128xf32, #tpu.memory_space<vmem>>
        %gather3A_278 = tpu.memref_squeeze %gather3A_277 : memref<1x128x128xf32, #tpu.memory_space<vmem>> -> memref<128x128xf32, #tpu.memory_space<vmem>>
        %gather3A_279 = tpu.vector_load_idx %gather3A_278[%add3A_8, %add3A_273] : memref<128x128xf32, #tpu.memory_space<vmem>>[vector<16xi32>, vector<16xi32>], vector<16xf32>,
        %scatter3A_280 = arith.constant 0 : i32
        %scatter3A_281 = arith.constant 0 : i32
        %scatter3A_282 = arith.constant 0 : i32
        %scatter3A_283 = tpu.memref_slice %arg8[%scatter3A_280, %scatter3A_281, %scatter3A_282] : memref<2x64x128xf32, #tpu.memory_space<vmem>> -> memref<1x64x128xf32, #tpu.memory_space<vmem>>
        %scatter3A_284 = tpu.memref_squeeze %scatter3A_283 : memref<1x64x128xf32, #tpu.memory_space<vmem>> -> memref<64x128xf32, #tpu.memory_space<vmem>>
        tpu.vector_store_idx %scatter3A_284[%and3A_262, %add3A_8], %gather3A_279 : memref<64x128xf32, #tpu.memory_space<vmem>>[vector<16xi32>, vector<16xi32>], vector<16xf32>,
        %add3A_285 = arith.addi %get3A_133, %and3A_262 : vector<16xi32>
        %gather3A_286 = arith.constant 0 : i32
        %gather3A_287 = arith.constant 0 : i32
        %gather3A_288 = arith.constant 0 : i32
        %gather3A_289 = tpu.memref_slice %arg7[%gather3A_286, %gather3A_287, %gather3A_288] : memref<2x128x128xf32, #tpu.memory_space<vmem>> -> memref<1x128x128xf32, #tpu.memory_space<vmem>>
        %gather3A_290 = tpu.memref_squeeze %gather3A_289 : memref<1x128x128xf32, #tpu.memory_space<vmem>> -> memref<128x128xf32, #tpu.memory_space<vmem>>
        %gather3A_291 = tpu.vector_load_idx %gather3A_290[%add3A_11, %add3A_285] : memref<128x128xf32, #tpu.memory_space<vmem>>[vector<16xi32>, vector<16xi32>], vector<16xf32>,
        %scatter3A_292 = arith.constant 0 : i32
        %scatter3A_293 = arith.constant 0 : i32
        %scatter3A_294 = arith.constant 0 : i32
        %scatter3A_295 = tpu.memref_slice %arg8[%scatter3A_292, %scatter3A_293, %scatter3A_294] : memref<2x64x128xf32, #tpu.memory_space<vmem>> -> memref<1x64x128xf32, #tpu.memory_space<vmem>>
        %scatter3A_296 = tpu.memref_squeeze %scatter3A_295 : memref<1x64x128xf32, #tpu.memory_space<vmem>> -> memref<64x128xf32, #tpu.memory_space<vmem>>
        tpu.vector_store_idx %scatter3A_296[%and3A_262, %add3A_11], %gather3A_291 : memref<64x128xf32, #tpu.memory_space<vmem>>[vector<16xi32>, vector<16xi32>], vector<16xf32>,
        %add3A_297 = arith.addi %get3A_136, %and3A_262 : vector<16xi32>
        %gather3A_298 = arith.constant 0 : i32
        %gather3A_299 = arith.constant 0 : i32
        %gather3A_300 = arith.constant 0 : i32
        %gather3A_301 = tpu.memref_slice %arg7[%gather3A_298, %gather3A_299, %gather3A_300] : memref<2x128x128xf32, #tpu.memory_space<vmem>> -> memref<1x128x128xf32, #tpu.memory_space<vmem>>
        %gather3A_302 = tpu.memref_squeeze %gather3A_301 : memref<1x128x128xf32, #tpu.memory_space<vmem>> -> memref<128x128xf32, #tpu.memory_space<vmem>>
        %gather3A_303 = tpu.vector_load_idx %gather3A_302[%add3A_14, %add3A_297] : memref<128x128xf32, #tpu.memory_space<vmem>>[vector<16xi32>, vector<16xi32>], vector<16xf32>,
        %scatter3A_304 = arith.constant 0 : i32
        %scatter3A_305 = arith.constant 0 : i32
        %scatter3A_306 = arith.constant 0 : i32
        %scatter3A_307 = tpu.memref_slice %arg8[%scatter3A_304, %scatter3A_305, %scatter3A_306] : memref<2x64x128xf32, #tpu.memory_space<vmem>> -> memref<1x64x128xf32, #tpu.memory_space<vmem>>
        %scatter3A_308 = tpu.memref_squeeze %scatter3A_307 : memref<1x64x128xf32, #tpu.memory_space<vmem>> -> memref<64x128xf32, #tpu.memory_space<vmem>>
        tpu.vector_store_idx %scatter3A_308[%and3A_262, %add3A_14], %gather3A_303 : memref<64x128xf32, #tpu.memory_space<vmem>>[vector<16xi32>, vector<16xi32>], vector<16xf32>,
        %add3A_309 = arith.addi %get3A_139, %and3A_262 : vector<16xi32>
        %gather3A_310 = arith.constant 0 : i32
        %gather3A_311 = arith.constant 0 : i32
        %gather3A_312 = arith.constant 0 : i32
        %gather3A_313 = tpu.memref_slice %arg7[%gather3A_310, %gather3A_311, %gather3A_312] : memref<2x128x128xf32, #tpu.memory_space<vmem>> -> memref<1x128x128xf32, #tpu.memory_space<vmem>>
        %gather3A_314 = tpu.memref_squeeze %gather3A_313 : memref<1x128x128xf32, #tpu.memory_space<vmem>> -> memref<128x128xf32, #tpu.memory_space<vmem>>
        %gather3A_315 = tpu.vector_load_idx %gather3A_314[%add3A_17, %add3A_309] : memref<128x128xf32, #tpu.memory_space<vmem>>[vector<16xi32>, vector<16xi32>], vector<16xf32>,
        %scatter3A_316 = arith.constant 0 : i32
        %scatter3A_317 = arith.constant 0 : i32
        %scatter3A_318 = arith.constant 0 : i32
        %scatter3A_319 = tpu.memref_slice %arg8[%scatter3A_316, %scatter3A_317, %scatter3A_318] : memref<2x64x128xf32, #tpu.memory_space<vmem>> -> memref<1x64x128xf32, #tpu.memory_space<vmem>>
        %scatter3A_320 = tpu.memref_squeeze %scatter3A_319 : memref<1x64x128xf32, #tpu.memory_space<vmem>> -> memref<64x128xf32, #tpu.memory_space<vmem>>
        tpu.vector_store_idx %scatter3A_320[%and3A_262, %add3A_17], %gather3A_315 : memref<64x128xf32, #tpu.memory_space<vmem>>[vector<16xi32>, vector<16xi32>], vector<16xf32>,
        %add3A_321 = arith.addi %get3A_142, %and3A_262 : vector<16xi32>
        %gather3A_322 = arith.constant 0 : i32
        %gather3A_323 = arith.constant 0 : i32
        %gather3A_324 = arith.constant 0 : i32
        %gather3A_325 = tpu.memref_slice %arg7[%gather3A_322, %gather3A_323, %gather3A_324] : memref<2x128x128xf32, #tpu.memory_space<vmem>> -> memref<1x128x128xf32, #tpu.memory_space<vmem>>
        %gather3A_326 = tpu.memref_squeeze %gather3A_325 : memref<1x128x128xf32, #tpu.memory_space<vmem>> -> memref<128x128xf32, #tpu.memory_space<vmem>>
        %gather3A_327 = tpu.vector_load_idx %gather3A_326[%add3A_20, %add3A_321] : memref<128x128xf32, #tpu.memory_space<vmem>>[vector<16xi32>, vector<16xi32>], vector<16xf32>,
        %scatter3A_328 = arith.constant 0 : i32
        %scatter3A_329 = arith.constant 0 : i32
        %scatter3A_330 = arith.constant 0 : i32
        %scatter3A_331 = tpu.memref_slice %arg8[%scatter3A_328, %scatter3A_329, %scatter3A_330] : memref<2x64x128xf32, #tpu.memory_space<vmem>> -> memref<1x64x128xf32, #tpu.memory_space<vmem>>
        %scatter3A_332 = tpu.memref_squeeze %scatter3A_331 : memref<1x64x128xf32, #tpu.memory_space<vmem>> -> memref<64x128xf32, #tpu.memory_space<vmem>>
        tpu.vector_store_idx %scatter3A_332[%and3A_262, %add3A_20], %gather3A_327 : memref<64x128xf32, #tpu.memory_space<vmem>>[vector<16xi32>, vector<16xi32>], vector<16xf32>,
        %add3A_333 = arith.addi %get3A_145, %and3A_262 : vector<16xi32>
        %gather3A_334 = arith.constant 0 : i32
        %gather3A_335 = arith.constant 0 : i32
        %gather3A_336 = arith.constant 0 : i32
        %gather3A_337 = tpu.memref_slice %arg7[%gather3A_334, %gather3A_335, %gather3A_336] : memref<2x128x128xf32, #tpu.memory_space<vmem>> -> memref<1x128x128xf32, #tpu.memory_space<vmem>>
        %gather3A_338 = tpu.memref_squeeze %gather3A_337 : memref<1x128x128xf32, #tpu.memory_space<vmem>> -> memref<128x128xf32, #tpu.memory_space<vmem>>
        %gather3A_339 = tpu.vector_load_idx %gather3A_338[%add3A_23, %add3A_333] : memref<128x128xf32, #tpu.memory_space<vmem>>[vector<16xi32>, vector<16xi32>], vector<16xf32>,
        %scatter3A_340 = arith.constant 0 : i32
        %scatter3A_341 = arith.constant 0 : i32
        %scatter3A_342 = arith.constant 0 : i32
        %scatter3A_343 = tpu.memref_slice %arg8[%scatter3A_340, %scatter3A_341, %scatter3A_342] : memref<2x64x128xf32, #tpu.memory_space<vmem>> -> memref<1x64x128xf32, #tpu.memory_space<vmem>>
        %scatter3A_344 = tpu.memref_squeeze %scatter3A_343 : memref<1x64x128xf32, #tpu.memory_space<vmem>> -> memref<64x128xf32, #tpu.memory_space<vmem>>
        tpu.vector_store_idx %scatter3A_344[%and3A_262, %add3A_23], %gather3A_339 : memref<64x128xf32, #tpu.memory_space<vmem>>[vector<16xi32>, vector<16xi32>], vector<16xf32>,
        %add3A_345 = arith.addi %get3A_148, %and3A_262 : vector<16xi32>
        %gather3A_346 = arith.constant 0 : i32
        %gather3A_347 = arith.constant 0 : i32
        %gather3A_348 = arith.constant 0 : i32
        %gather3A_349 = tpu.memref_slice %arg7[%gather3A_346, %gather3A_347, %gather3A_348] : memref<2x128x128xf32, #tpu.memory_space<vmem>> -> memref<1x128x128xf32, #tpu.memory_space<vmem>>
        %gather3A_350 = tpu.memref_squeeze %gather3A_349 : memref<1x128x128xf32, #tpu.memory_space<vmem>> -> memref<128x128xf32, #tpu.memory_space<vmem>>
        %gather3A_351 = tpu.vector_load_idx %gather3A_350[%add3A_26, %add3A_345] : memref<128x128xf32, #tpu.memory_space<vmem>>[vector<16xi32>, vector<16xi32>], vector<16xf32>,
        %scatter3A_352 = arith.constant 0 : i32
        %scatter3A_353 = arith.constant 0 : i32
        %scatter3A_354 = arith.constant 0 : i32
        %scatter3A_355 = tpu.memref_slice %arg8[%scatter3A_352, %scatter3A_353, %scatter3A_354] : memref<2x64x128xf32, #tpu.memory_space<vmem>> -> memref<1x64x128xf32, #tpu.memory_space<vmem>>
        %scatter3A_356 = tpu.memref_squeeze %scatter3A_355 : memref<1x64x128xf32, #tpu.memory_space<vmem>> -> memref<64x128xf32, #tpu.memory_space<vmem>>
        tpu.vector_store_idx %scatter3A_356[%and3A_262, %add3A_26], %gather3A_351 : memref<64x128xf32, #tpu.memory_space<vmem>>[vector<16xi32>, vector<16xi32>], vector<16xf32>,
      }
      %scan3A_154 = arith.constant 64 : i32
      %dma_start3A_155 = arith.constant 0 : i32
      %dma_start3A_156 = arith.constant 0 : i32
      %dma_start3A_157 = arith.constant 0 : i32
      %dma_start3A_158 = arith.constant 0 : i32
      %dma_start3A_159 = tpu.memref_slice %arg8[%dma_start3A_155, %dma_start3A_157, %dma_start3A_158] : memref<2x64x128xf32, #tpu.memory_space<vmem>> -> memref<1x64x128xf32, #tpu.memory_space<vmem>>
      %dma_start3A_160 = tpu.memref_squeeze %dma_start3A_159 : memref<1x64x128xf32, #tpu.memory_space<vmem>> -> memref<64x128xf32, #tpu.memory_space<vmem>>
      %dma_start3A_161 = arith.constant 0 : i32
      %dma_start3A_162 = tpu.memref_slice %arg4[%add3A_108, %dma_start3A_161, %mul3A_2] : memref<200x64x4096xf32, #tpu.memory_space<hbm>> -> memref<1x64x128xf32, #tpu.memory_space<hbm>>
      %dma_start3A_163 = tpu.memref_squeeze %dma_start3A_162 : memref<1x64x128xf32, #tpu.memory_space<hbm>> -> memref<64x128xf32, #tpu.memory_space<hbm>>
      %dma_start3A_164 = tpu.memref_slice %arg10[%dma_start3A_156] : memref<2x!tpu.dma_semaphore, #tpu.memory_space<semaphore_mem>> -> memref<1x!tpu.dma_semaphore, #tpu.memory_space<semaphore_mem>>
      %dma_start3A_165 = tpu.memref_squeeze %dma_start3A_164 : memref<1x!tpu.dma_semaphore, #tpu.memory_space<semaphore_mem>> -> memref<!tpu.dma_semaphore, #tpu.memory_space<semaphore_mem>>
      %dma_start3A_166 = arith.constant 0 : i32
      %dma_start3A_167 = tpu.memref_slice %arg4[%add3A_108, %dma_start3A_166, %mul3A_2] : memref<200x64x4096xf32, #tpu.memory_space<hbm>> -> memref<1x64x128xf32, #tpu.memory_space<hbm>>
      %dma_start3A_168 = tpu.memref_squeeze %dma_start3A_167 : memref<1x64x128xf32, #tpu.memory_space<hbm>> -> memref<64x128xf32, #tpu.memory_space<hbm>>
      %dma_start3A_169 = arith.constant 0 : i32
      %dma_start3A_170 = arith.constant 0 : i32
      %dma_start3A_171 = tpu.memref_slice %arg8[%dma_start3A_155, %dma_start3A_169, %dma_start3A_170] : memref<2x64x128xf32, #tpu.memory_space<vmem>> -> memref<1x64x128xf32, #tpu.memory_space<vmem>>
      %dma_start3A_172 = tpu.memref_squeeze %dma_start3A_171 : memref<1x64x128xf32, #tpu.memory_space<vmem>> -> memref<64x128xf32, #tpu.memory_space<vmem>>
      tpu.enqueue_dma source(%dma_start3A_172 : memref<64x128xf32, #tpu.memory_space<vmem>>) target(%dma_start3A_168 : memref<64x128xf32, #tpu.memory_space<hbm>>) target_semaphore(%dma_start3A_165 : memref<!tpu.dma_semaphore, #tpu.memory_space<semaphore_mem>>)
      %add3A_173 = arith.constant 2 : i32
      %add3A_174 = arith.addi %add3A_108, %add3A_173 : i32
      %lt3A = arith.constant 200 : i32
      %lt3A_175 = arith.cmpi slt, %add3A_174, %lt3A : i32
      %convert_element_type3A_176 = arith.extui %lt3A_175 : i1 to i32
      %cond3A_177 = arith.constant 0 : i32
      %cond3A_178 = arith.cmpi ne, %convert_element_type3A_176, %cond3A_177 : i32
      scf.if %cond3A_178 {
        %add3A_258 = arith.constant 2 : i32
        %add3A_259 = arith.addi %add3A_108, %add3A_258 : i32
        %dma_start3A_260 = arith.constant 0 : i32
        %dma_start3A_261 = arith.constant 0 : i32
        %dma_start3A_262 = arith.constant 0 : i32
        %dma_start3A_263 = arith.constant 0 : i32
        %dma_start3A_264 = tpu.memref_slice %arg7[%dma_start3A_260, %dma_start3A_262, %dma_start3A_263] : memref<2x128x128xf32, #tpu.memory_space<vmem>> -> memref<1x128x128xf32, #tpu.memory_space<vmem>>
        %dma_start3A_265 = tpu.memref_squeeze %dma_start3A_264 : memref<1x128x128xf32, #tpu.memory_space<vmem>> -> memref<128x128xf32, #tpu.memory_space<vmem>>
        %dma_start3A_266 = arith.constant 0 : i32
        %dma_start3A_267 = tpu.memref_slice %arg5[%add3A_259, %dma_start3A_266] : memref<200x128xi32, #tpu.memory_space<vmem>> -> memref<1x128xi32, #tpu.memory_space<vmem>>
        %dma_start3A_268 = tpu.memref_squeeze %dma_start3A_267 : memref<1x128xi32, #tpu.memory_space<vmem>> -> memref<128xi32, #tpu.memory_space<vmem>>
        %dma_start3A_269 = arith.constant 0 : i32
        %dma_start3A_270 = arith.constant 0 : i32
        %dma_start3A_271 = tpu.memref_slice %arg3[%dma_start3A_269, %dma_start3A_270] : memref<500000x128xf32, #tpu.memory_space<hbm>> -> memref<500000x128xf32, #tpu.memory_space<hbm>>
        %dma_start3A_272 = tpu.memref_slice %arg9[%dma_start3A_261] : memref<2x!tpu.dma_semaphore, #tpu.memory_space<semaphore_mem>> -> memref<1x!tpu.dma_semaphore, #tpu.memory_space<semaphore_mem>>
        %dma_start3A_273 = tpu.memref_squeeze %dma_start3A_272 : memref<1x!tpu.dma_semaphore, #tpu.memory_space<semaphore_mem>> -> memref<!tpu.dma_semaphore, #tpu.memory_space<semaphore_mem>>
        tpu.enqueue_indirect_dma source(%dma_start3A_271 : memref<500000x128xf32, #tpu.memory_space<hbm>>) target(%dma_start3A_265 : memref<128x128xf32, #tpu.memory_space<vmem>>) offsets(%dma_start3A_268 : memref<128xi32, #tpu.memory_space<vmem>>) semaphore(%dma_start3A_273 : memref<!tpu.dma_semaphore, #tpu.memory_space<semaphore_mem>>)
      } else {
      }
      %mul3A_179 = arith.constant 2 : i32
      %mul3A_180 = arith.muli %scan3A_104, %mul3A_179 : i32
      %add3A_181 = arith.constant 1 : i32
      %add3A_182 = arith.addi %mul3A_180, %add3A_181 : i32
      %dma_wait3A_183 = arith.constant 0 : i32
      %dma_wait3A_184 = arith.constant 1 : i32
      %dma_wait3A_185 = arith.constant 1 : i32
      %dma_wait3A_186 = arith.constant 0 : i32
      %dma_wait3A_187 = arith.constant 0 : i32
      %dma_wait3A_188 = tpu.memref_slice %arg7[%dma_wait3A_184, %dma_wait3A_186, %dma_wait3A_187] : memref<2x128x128xf32, #tpu.memory_space<vmem>> -> memref<1x128x128xf32, #tpu.memory_space<vmem>>
      %dma_wait3A_189 = tpu.memref_squeeze %dma_wait3A_188 : memref<1x128x128xf32, #tpu.memory_space<vmem>> -> memref<128x128xf32, #tpu.memory_space<vmem>>
      %dma_wait3A_190 = arith.constant 0 : i32
      %dma_wait3A_191 = tpu.memref_slice %arg5[%dma_wait3A_183, %dma_wait3A_190] : memref<200x128xi32, #tpu.memory_space<vmem>> -> memref<1x128xi32, #tpu.memory_space<vmem>>
      %dma_wait3A_192 = tpu.memref_squeeze %dma_wait3A_191 : memref<1x128xi32, #tpu.memory_space<vmem>> -> memref<128xi32, #tpu.memory_space<vmem>>
      %dma_wait3A_193 = arith.constant 0 : i32
      %dma_wait3A_194 = arith.constant 0 : i32
      %dma_wait3A_195 = tpu.memref_slice %arg3[%dma_wait3A_193, %dma_wait3A_194] : memref<500000x128xf32, #tpu.memory_space<hbm>> -> memref<500000x128xf32, #tpu.memory_space<hbm>>
      %dma_wait3A_196 = tpu.memref_slice %arg9[%dma_wait3A_185] : memref<2x!tpu.dma_semaphore, #tpu.memory_space<semaphore_mem>> -> memref<1x!tpu.dma_semaphore, #tpu.memory_space<semaphore_mem>>
      %dma_wait3A_197 = tpu.memref_squeeze %dma_wait3A_196 : memref<1x!tpu.dma_semaphore, #tpu.memory_space<semaphore_mem>> -> memref<!tpu.dma_semaphore, #tpu.memory_space<semaphore_mem>>
      tpu.wait_indirect_dma semaphore(%dma_wait3A_197 : memref<!tpu.dma_semaphore, #tpu.memory_space<semaphore_mem>>) src(%dma_wait3A_195 : memref<500000x128xf32, #tpu.memory_space<hbm>>) dst(%dma_wait3A_189 : memref<128x128xf32, #tpu.memory_space<vmem>>)
      %ge3A_198 = arith.constant 2 : i32
      %ge3A_199 = arith.cmpi sge, %add3A_182, %ge3A_198 : i32
      %convert_element_type3A_200 = arith.extui %ge3A_199 : i1 to i32
      %cond3A_201 = arith.constant 0 : i32
      %cond3A_202 = arith.cmpi ne, %convert_element_type3A_200, %cond3A_201 : i32
      scf.if %cond3A_202 {
        %dma_wait3A_258 = arith.constant 1 : i32
        %dma_wait3A_259 = arith.constant 0 : i32
        %dma_wait3A_260 = arith.constant 1 : i32
        %dma_wait3A_261 = arith.constant 0 : i32
        %dma_wait3A_262 = arith.constant 0 : i32
        %dma_wait3A_263 = tpu.memref_slice %arg8[%dma_wait3A_258, %dma_wait3A_261, %dma_wait3A_262] : memref<2x64x128xf32, #tpu.memory_space<vmem>> -> memref<1x64x128xf32, #tpu.memory_space<vmem>>
        %dma_wait3A_264 = tpu.memref_squeeze %dma_wait3A_263 : memref<1x64x128xf32, #tpu.memory_space<vmem>> -> memref<64x128xf32, #tpu.memory_space<vmem>>
        %dma_wait3A_265 = arith.constant 0 : i32
        %dma_wait3A_266 = tpu.memref_slice %arg4[%dma_wait3A_259, %dma_wait3A_265, %mul3A_2] : memref<200x64x4096xf32, #tpu.memory_space<hbm>> -> memref<1x64x128xf32, #tpu.memory_space<hbm>>
        %dma_wait3A_267 = tpu.memref_squeeze %dma_wait3A_266 : memref<1x64x128xf32, #tpu.memory_space<hbm>> -> memref<64x128xf32, #tpu.memory_space<hbm>>
        %dma_wait3A_268 = tpu.memref_slice %arg10[%dma_wait3A_260] : memref<2x!tpu.dma_semaphore, #tpu.memory_space<semaphore_mem>> -> memref<1x!tpu.dma_semaphore, #tpu.memory_space<semaphore_mem>>
        %dma_wait3A_269 = tpu.memref_squeeze %dma_wait3A_268 : memref<1x!tpu.dma_semaphore, #tpu.memory_space<semaphore_mem>> -> memref<!tpu.dma_semaphore, #tpu.memory_space<semaphore_mem>>
        %dma_wait3A_270 = arith.constant 0 : i32
        %dma_wait3A_271 = tpu.memref_slice %arg4[%dma_wait3A_259, %dma_wait3A_270, %mul3A_2] : memref<200x64x4096xf32, #tpu.memory_space<hbm>> -> memref<1x64x128xf32, #tpu.memory_space<hbm>>
        %dma_wait3A_272 = tpu.memref_squeeze %dma_wait3A_271 : memref<1x64x128xf32, #tpu.memory_space<hbm>> -> memref<64x128xf32, #tpu.memory_space<hbm>>
        %dma_wait3A_273 = arith.constant 0 : i32
        %dma_wait3A_274 = arith.constant 0 : i32
        %dma_wait3A_275 = tpu.memref_slice %arg8[%dma_wait3A_258, %dma_wait3A_273, %dma_wait3A_274] : memref<2x64x128xf32, #tpu.memory_space<vmem>> -> memref<1x64x128xf32, #tpu.memory_space<vmem>>
        %dma_wait3A_276 = tpu.memref_squeeze %dma_wait3A_275 : memref<1x64x128xf32, #tpu.memory_space<vmem>> -> memref<64x128xf32, #tpu.memory_space<vmem>>
        tpu.wait_dma2 semaphore(%dma_wait3A_269 : memref<!tpu.dma_semaphore, #tpu.memory_space<semaphore_mem>>) src(%dma_wait3A_276 : memref<64x128xf32, #tpu.memory_space<vmem>>) dst(%dma_wait3A_272 : memref<64x128xf32, #tpu.memory_space<hbm>>)
      } else {
      }
      %get3A_203 = arith.index_cast %add3A_182 : i32 to index
      %get3A_204 = arith.constant 0 : index
      %get3A_205 = tpu.vector_load %arg6[%get3A_203, %get3A_204] {strides = array<i32>} : memref<200x128xi32, #tpu.memory_space<vmem>>, vector<16xi32>,
      %get3A_206 = arith.index_cast %add3A_182 : i32 to index
      %get3A_207 = arith.constant 16 : index
      %get3A_208 = tpu.vector_load %arg6[%get3A_206, %get3A_207] {strides = array<i32>} : memref<200x128xi32, #tpu.memory_space<vmem>>, vector<16xi32>,
      %get3A_209 = arith.index_cast %add3A_182 : i32 to index
      %get3A_210 = arith.constant 32 : index
      %get3A_211 = tpu.vector_load %arg6[%get3A_209, %get3A_210] {strides = array<i32>} : memref<200x128xi32, #tpu.memory_space<vmem>>, vector<16xi32>,
      %get3A_212 = arith.index_cast %add3A_182 : i32 to index
      %get3A_213 = arith.constant 48 : index
      %get3A_214 = tpu.vector_load %arg6[%get3A_212, %get3A_213] {strides = array<i32>} : memref<200x128xi32, #tpu.memory_space<vmem>>, vector<16xi32>,
      %get3A_215 = arith.index_cast %add3A_182 : i32 to index
      %get3A_216 = arith.constant 64 : index
      %get3A_217 = tpu.vector_load %arg6[%get3A_215, %get3A_216] {strides = array<i32>} : memref<200x128xi32, #tpu.memory_space<vmem>>, vector<16xi32>,
      %get3A_218 = arith.index_cast %add3A_182 : i32 to index
      %get3A_219 = arith.constant 80 : index
      %get3A_220 = tpu.vector_load %arg6[%get3A_218, %get3A_219] {strides = array<i32>} : memref<200x128xi32, #tpu.memory_space<vmem>>, vector<16xi32>,
      %get3A_221 = arith.index_cast %add3A_182 : i32 to index
      %get3A_222 = arith.constant 96 : index
      %get3A_223 = tpu.vector_load %arg6[%get3A_221, %get3A_222] {strides = array<i32>} : memref<200x128xi32, #tpu.memory_space<vmem>>, vector<16xi32>,
      %get3A_224 = arith.index_cast %add3A_182 : i32 to index
      %get3A_225 = arith.constant 112 : index
      %get3A_226 = tpu.vector_load %arg6[%get3A_224, %get3A_225] {strides = array<i32>} : memref<200x128xi32, #tpu.memory_space<vmem>>, vector<16xi32>,
      %scan3A_227 = arith.constant 0 : i32
      %scan3A_228 = arith.constant 0 : i32
      %scan3A_229 = arith.constant 64 : i32
      %scan3A_230 = arith.addi %scan3A_228, %scan3A_229 : i32
      %scan3A_231 = arith.constant 1 : i32
      scf.for %scan3A_258 = %scan3A_228 to %scan3A_230 step %scan3A_231  : i32 {
        %add3A_259 = vector.broadcast %scan3A_258 : i32 to vector<16xi32>
        %add3A_260 = arith.addi %add3A_259, %iota3A : vector<16xi32>
        %and3A = arith.constant 63 : i32
        %and3A_261 = vector.broadcast %and3A : i32 to vector<16xi32>
        %and3A_262 = arith.andi %add3A_260, %and3A_261 : vector<16xi32>
        %add3A_263 = arith.addi %get3A_205, %and3A_262 : vector<16xi32>
        %gather3A = arith.constant 1 : i32
        %gather3A_264 = arith.constant 0 : i32
        %gather3A_265 = arith.constant 0 : i32
        %gather3A_266 = tpu.memref_slice %arg7[%gather3A, %gather3A_264, %gather3A_265] : memref<2x128x128xf32, #tpu.memory_space<vmem>> -> memref<1x128x128xf32, #tpu.memory_space<vmem>>
        %gather3A_267 = tpu.memref_squeeze %gather3A_266 : memref<1x128x128xf32, #tpu.memory_space<vmem>> -> memref<128x128xf32, #tpu.memory_space<vmem>>
        %gather3A_268 = tpu.vector_load_idx %gather3A_267[%add3A_5, %add3A_263] : memref<128x128xf32, #tpu.memory_space<vmem>>[vector<16xi32>, vector<16xi32>], vector<16xf32>,
        %scatter3A = arith.constant 1 : i32
        %scatter3A_269 = arith.constant 0 : i32
        %scatter3A_270 = arith.constant 0 : i32
        %scatter3A_271 = tpu.memref_slice %arg8[%scatter3A, %scatter3A_269, %scatter3A_270] : memref<2x64x128xf32, #tpu.memory_space<vmem>> -> memref<1x64x128xf32, #tpu.memory_space<vmem>>
        %scatter3A_272 = tpu.memref_squeeze %scatter3A_271 : memref<1x64x128xf32, #tpu.memory_space<vmem>> -> memref<64x128xf32, #tpu.memory_space<vmem>>
        tpu.vector_store_idx %scatter3A_272[%and3A_262, %add3A_5], %gather3A_268 : memref<64x128xf32, #tpu.memory_space<vmem>>[vector<16xi32>, vector<16xi32>], vector<16xf32>,
        %add3A_273 = arith.addi %get3A_208, %and3A_262 : vector<16xi32>
        %gather3A_274 = arith.constant 1 : i32
        %gather3A_275 = arith.constant 0 : i32
        %gather3A_276 = arith.constant 0 : i32
        %gather3A_277 = tpu.memref_slice %arg7[%gather3A_274, %gather3A_275, %gather3A_276] : memref<2x128x128xf32, #tpu.memory_space<vmem>> -> memref<1x128x128xf32, #tpu.memory_space<vmem>>
        %gather3A_278 = tpu.memref_squeeze %gather3A_277 : memref<1x128x128xf32, #tpu.memory_space<vmem>> -> memref<128x128xf32, #tpu.memory_space<vmem>>
        %gather3A_279 = tpu.vector_load_idx %gather3A_278[%add3A_8, %add3A_273] : memref<128x128xf32, #tpu.memory_space<vmem>>[vector<16xi32>, vector<16xi32>], vector<16xf32>,
        %scatter3A_280 = arith.constant 1 : i32
        %scatter3A_281 = arith.constant 0 : i32
        %scatter3A_282 = arith.constant 0 : i32
        %scatter3A_283 = tpu.memref_slice %arg8[%scatter3A_280, %scatter3A_281, %scatter3A_282] : memref<2x64x128xf32, #tpu.memory_space<vmem>> -> memref<1x64x128xf32, #tpu.memory_space<vmem>>
        %scatter3A_284 = tpu.memref_squeeze %scatter3A_283 : memref<1x64x128xf32, #tpu.memory_space<vmem>> -> memref<64x128xf32, #tpu.memory_space<vmem>>
        tpu.vector_store_idx %scatter3A_284[%and3A_262, %add3A_8], %gather3A_279 : memref<64x128xf32, #tpu.memory_space<vmem>>[vector<16xi32>, vector<16xi32>], vector<16xf32>,
        %add3A_285 = arith.addi %get3A_211, %and3A_262 : vector<16xi32>
        %gather3A_286 = arith.constant 1 : i32
        %gather3A_287 = arith.constant 0 : i32
        %gather3A_288 = arith.constant 0 : i32
        %gather3A_289 = tpu.memref_slice %arg7[%gather3A_286, %gather3A_287, %gather3A_288] : memref<2x128x128xf32, #tpu.memory_space<vmem>> -> memref<1x128x128xf32, #tpu.memory_space<vmem>>
        %gather3A_290 = tpu.memref_squeeze %gather3A_289 : memref<1x128x128xf32, #tpu.memory_space<vmem>> -> memref<128x128xf32, #tpu.memory_space<vmem>>
        %gather3A_291 = tpu.vector_load_idx %gather3A_290[%add3A_11, %add3A_285] : memref<128x128xf32, #tpu.memory_space<vmem>>[vector<16xi32>, vector<16xi32>], vector<16xf32>,
        %scatter3A_292 = arith.constant 1 : i32
        %scatter3A_293 = arith.constant 0 : i32
        %scatter3A_294 = arith.constant 0 : i32
        %scatter3A_295 = tpu.memref_slice %arg8[%scatter3A_292, %scatter3A_293, %scatter3A_294] : memref<2x64x128xf32, #tpu.memory_space<vmem>> -> memref<1x64x128xf32, #tpu.memory_space<vmem>>
        %scatter3A_296 = tpu.memref_squeeze %scatter3A_295 : memref<1x64x128xf32, #tpu.memory_space<vmem>> -> memref<64x128xf32, #tpu.memory_space<vmem>>
        tpu.vector_store_idx %scatter3A_296[%and3A_262, %add3A_11], %gather3A_291 : memref<64x128xf32, #tpu.memory_space<vmem>>[vector<16xi32>, vector<16xi32>], vector<16xf32>,
        %add3A_297 = arith.addi %get3A_214, %and3A_262 : vector<16xi32>
        %gather3A_298 = arith.constant 1 : i32
        %gather3A_299 = arith.constant 0 : i32
        %gather3A_300 = arith.constant 0 : i32
        %gather3A_301 = tpu.memref_slice %arg7[%gather3A_298, %gather3A_299, %gather3A_300] : memref<2x128x128xf32, #tpu.memory_space<vmem>> -> memref<1x128x128xf32, #tpu.memory_space<vmem>>
        %gather3A_302 = tpu.memref_squeeze %gather3A_301 : memref<1x128x128xf32, #tpu.memory_space<vmem>> -> memref<128x128xf32, #tpu.memory_space<vmem>>
        %gather3A_303 = tpu.vector_load_idx %gather3A_302[%add3A_14, %add3A_297] : memref<128x128xf32, #tpu.memory_space<vmem>>[vector<16xi32>, vector<16xi32>], vector<16xf32>,
        %scatter3A_304 = arith.constant 1 : i32
        %scatter3A_305 = arith.constant 0 : i32
        %scatter3A_306 = arith.constant 0 : i32
        %scatter3A_307 = tpu.memref_slice %arg8[%scatter3A_304, %scatter3A_305, %scatter3A_306] : memref<2x64x128xf32, #tpu.memory_space<vmem>> -> memref<1x64x128xf32, #tpu.memory_space<vmem>>
        %scatter3A_308 = tpu.memref_squeeze %scatter3A_307 : memref<1x64x128xf32, #tpu.memory_space<vmem>> -> memref<64x128xf32, #tpu.memory_space<vmem>>
        tpu.vector_store_idx %scatter3A_308[%and3A_262, %add3A_14], %gather3A_303 : memref<64x128xf32, #tpu.memory_space<vmem>>[vector<16xi32>, vector<16xi32>], vector<16xf32>,
        %add3A_309 = arith.addi %get3A_217, %and3A_262 : vector<16xi32>
        %gather3A_310 = arith.constant 1 : i32
        %gather3A_311 = arith.constant 0 : i32
        %gather3A_312 = arith.constant 0 : i32
        %gather3A_313 = tpu.memref_slice %arg7[%gather3A_310, %gather3A_311, %gather3A_312] : memref<2x128x128xf32, #tpu.memory_space<vmem>> -> memref<1x128x128xf32, #tpu.memory_space<vmem>>
        %gather3A_314 = tpu.memref_squeeze %gather3A_313 : memref<1x128x128xf32, #tpu.memory_space<vmem>> -> memref<128x128xf32, #tpu.memory_space<vmem>>
        %gather3A_315 = tpu.vector_load_idx %gather3A_314[%add3A_17, %add3A_309] : memref<128x128xf32, #tpu.memory_space<vmem>>[vector<16xi32>, vector<16xi32>], vector<16xf32>,
        %scatter3A_316 = arith.constant 1 : i32
        %scatter3A_317 = arith.constant 0 : i32
        %scatter3A_318 = arith.constant 0 : i32
        %scatter3A_319 = tpu.memref_slice %arg8[%scatter3A_316, %scatter3A_317, %scatter3A_318] : memref<2x64x128xf32, #tpu.memory_space<vmem>> -> memref<1x64x128xf32, #tpu.memory_space<vmem>>
        %scatter3A_320 = tpu.memref_squeeze %scatter3A_319 : memref<1x64x128xf32, #tpu.memory_space<vmem>> -> memref<64x128xf32, #tpu.memory_space<vmem>>
        tpu.vector_store_idx %scatter3A_320[%and3A_262, %add3A_17], %gather3A_315 : memref<64x128xf32, #tpu.memory_space<vmem>>[vector<16xi32>, vector<16xi32>], vector<16xf32>,
        %add3A_321 = arith.addi %get3A_220, %and3A_262 : vector<16xi32>
        %gather3A_322 = arith.constant 1 : i32
        %gather3A_323 = arith.constant 0 : i32
        %gather3A_324 = arith.constant 0 : i32
        %gather3A_325 = tpu.memref_slice %arg7[%gather3A_322, %gather3A_323, %gather3A_324] : memref<2x128x128xf32, #tpu.memory_space<vmem>> -> memref<1x128x128xf32, #tpu.memory_space<vmem>>
        %gather3A_326 = tpu.memref_squeeze %gather3A_325 : memref<1x128x128xf32, #tpu.memory_space<vmem>> -> memref<128x128xf32, #tpu.memory_space<vmem>>
        %gather3A_327 = tpu.vector_load_idx %gather3A_326[%add3A_20, %add3A_321] : memref<128x128xf32, #tpu.memory_space<vmem>>[vector<16xi32>, vector<16xi32>], vector<16xf32>,
        %scatter3A_328 = arith.constant 1 : i32
        %scatter3A_329 = arith.constant 0 : i32
        %scatter3A_330 = arith.constant 0 : i32
        %scatter3A_331 = tpu.memref_slice %arg8[%scatter3A_328, %scatter3A_329, %scatter3A_330] : memref<2x64x128xf32, #tpu.memory_space<vmem>> -> memref<1x64x128xf32, #tpu.memory_space<vmem>>
        %scatter3A_332 = tpu.memref_squeeze %scatter3A_331 : memref<1x64x128xf32, #tpu.memory_space<vmem>> -> memref<64x128xf32, #tpu.memory_space<vmem>>
        tpu.vector_store_idx %scatter3A_332[%and3A_262, %add3A_20], %gather3A_327 : memref<64x128xf32, #tpu.memory_space<vmem>>[vector<16xi32>, vector<16xi32>], vector<16xf32>,
        %add3A_333 = arith.addi %get3A_223, %and3A_262 : vector<16xi32>
        %gather3A_334 = arith.constant 1 : i32
        %gather3A_335 = arith.constant 0 : i32
        %gather3A_336 = arith.constant 0 : i32
        %gather3A_337 = tpu.memref_slice %arg7[%gather3A_334, %gather3A_335, %gather3A_336] : memref<2x128x128xf32, #tpu.memory_space<vmem>> -> memref<1x128x128xf32, #tpu.memory_space<vmem>>
        %gather3A_338 = tpu.memref_squeeze %gather3A_337 : memref<1x128x128xf32, #tpu.memory_space<vmem>> -> memref<128x128xf32, #tpu.memory_space<vmem>>
        %gather3A_339 = tpu.vector_load_idx %gather3A_338[%add3A_23, %add3A_333] : memref<128x128xf32, #tpu.memory_space<vmem>>[vector<16xi32>, vector<16xi32>], vector<16xf32>,
        %scatter3A_340 = arith.constant 1 : i32
        %scatter3A_341 = arith.constant 0 : i32
        %scatter3A_342 = arith.constant 0 : i32
        %scatter3A_343 = tpu.memref_slice %arg8[%scatter3A_340, %scatter3A_341, %scatter3A_342] : memref<2x64x128xf32, #tpu.memory_space<vmem>> -> memref<1x64x128xf32, #tpu.memory_space<vmem>>
        %scatter3A_344 = tpu.memref_squeeze %scatter3A_343 : memref<1x64x128xf32, #tpu.memory_space<vmem>> -> memref<64x128xf32, #tpu.memory_space<vmem>>
        tpu.vector_store_idx %scatter3A_344[%and3A_262, %add3A_23], %gather3A_339 : memref<64x128xf32, #tpu.memory_space<vmem>>[vector<16xi32>, vector<16xi32>], vector<16xf32>,
        %add3A_345 = arith.addi %get3A_226, %and3A_262 : vector<16xi32>
        %gather3A_346 = arith.constant 1 : i32
        %gather3A_347 = arith.constant 0 : i32
        %gather3A_348 = arith.constant 0 : i32
        %gather3A_349 = tpu.memref_slice %arg7[%gather3A_346, %gather3A_347, %gather3A_348] : memref<2x128x128xf32, #tpu.memory_space<vmem>> -> memref<1x128x128xf32, #tpu.memory_space<vmem>>
        %gather3A_350 = tpu.memref_squeeze %gather3A_349 : memref<1x128x128xf32, #tpu.memory_space<vmem>> -> memref<128x128xf32, #tpu.memory_space<vmem>>
        %gather3A_351 = tpu.vector_load_idx %gather3A_350[%add3A_26, %add3A_345] : memref<128x128xf32, #tpu.memory_space<vmem>>[vector<16xi32>, vector<16xi32>], vector<16xf32>,
        %scatter3A_352 = arith.constant 1 : i32
        %scatter3A_353 = arith.constant 0 : i32
        %scatter3A_354 = arith.constant 0 : i32
        %scatter3A_355 = tpu.memref_slice %arg8[%scatter3A_352, %scatter3A_353, %scatter3A_354] : memref<2x64x128xf32, #tpu.memory_space<vmem>> -> memref<1x64x128xf32, #tpu.memory_space<vmem>>
        %scatter3A_356 = tpu.memref_squeeze %scatter3A_355 : memref<1x64x128xf32, #tpu.memory_space<vmem>> -> memref<64x128xf32, #tpu.memory_space<vmem>>
        tpu.vector_store_idx %scatter3A_356[%and3A_262, %add3A_26], %gather3A_351 : memref<64x128xf32, #tpu.memory_space<vmem>>[vector<16xi32>, vector<16xi32>], vector<16xf32>,
      }
      %scan3A_232 = arith.constant 64 : i32
      %dma_start3A_233 = arith.constant 1 : i32
      %dma_start3A_234 = arith.constant 1 : i32
      %dma_start3A_235 = arith.constant 0 : i32
      %dma_start3A_236 = arith.constant 0 : i32
      %dma_start3A_237 = tpu.memref_slice %arg8[%dma_start3A_233, %dma_start3A_235, %dma_start3A_236] : memref<2x64x128xf32, #tpu.memory_space<vmem>> -> memref<1x64x128xf32, #tpu.memory_space<vmem>>
      %dma_start3A_238 = tpu.memref_squeeze %dma_start3A_237 : memref<1x64x128xf32, #tpu.memory_space<vmem>> -> memref<64x128xf32, #tpu.memory_space<vmem>>
      %dma_start3A_239 = arith.constant 0 : i32
      %dma_start3A_240 = tpu.memref_slice %arg4[%add3A_182, %dma_start3A_239, %mul3A_2] : memref<200x64x4096xf32, #tpu.memory_space<hbm>> -> memref<1x64x128xf32, #tpu.memory_space<hbm>>
      %dma_start3A_241 = tpu.memref_squeeze %dma_start3A_240 : memref<1x64x128xf32, #tpu.memory_space<hbm>> -> memref<64x128xf32, #tpu.memory_space<hbm>>
      %dma_start3A_242 = tpu.memref_slice %arg10[%dma_start3A_234] : memref<2x!tpu.dma_semaphore, #tpu.memory_space<semaphore_mem>> -> memref<1x!tpu.dma_semaphore, #tpu.memory_space<semaphore_mem>>
      %dma_start3A_243 = tpu.memref_squeeze %dma_start3A_242 : memref<1x!tpu.dma_semaphore, #tpu.memory_space<semaphore_mem>> -> memref<!tpu.dma_semaphore, #tpu.memory_space<semaphore_mem>>
      %dma_start3A_244 = arith.constant 0 : i32
      %dma_start3A_245 = tpu.memref_slice %arg4[%add3A_182, %dma_start3A_244, %mul3A_2] : memref<200x64x4096xf32, #tpu.memory_space<hbm>> -> memref<1x64x128xf32, #tpu.memory_space<hbm>>
      %dma_start3A_246 = tpu.memref_squeeze %dma_start3A_245 : memref<1x64x128xf32, #tpu.memory_space<hbm>> -> memref<64x128xf32, #tpu.memory_space<hbm>>
      %dma_start3A_247 = arith.constant 0 : i32
      %dma_start3A_248 = arith.constant 0 : i32
      %dma_start3A_249 = tpu.memref_slice %arg8[%dma_start3A_233, %dma_start3A_247, %dma_start3A_248] : memref<2x64x128xf32, #tpu.memory_space<vmem>> -> memref<1x64x128xf32, #tpu.memory_space<vmem>>
      %dma_start3A_250 = tpu.memref_squeeze %dma_start3A_249 : memref<1x64x128xf32, #tpu.memory_space<vmem>> -> memref<64x128xf32, #tpu.memory_space<vmem>>
      tpu.enqueue_dma source(%dma_start3A_250 : memref<64x128xf32, #tpu.memory_space<vmem>>) target(%dma_start3A_246 : memref<64x128xf32, #tpu.memory_space<hbm>>) target_semaphore(%dma_start3A_243 : memref<!tpu.dma_semaphore, #tpu.memory_space<semaphore_mem>>)
      %add3A_251 = arith.constant 2 : i32
      %add3A_252 = arith.addi %add3A_182, %add3A_251 : i32
      %lt3A_253 = arith.constant 200 : i32
      %lt3A_254 = arith.cmpi slt, %add3A_252, %lt3A_253 : i32
      %convert_element_type3A_255 = arith.extui %lt3A_254 : i1 to i32
      %cond3A_256 = arith.constant 0 : i32
      %cond3A_257 = arith.cmpi ne, %convert_element_type3A_255, %cond3A_256 : i32
      scf.if %cond3A_257 {
        %add3A_258 = arith.constant 2 : i32
        %add3A_259 = arith.addi %add3A_182, %add3A_258 : i32
        %dma_start3A_260 = arith.constant 1 : i32
        %dma_start3A_261 = arith.constant 1 : i32
        %dma_start3A_262 = arith.constant 0 : i32
        %dma_start3A_263 = arith.constant 0 : i32
        %dma_start3A_264 = tpu.memref_slice %arg7[%dma_start3A_260, %dma_start3A_262, %dma_start3A_263] : memref<2x128x128xf32, #tpu.memory_space<vmem>> -> memref<1x128x128xf32, #tpu.memory_space<vmem>>
        %dma_start3A_265 = tpu.memref_squeeze %dma_start3A_264 : memref<1x128x128xf32, #tpu.memory_space<vmem>> -> memref<128x128xf32, #tpu.memory_space<vmem>>
        %dma_start3A_266 = arith.constant 0 : i32
        %dma_start3A_267 = tpu.memref_slice %arg5[%add3A_259, %dma_start3A_266] : memref<200x128xi32, #tpu.memory_space<vmem>> -> memref<1x128xi32, #tpu.memory_space<vmem>>
        %dma_start3A_268 = tpu.memref_squeeze %dma_start3A_267 : memref<1x128xi32, #tpu.memory_space<vmem>> -> memref<128xi32, #tpu.memory_space<vmem>>
        %dma_start3A_269 = arith.constant 0 : i32
        %dma_start3A_270 = arith.constant 0 : i32
        %dma_start3A_271 = tpu.memref_slice %arg3[%dma_start3A_269, %dma_start3A_270] : memref<500000x128xf32, #tpu.memory_space<hbm>> -> memref<500000x128xf32, #tpu.memory_space<hbm>>
        %dma_start3A_272 = tpu.memref_slice %arg9[%dma_start3A_261] : memref<2x!tpu.dma_semaphore, #tpu.memory_space<semaphore_mem>> -> memref<1x!tpu.dma_semaphore, #tpu.memory_space<semaphore_mem>>
        %dma_start3A_273 = tpu.memref_squeeze %dma_start3A_272 : memref<1x!tpu.dma_semaphore, #tpu.memory_space<semaphore_mem>> -> memref<!tpu.dma_semaphore, #tpu.memory_space<semaphore_mem>>
        tpu.enqueue_indirect_dma source(%dma_start3A_271 : memref<500000x128xf32, #tpu.memory_space<hbm>>) target(%dma_start3A_265 : memref<128x128xf32, #tpu.memory_space<vmem>>) offsets(%dma_start3A_268 : memref<128xi32, #tpu.memory_space<vmem>>) semaphore(%dma_start3A_273 : memref<!tpu.dma_semaphore, #tpu.memory_space<semaphore_mem>>)
      } else {
      }
    }
    %scan3A_66 = arith.constant 100 : i32
    %dma_wait3A = arith.constant 0 : i32
    %dma_wait3A_67 = arith.constant 0 : i32
    %dma_wait3A_68 = arith.constant 0 : i32
    %dma_wait3A_69 = arith.constant 0 : i32
    %dma_wait3A_70 = arith.constant 0 : i32
    %dma_wait3A_71 = tpu.memref_slice %arg8[%dma_wait3A, %dma_wait3A_69, %dma_wait3A_70] : memref<2x64x128xf32, #tpu.memory_space<vmem>> -> memref<1x64x128xf32, #tpu.memory_space<vmem>>
    %dma_wait3A_72 = tpu.memref_squeeze %dma_wait3A_71 : memref<1x64x128xf32, #tpu.memory_space<vmem>> -> memref<64x128xf32, #tpu.memory_space<vmem>>
    %dma_wait3A_73 = arith.constant 0 : i32
    %dma_wait3A_74 = tpu.memref_slice %arg4[%dma_wait3A_67, %dma_wait3A_73, %mul3A_2] : memref<200x64x4096xf32, #tpu.memory_space<hbm>> -> memref<1x64x128xf32, #tpu.memory_space<hbm>>
    %dma_wait3A_75 = tpu.memref_squeeze %dma_wait3A_74 : memref<1x64x128xf32, #tpu.memory_space<hbm>> -> memref<64x128xf32, #tpu.memory_space<hbm>>
    %dma_wait3A_76 = tpu.memref_slice %arg10[%dma_wait3A_68] : memref<2x!tpu.dma_semaphore, #tpu.memory_space<semaphore_mem>> -> memref<1x!tpu.dma_semaphore, #tpu.memory_space<semaphore_mem>>
    %dma_wait3A_77 = tpu.memref_squeeze %dma_wait3A_76 : memref<1x!tpu.dma_semaphore, #tpu.memory_space<semaphore_mem>> -> memref<!tpu.dma_semaphore, #tpu.memory_space<semaphore_mem>>
    %dma_wait3A_78 = arith.constant 0 : i32
    %dma_wait3A_79 = tpu.memref_slice %arg4[%dma_wait3A_67, %dma_wait3A_78, %mul3A_2] : memref<200x64x4096xf32, #tpu.memory_space<hbm>> -> memref<1x64x128xf32, #tpu.memory_space<hbm>>
    %dma_wait3A_80 = tpu.memref_squeeze %dma_wait3A_79 : memref<1x64x128xf32, #tpu.memory_space<hbm>> -> memref<64x128xf32, #tpu.memory_space<hbm>>
    %dma_wait3A_81 = arith.constant 0 : i32
    %dma_wait3A_82 = arith.constant 0 : i32
    %dma_wait3A_83 = tpu.memref_slice %arg8[%dma_wait3A, %dma_wait3A_81, %dma_wait3A_82] : memref<2x64x128xf32, #tpu.memory_space<vmem>> -> memref<1x64x128xf32, #tpu.memory_space<vmem>>
    %dma_wait3A_84 = tpu.memref_squeeze %dma_wait3A_83 : memref<1x64x128xf32, #tpu.memory_space<vmem>> -> memref<64x128xf32, #tpu.memory_space<vmem>>
    tpu.wait_dma2 semaphore(%dma_wait3A_77 : memref<!tpu.dma_semaphore, #tpu.memory_space<semaphore_mem>>) src(%dma_wait3A_84 : memref<64x128xf32, #tpu.memory_space<vmem>>) dst(%dma_wait3A_80 : memref<64x128xf32, #tpu.memory_space<hbm>>)
    %dma_wait3A_85 = arith.constant 1 : i32
    %dma_wait3A_86 = arith.constant 0 : i32
    %dma_wait3A_87 = arith.constant 1 : i32
    %dma_wait3A_88 = arith.constant 0 : i32
    %dma_wait3A_89 = arith.constant 0 : i32
    %dma_wait3A_90 = tpu.memref_slice %arg8[%dma_wait3A_85, %dma_wait3A_88, %dma_wait3A_89] : memref<2x64x128xf32, #tpu.memory_space<vmem>> -> memref<1x64x128xf32, #tpu.memory_space<vmem>>
    %dma_wait3A_91 = tpu.memref_squeeze %dma_wait3A_90 : memref<1x64x128xf32, #tpu.memory_space<vmem>> -> memref<64x128xf32, #tpu.memory_space<vmem>>
    %dma_wait3A_92 = arith.constant 0 : i32
    %dma_wait3A_93 = tpu.memref_slice %arg4[%dma_wait3A_86, %dma_wait3A_92, %mul3A_2] : memref<200x64x4096xf32, #tpu.memory_space<hbm>> -> memref<1x64x128xf32, #tpu.memory_space<hbm>>
    %dma_wait3A_94 = tpu.memref_squeeze %dma_wait3A_93 : memref<1x64x128xf32, #tpu.memory_space<hbm>> -> memref<64x128xf32, #tpu.memory_space<hbm>>
    %dma_wait3A_95 = tpu.memref_slice %arg10[%dma_wait3A_87] : memref<2x!tpu.dma_semaphore, #tpu.memory_space<semaphore_mem>> -> memref<1x!tpu.dma_semaphore, #tpu.memory_space<semaphore_mem>>
    %dma_wait3A_96 = tpu.memref_squeeze %dma_wait3A_95 : memref<1x!tpu.dma_semaphore, #tpu.memory_space<semaphore_mem>> -> memref<!tpu.dma_semaphore, #tpu.memory_space<semaphore_mem>>
    %dma_wait3A_97 = arith.constant 0 : i32
    %dma_wait3A_98 = tpu.memref_slice %arg4[%dma_wait3A_86, %dma_wait3A_97, %mul3A_2] : memref<200x64x4096xf32, #tpu.memory_space<hbm>> -> memref<1x64x128xf32, #tpu.memory_space<hbm>>
    %dma_wait3A_99 = tpu.memref_squeeze %dma_wait3A_98 : memref<1x64x128xf32, #tpu.memory_space<hbm>> -> memref<64x128xf32, #tpu.memory_space<hbm>>
    %dma_wait3A_100 = arith.constant 0 : i32
    %dma_wait3A_101 = arith.constant 0 : i32
    %dma_wait3A_102 = tpu.memref_slice %arg8[%dma_wait3A_85, %dma_wait3A_100, %dma_wait3A_101] : memref<2x64x128xf32, #tpu.memory_space<vmem>> -> memref<1x64x128xf32, #tpu.memory_space<vmem>>
    %dma_wait3A_103 = tpu.memref_squeeze %dma_wait3A_102 : memref<1x64x128xf32, #tpu.memory_space<vmem>> -> memref<64x128xf32, #tpu.memory_space<vmem>>
    tpu.wait_dma2 semaphore(%dma_wait3A_96 : memref<!tpu.dma_semaphore, #tpu.memory_space<semaphore_mem>>) src(%dma_wait3A_103 : memref<64x128xf32, #tpu.memory_space<vmem>>) dst(%dma_wait3A_99 : memref<64x128xf32, #tpu.memory_space<hbm>>)
    return
  }
}

#map = affine_map<(d0, d1) -> (0, 0)>
#map1 = affine_map<(d0, d1) -> (0)>
module attributes {stable_mosaic.version = 14 : i64} {
  func.func @_fmt_body(%arg0: i32, %arg1: i32, %arg2: memref<64x1000000xf32, #tpu.memory_space<hbm>>, %arg3: memref<4096xf32, #tpu.memory_space<hbm>>, %arg4: memref<64000000xf32, #tpu.memory_space<hbm>>, %arg5: memref<64x256xf32, #tpu.memory_space<vmem>>, %arg6: memref<64x256xf32, #tpu.memory_space<vmem>>, %arg7: memref<64x256xf32, #tpu.memory_space<vmem>>, %arg8: memref<16384xf32, #tpu.memory_space<vmem>>, %arg9: memref<16384xf32, #tpu.memory_space<vmem>>, %arg10: memref<16384xf32, #tpu.memory_space<vmem>>, %arg11: memref<4096xf32, #tpu.memory_space<vmem>>, %arg12: memref<3x!tpu.dma_semaphore, #tpu.memory_space<semaphore_mem>>, %arg13: memref<3x!tpu.dma_semaphore, #tpu.memory_space<semaphore_mem>>) attributes {dimension_semantics = [#tpu.dimension_semantics<core_parallel>, #tpu.dimension_semantics<subcore_parallel>], iteration_bounds = array<i64: 2, 16>, scalar_prefetch = 0 : i64, scratch_operands = 9 : i64, tpu.core_type = #tpu.core_type<sc_vector_subcore>, window_params = [{transform_indices = #map}, {transform_indices = #map1}, {transform_indices = #map1}]} {
    %mul3A = arith.constant 2 : i32
    %mul3A_0 = arith.muli %arg1, %mul3A : i32
    %add3A = arith.addi %mul3A_0, %arg0 : i32
    %iota3A = tpu.iota {dimensions = array<i32: 0>} : vector<16xi32>
    %add3A_1 = arith.constant 0 : i32
    %add3A_2 = vector.broadcast %add3A_1 : i32 to vector<16xi32>
    %add3A_3 = arith.addi %iota3A, %add3A_2 : vector<16xi32>
    %add3A_4 = arith.constant 0 : i32
    %add3A_5 = vector.broadcast %add3A_4 : i32 to vector<16xi32>
    %add3A_6 = arith.addi %add3A_3, %add3A_5 : vector<16xi32>
    %add3A_7 = arith.constant 16 : i32
    %add3A_8 = vector.broadcast %add3A_7 : i32 to vector<16xi32>
    %add3A_9 = arith.addi %iota3A, %add3A_8 : vector<16xi32>
    %add3A_10 = arith.constant 0 : i32
    %add3A_11 = vector.broadcast %add3A_10 : i32 to vector<16xi32>
    %add3A_12 = arith.addi %add3A_9, %add3A_11 : vector<16xi32>
    %add3A_13 = arith.constant 32 : i32
    %add3A_14 = vector.broadcast %add3A_13 : i32 to vector<16xi32>
    %add3A_15 = arith.addi %iota3A, %add3A_14 : vector<16xi32>
    %add3A_16 = arith.constant 0 : i32
    %add3A_17 = vector.broadcast %add3A_16 : i32 to vector<16xi32>
    %add3A_18 = arith.addi %add3A_15, %add3A_17 : vector<16xi32>
    %add3A_19 = arith.constant 48 : i32
    %add3A_20 = vector.broadcast %add3A_19 : i32 to vector<16xi32>
    %add3A_21 = arith.addi %iota3A, %add3A_20 : vector<16xi32>
    %add3A_22 = arith.constant 0 : i32
    %add3A_23 = vector.broadcast %add3A_22 : i32 to vector<16xi32>
    %add3A_24 = arith.addi %add3A_21, %add3A_23 : vector<16xi32>
    %add3A_25 = arith.constant 64 : i32
    %add3A_26 = vector.broadcast %add3A_25 : i32 to vector<16xi32>
    %add3A_27 = arith.addi %iota3A, %add3A_26 : vector<16xi32>
    %add3A_28 = arith.constant 0 : i32
    %add3A_29 = vector.broadcast %add3A_28 : i32 to vector<16xi32>
    %add3A_30 = arith.addi %add3A_27, %add3A_29 : vector<16xi32>
    %add3A_31 = arith.constant 80 : i32
    %add3A_32 = vector.broadcast %add3A_31 : i32 to vector<16xi32>
    %add3A_33 = arith.addi %iota3A, %add3A_32 : vector<16xi32>
    %add3A_34 = arith.constant 0 : i32
    %add3A_35 = vector.broadcast %add3A_34 : i32 to vector<16xi32>
    %add3A_36 = arith.addi %add3A_33, %add3A_35 : vector<16xi32>
    %add3A_37 = arith.constant 96 : i32
    %add3A_38 = vector.broadcast %add3A_37 : i32 to vector<16xi32>
    %add3A_39 = arith.addi %iota3A, %add3A_38 : vector<16xi32>
    %add3A_40 = arith.constant 0 : i32
    %add3A_41 = vector.broadcast %add3A_40 : i32 to vector<16xi32>
    %add3A_42 = arith.addi %add3A_39, %add3A_41 : vector<16xi32>
    %add3A_43 = arith.constant 112 : i32
    %add3A_44 = vector.broadcast %add3A_43 : i32 to vector<16xi32>
    %add3A_45 = arith.addi %iota3A, %add3A_44 : vector<16xi32>
    %add3A_46 = arith.constant 0 : i32
    %add3A_47 = vector.broadcast %add3A_46 : i32 to vector<16xi32>
    %add3A_48 = arith.addi %add3A_45, %add3A_47 : vector<16xi32>
    %add3A_49 = arith.constant 0 : i32
    %add3A_50 = vector.broadcast %add3A_49 : i32 to vector<16xi32>
    %add3A_51 = arith.addi %iota3A, %add3A_50 : vector<16xi32>
    %add3A_52 = arith.constant 128 : i32
    %add3A_53 = vector.broadcast %add3A_52 : i32 to vector<16xi32>
    %add3A_54 = arith.addi %add3A_51, %add3A_53 : vector<16xi32>
    %add3A_55 = arith.constant 16 : i32
    %add3A_56 = vector.broadcast %add3A_55 : i32 to vector<16xi32>
    %add3A_57 = arith.addi %iota3A, %add3A_56 : vector<16xi32>
    %add3A_58 = arith.constant 128 : i32
    %add3A_59 = vector.broadcast %add3A_58 : i32 to vector<16xi32>
    %add3A_60 = arith.addi %add3A_57, %add3A_59 : vector<16xi32>
    %add3A_61 = arith.constant 32 : i32
    %add3A_62 = vector.broadcast %add3A_61 : i32 to vector<16xi32>
    %add3A_63 = arith.addi %iota3A, %add3A_62 : vector<16xi32>
    %add3A_64 = arith.constant 128 : i32
    %add3A_65 = vector.broadcast %add3A_64 : i32 to vector<16xi32>
    %add3A_66 = arith.addi %add3A_63, %add3A_65 : vector<16xi32>
    %add3A_67 = arith.constant 48 : i32
    %add3A_68 = vector.broadcast %add3A_67 : i32 to vector<16xi32>
    %add3A_69 = arith.addi %iota3A, %add3A_68 : vector<16xi32>
    %add3A_70 = arith.constant 128 : i32
    %add3A_71 = vector.broadcast %add3A_70 : i32 to vector<16xi32>
    %add3A_72 = arith.addi %add3A_69, %add3A_71 : vector<16xi32>
    %add3A_73 = arith.constant 64 : i32
    %add3A_74 = vector.broadcast %add3A_73 : i32 to vector<16xi32>
    %add3A_75 = arith.addi %iota3A, %add3A_74 : vector<16xi32>
    %add3A_76 = arith.constant 128 : i32
    %add3A_77 = vector.broadcast %add3A_76 : i32 to vector<16xi32>
    %add3A_78 = arith.addi %add3A_75, %add3A_77 : vector<16xi32>
    %add3A_79 = arith.constant 80 : i32
    %add3A_80 = vector.broadcast %add3A_79 : i32 to vector<16xi32>
    %add3A_81 = arith.addi %iota3A, %add3A_80 : vector<16xi32>
    %add3A_82 = arith.constant 128 : i32
    %add3A_83 = vector.broadcast %add3A_82 : i32 to vector<16xi32>
    %add3A_84 = arith.addi %add3A_81, %add3A_83 : vector<16xi32>
    %add3A_85 = arith.constant 96 : i32
    %add3A_86 = vector.broadcast %add3A_85 : i32 to vector<16xi32>
    %add3A_87 = arith.addi %iota3A, %add3A_86 : vector<16xi32>
    %add3A_88 = arith.constant 128 : i32
    %add3A_89 = vector.broadcast %add3A_88 : i32 to vector<16xi32>
    %add3A_90 = arith.addi %add3A_87, %add3A_89 : vector<16xi32>
    %add3A_91 = arith.constant 112 : i32
    %add3A_92 = vector.broadcast %add3A_91 : i32 to vector<16xi32>
    %add3A_93 = arith.addi %iota3A, %add3A_92 : vector<16xi32>
    %add3A_94 = arith.constant 128 : i32
    %add3A_95 = vector.broadcast %add3A_94 : i32 to vector<16xi32>
    %add3A_96 = arith.addi %add3A_93, %add3A_95 : vector<16xi32>
    %mul3A_97 = arith.constant 64 : i32
    %mul3A_98 = vector.broadcast %mul3A_97 : i32 to vector<16xi32>
    %mul3A_99 = arith.muli %iota3A, %mul3A_98 : vector<16xi32>
    %add3A_100 = arith.constant 0 : i32
    %add3A_101 = vector.broadcast %add3A_100 : i32 to vector<16xi32>
    %add3A_102 = arith.addi %mul3A_99, %add3A_101 : vector<16xi32>
    %mul3A_103 = arith.constant 64 : i32
    %mul3A_104 = vector.broadcast %mul3A_103 : i32 to vector<16xi32>
    %mul3A_105 = arith.muli %iota3A, %mul3A_104 : vector<16xi32>
    %add3A_106 = arith.constant 1024 : i32
    %add3A_107 = vector.broadcast %add3A_106 : i32 to vector<16xi32>
    %add3A_108 = arith.addi %mul3A_105, %add3A_107 : vector<16xi32>
    %mul3A_109 = arith.constant 64 : i32
    %mul3A_110 = vector.broadcast %mul3A_109 : i32 to vector<16xi32>
    %mul3A_111 = arith.muli %iota3A, %mul3A_110 : vector<16xi32>
    %add3A_112 = arith.constant 2048 : i32
    %add3A_113 = vector.broadcast %add3A_112 : i32 to vector<16xi32>
    %add3A_114 = arith.addi %mul3A_111, %add3A_113 : vector<16xi32>
    %mul3A_115 = arith.constant 64 : i32
    %mul3A_116 = vector.broadcast %mul3A_115 : i32 to vector<16xi32>
    %mul3A_117 = arith.muli %iota3A, %mul3A_116 : vector<16xi32>
    %add3A_118 = arith.constant 3072 : i32
    %add3A_119 = vector.broadcast %add3A_118 : i32 to vector<16xi32>
    %add3A_120 = arith.addi %mul3A_117, %add3A_119 : vector<16xi32>
    %mul3A_121 = arith.constant 64 : i32
    %mul3A_122 = vector.broadcast %mul3A_121 : i32 to vector<16xi32>
    %mul3A_123 = arith.muli %iota3A, %mul3A_122 : vector<16xi32>
    %add3A_124 = arith.constant 4096 : i32
    %add3A_125 = vector.broadcast %add3A_124 : i32 to vector<16xi32>
    %add3A_126 = arith.addi %mul3A_123, %add3A_125 : vector<16xi32>
    %mul3A_127 = arith.constant 64 : i32
    %mul3A_128 = vector.broadcast %mul3A_127 : i32 to vector<16xi32>
    %mul3A_129 = arith.muli %iota3A, %mul3A_128 : vector<16xi32>
    %add3A_130 = arith.constant 5120 : i32
    %add3A_131 = vector.broadcast %add3A_130 : i32 to vector<16xi32>
    %add3A_132 = arith.addi %mul3A_129, %add3A_131 : vector<16xi32>
    %mul3A_133 = arith.constant 64 : i32
    %mul3A_134 = vector.broadcast %mul3A_133 : i32 to vector<16xi32>
    %mul3A_135 = arith.muli %iota3A, %mul3A_134 : vector<16xi32>
    %add3A_136 = arith.constant 6144 : i32
    %add3A_137 = vector.broadcast %add3A_136 : i32 to vector<16xi32>
    %add3A_138 = arith.addi %mul3A_135, %add3A_137 : vector<16xi32>
    %mul3A_139 = arith.constant 64 : i32
    %mul3A_140 = vector.broadcast %mul3A_139 : i32 to vector<16xi32>
    %mul3A_141 = arith.muli %iota3A, %mul3A_140 : vector<16xi32>
    %add3A_142 = arith.constant 7168 : i32
    %add3A_143 = vector.broadcast %add3A_142 : i32 to vector<16xi32>
    %add3A_144 = arith.addi %mul3A_141, %add3A_143 : vector<16xi32>
    %mul3A_145 = arith.constant 64 : i32
    %mul3A_146 = vector.broadcast %mul3A_145 : i32 to vector<16xi32>
    %mul3A_147 = arith.muli %iota3A, %mul3A_146 : vector<16xi32>
    %add3A_148 = arith.constant 8192 : i32
    %add3A_149 = vector.broadcast %add3A_148 : i32 to vector<16xi32>
    %add3A_150 = arith.addi %mul3A_147, %add3A_149 : vector<16xi32>
    %mul3A_151 = arith.constant 64 : i32
    %mul3A_152 = vector.broadcast %mul3A_151 : i32 to vector<16xi32>
    %mul3A_153 = arith.muli %iota3A, %mul3A_152 : vector<16xi32>
    %add3A_154 = arith.constant 9216 : i32
    %add3A_155 = vector.broadcast %add3A_154 : i32 to vector<16xi32>
    %add3A_156 = arith.addi %mul3A_153, %add3A_155 : vector<16xi32>
    %mul3A_157 = arith.constant 64 : i32
    %mul3A_158 = vector.broadcast %mul3A_157 : i32 to vector<16xi32>
    %mul3A_159 = arith.muli %iota3A, %mul3A_158 : vector<16xi32>
    %add3A_160 = arith.constant 10240 : i32
    %add3A_161 = vector.broadcast %add3A_160 : i32 to vector<16xi32>
    %add3A_162 = arith.addi %mul3A_159, %add3A_161 : vector<16xi32>
    %mul3A_163 = arith.constant 64 : i32
    %mul3A_164 = vector.broadcast %mul3A_163 : i32 to vector<16xi32>
    %mul3A_165 = arith.muli %iota3A, %mul3A_164 : vector<16xi32>
    %add3A_166 = arith.constant 11264 : i32
    %add3A_167 = vector.broadcast %add3A_166 : i32 to vector<16xi32>
    %add3A_168 = arith.addi %mul3A_165, %add3A_167 : vector<16xi32>
    %mul3A_169 = arith.constant 64 : i32
    %mul3A_170 = vector.broadcast %mul3A_169 : i32 to vector<16xi32>
    %mul3A_171 = arith.muli %iota3A, %mul3A_170 : vector<16xi32>
    %add3A_172 = arith.constant 12288 : i32
    %add3A_173 = vector.broadcast %add3A_172 : i32 to vector<16xi32>
    %add3A_174 = arith.addi %mul3A_171, %add3A_173 : vector<16xi32>
    %mul3A_175 = arith.constant 64 : i32
    %mul3A_176 = vector.broadcast %mul3A_175 : i32 to vector<16xi32>
    %mul3A_177 = arith.muli %iota3A, %mul3A_176 : vector<16xi32>
    %add3A_178 = arith.constant 13312 : i32
    %add3A_179 = vector.broadcast %add3A_178 : i32 to vector<16xi32>
    %add3A_180 = arith.addi %mul3A_177, %add3A_179 : vector<16xi32>
    %mul3A_181 = arith.constant 64 : i32
    %mul3A_182 = vector.broadcast %mul3A_181 : i32 to vector<16xi32>
    %mul3A_183 = arith.muli %iota3A, %mul3A_182 : vector<16xi32>
    %add3A_184 = arith.constant 14336 : i32
    %add3A_185 = vector.broadcast %add3A_184 : i32 to vector<16xi32>
    %add3A_186 = arith.addi %mul3A_183, %add3A_185 : vector<16xi32>
    %mul3A_187 = arith.constant 64 : i32
    %mul3A_188 = vector.broadcast %mul3A_187 : i32 to vector<16xi32>
    %mul3A_189 = arith.muli %iota3A, %mul3A_188 : vector<16xi32>
    %add3A_190 = arith.constant 15360 : i32
    %add3A_191 = vector.broadcast %add3A_190 : i32 to vector<16xi32>
    %add3A_192 = arith.addi %mul3A_189, %add3A_191 : vector<16xi32>
    %mul3A_193 = arith.constant 256 : i32
    %mul3A_194 = arith.muli %add3A, %mul3A_193 : i32
    %dma_start3A = arith.constant 0 : i32
    %dma_start3A_195 = arith.constant 0 : i32
    %dma_start3A_196 = tpu.memref_slice %arg2[%dma_start3A_195, %mul3A_194] : memref<64x1000000xf32, #tpu.memory_space<hbm>> -> memref<64x256xf32, #tpu.memory_space<hbm>>
    %dma_start3A_197 = tpu.memref_slice %arg12[%dma_start3A] : memref<3x!tpu.dma_semaphore, #tpu.memory_space<semaphore_mem>> -> memref<1x!tpu.dma_semaphore, #tpu.memory_space<semaphore_mem>>
    %dma_start3A_198 = tpu.memref_squeeze %dma_start3A_197 : memref<1x!tpu.dma_semaphore, #tpu.memory_space<semaphore_mem>> -> memref<!tpu.dma_semaphore, #tpu.memory_space<semaphore_mem>>
    %dma_start3A_199 = arith.constant 0 : i32
    %dma_start3A_200 = tpu.memref_slice %arg2[%dma_start3A_199, %mul3A_194] : memref<64x1000000xf32, #tpu.memory_space<hbm>> -> memref<64x256xf32, #tpu.memory_space<hbm>>
    tpu.enqueue_dma source(%dma_start3A_200 : memref<64x256xf32, #tpu.memory_space<hbm>>) target(%arg5 : memref<64x256xf32, #tpu.memory_space<vmem>>) target_semaphore(%dma_start3A_198 : memref<!tpu.dma_semaphore, #tpu.memory_space<semaphore_mem>>)
    %add3A_201 = arith.constant 32 : i32
    %add3A_202 = arith.addi %add3A, %add3A_201 : i32
    %mul3A_203 = arith.constant 256 : i32
    %mul3A_204 = arith.muli %add3A_202, %mul3A_203 : i32
    %dma_start3A_205 = arith.constant 1 : i32
    %dma_start3A_206 = arith.constant 0 : i32
    %dma_start3A_207 = tpu.memref_slice %arg2[%dma_start3A_206, %mul3A_204] : memref<64x1000000xf32, #tpu.memory_space<hbm>> -> memref<64x256xf32, #tpu.memory_space<hbm>>
    %dma_start3A_208 = tpu.memref_slice %arg12[%dma_start3A_205] : memref<3x!tpu.dma_semaphore, #tpu.memory_space<semaphore_mem>> -> memref<1x!tpu.dma_semaphore, #tpu.memory_space<semaphore_mem>>
    %dma_start3A_209 = tpu.memref_squeeze %dma_start3A_208 : memref<1x!tpu.dma_semaphore, #tpu.memory_space<semaphore_mem>> -> memref<!tpu.dma_semaphore, #tpu.memory_space<semaphore_mem>>
    %dma_start3A_210 = arith.constant 0 : i32
    %dma_start3A_211 = tpu.memref_slice %arg2[%dma_start3A_210, %mul3A_204] : memref<64x1000000xf32, #tpu.memory_space<hbm>> -> memref<64x256xf32, #tpu.memory_space<hbm>>
    tpu.enqueue_dma source(%dma_start3A_211 : memref<64x256xf32, #tpu.memory_space<hbm>>) target(%arg6 : memref<64x256xf32, #tpu.memory_space<vmem>>) target_semaphore(%dma_start3A_209 : memref<!tpu.dma_semaphore, #tpu.memory_space<semaphore_mem>>)
    %scan3A = arith.constant 0 : i32
    %scan3A_212 = arith.constant 0 : i32
    %scan3A_213 = arith.constant 41 : i32
    %scan3A_214 = arith.addi %scan3A_212, %scan3A_213 : i32
    %scan3A_215 = arith.constant 1 : i32
    scf.for %scan3A_239 = %scan3A_212 to %scan3A_214 step %scan3A_215  : i32 {
      %mul3A_240 = arith.constant 3 : i32
      %mul3A_241 = arith.muli %scan3A_239, %mul3A_240 : i32
      %add3A_242 = arith.constant 0 : i32
      %add3A_243 = arith.addi %mul3A_241, %add3A_242 : i32
      %mul3A_244 = arith.constant 32 : i32
      %mul3A_245 = arith.muli %add3A_243, %mul3A_244 : i32
      %add3A_246 = arith.addi %add3A, %mul3A_245 : i32
      %lt3A = arith.constant 3906 : i32
      %lt3A_247 = arith.cmpi slt, %add3A_246, %lt3A : i32
      %convert_element_type3A_248 = arith.extui %lt3A_247 : i1 to i32
      %cond3A_249 = arith.constant 0 : i32
      %cond3A_250 = arith.cmpi ne, %convert_element_type3A_248, %cond3A_249 : i32
      scf.if %cond3A_250 {
        %add3A_275 = arith.constant 2 : i32
        %add3A_276 = arith.addi %add3A_243, %add3A_275 : i32
        %mul3A_277 = arith.constant 32 : i32
        %mul3A_278 = arith.muli %add3A_276, %mul3A_277 : i32
        %add3A_279 = arith.addi %add3A, %mul3A_278 : i32
        %lt3A_280 = arith.constant 3906 : i32
        %lt3A_281 = arith.cmpi slt, %add3A_279, %lt3A_280 : i32
        %convert_element_type3A_282 = arith.extui %lt3A_281 : i1 to i32
        %cond3A_283 = arith.constant 0 : i32
        %cond3A_284 = arith.cmpi ne, %convert_element_type3A_282, %cond3A_283 : i32
        scf.if %cond3A_284 {
          %mul3A_311 = arith.constant 256 : i32
          %mul3A_312 = arith.muli %add3A_279, %mul3A_311 : i32
          %dma_start3A_313 = arith.constant 2 : i32
          %dma_start3A_314 = arith.constant 0 : i32
          %dma_start3A_315 = tpu.memref_slice %arg2[%dma_start3A_314, %mul3A_312] : memref<64x1000000xf32, #tpu.memory_space<hbm>> -> memref<64x256xf32, #tpu.memory_space<hbm>>
          %dma_start3A_316 = tpu.memref_slice %arg12[%dma_start3A_313] : memref<3x!tpu.dma_semaphore, #tpu.memory_space<semaphore_mem>> -> memref<1x!tpu.dma_semaphore, #tpu.memory_space<semaphore_mem>>
          %dma_start3A_317 = tpu.memref_squeeze %dma_start3A_316 : memref<1x!tpu.dma_semaphore, #tpu.memory_space<semaphore_mem>> -> memref<!tpu.dma_semaphore, #tpu.memory_space<semaphore_mem>>
          %dma_start3A_318 = arith.constant 0 : i32
          %dma_start3A_319 = tpu.memref_slice %arg2[%dma_start3A_318, %mul3A_312] : memref<64x1000000xf32, #tpu.memory_space<hbm>> -> memref<64x256xf32, #tpu.memory_space<hbm>>
          tpu.enqueue_dma source(%dma_start3A_319 : memref<64x256xf32, #tpu.memory_space<hbm>>) target(%arg7 : memref<64x256xf32, #tpu.memory_space<vmem>>) target_semaphore(%dma_start3A_317 : memref<!tpu.dma_semaphore, #tpu.memory_space<semaphore_mem>>)
        } else {
        }
        %dma_wait3A_285 = arith.constant 0 : i32
        %dma_wait3A_286 = arith.constant 0 : i32
        %dma_wait3A_287 = arith.constant 0 : i32
        %dma_wait3A_288 = tpu.memref_slice %arg2[%dma_wait3A_286, %dma_wait3A_287] : memref<64x1000000xf32, #tpu.memory_space<hbm>> -> memref<64x256xf32, #tpu.memory_space<hbm>>
        %dma_wait3A_289 = tpu.memref_slice %arg12[%dma_wait3A_285] : memref<3x!tpu.dma_semaphore, #tpu.memory_space<semaphore_mem>> -> memref<1x!tpu.dma_semaphore, #tpu.memory_space<semaphore_mem>>
        %dma_wait3A_290 = tpu.memref_squeeze %dma_wait3A_289 : memref<1x!tpu.dma_semaphore, #tpu.memory_space<semaphore_mem>> -> memref<!tpu.dma_semaphore, #tpu.memory_space<semaphore_mem>>
        %dma_wait3A_291 = arith.constant 0 : i32
        %dma_wait3A_292 = arith.constant 0 : i32
        %dma_wait3A_293 = tpu.memref_slice %arg2[%dma_wait3A_291, %dma_wait3A_292] : memref<64x1000000xf32, #tpu.memory_space<hbm>> -> memref<64x256xf32, #tpu.memory_space<hbm>>
        tpu.wait_dma2 semaphore(%dma_wait3A_290 : memref<!tpu.dma_semaphore, #tpu.memory_space<semaphore_mem>>) src(%dma_wait3A_293 : memref<64x256xf32, #tpu.memory_space<hbm>>) dst(%arg5 : memref<64x256xf32, #tpu.memory_space<vmem>>)
        %ge3A = arith.constant 3 : i32
        %ge3A_294 = arith.cmpi sge, %add3A_243, %ge3A : i32
        %convert_element_type3A_295 = arith.extui %ge3A_294 : i1 to i32
        %cond3A_296 = arith.constant 0 : i32
        %cond3A_297 = arith.cmpi ne, %convert_element_type3A_295, %cond3A_296 : i32
        scf.if %cond3A_297 {
          %dma_wait3A_311 = arith.constant 0 : i32
          %dma_wait3A_312 = arith.constant 0 : i32
          %dma_wait3A_313 = tpu.memref_slice %arg4[%dma_wait3A_312] : memref<64000000xf32, #tpu.memory_space<hbm>> -> memref<16384xf32, #tpu.memory_space<hbm>>
          %dma_wait3A_314 = tpu.memref_slice %arg13[%dma_wait3A_311] : memref<3x!tpu.dma_semaphore, #tpu.memory_space<semaphore_mem>> -> memref<1x!tpu.dma_semaphore, #tpu.memory_space<semaphore_mem>>
          %dma_wait3A_315 = tpu.memref_squeeze %dma_wait3A_314 : memref<1x!tpu.dma_semaphore, #tpu.memory_space<semaphore_mem>> -> memref<!tpu.dma_semaphore, #tpu.memory_space<semaphore_mem>>
          %dma_wait3A_316 = arith.constant 0 : i32
          %dma_wait3A_317 = tpu.memref_slice %arg4[%dma_wait3A_316] : memref<64000000xf32, #tpu.memory_space<hbm>> -> memref<16384xf32, #tpu.memory_space<hbm>>
          tpu.wait_dma2 semaphore(%dma_wait3A_315 : memref<!tpu.dma_semaphore, #tpu.memory_space<semaphore_mem>>) src(%arg8 : memref<16384xf32, #tpu.memory_space<vmem>>) dst(%dma_wait3A_317 : memref<16384xf32, #tpu.memory_space<hbm>>)
        } else {
        }
        %scan3A_298 = arith.constant 0 : i32
        %scan3A_299 = arith.constant 0 : i32
        %scan3A_300 = arith.constant 64 : i32
        %scan3A_301 = arith.addi %scan3A_299, %scan3A_300 : i32
        %scan3A_302 = arith.constant 1 : i32
        scf.for %scan3A_311 = %scan3A_299 to %scan3A_301 step %scan3A_302  : i32 {
          %add3A_312 = vector.broadcast %scan3A_311 : i32 to vector<16xi32>
          %add3A_313 = arith.addi %add3A_312, %iota3A : vector<16xi32>
          %and3A = arith.constant 63 : i32
          %and3A_314 = vector.broadcast %and3A : i32 to vector<16xi32>
          %and3A_315 = arith.andi %add3A_313, %and3A_314 : vector<16xi32>
          %gather3A = tpu.vector_load_idx %arg5[%and3A_315, %add3A_6] : memref<64x256xf32, #tpu.memory_space<vmem>>[vector<16xi32>, vector<16xi32>], vector<16xf32>,
          %add3A_316 = arith.addi %add3A_102, %and3A_315 : vector<16xi32>
          tpu.vector_store_idx %arg8[%add3A_316], %gather3A : memref<16384xf32, #tpu.memory_space<vmem>>[vector<16xi32>], vector<16xf32>,
          %gather3A_317 = tpu.vector_load_idx %arg5[%and3A_315, %add3A_12] : memref<64x256xf32, #tpu.memory_space<vmem>>[vector<16xi32>, vector<16xi32>], vector<16xf32>,
          %add3A_318 = arith.addi %add3A_108, %and3A_315 : vector<16xi32>
          tpu.vector_store_idx %arg8[%add3A_318], %gather3A_317 : memref<16384xf32, #tpu.memory_space<vmem>>[vector<16xi32>], vector<16xf32>,
          %gather3A_319 = tpu.vector_load_idx %arg5[%and3A_315, %add3A_18] : memref<64x256xf32, #tpu.memory_space<vmem>>[vector<16xi32>, vector<16xi32>], vector<16xf32>,
          %add3A_320 = arith.addi %add3A_114, %and3A_315 : vector<16xi32>
          tpu.vector_store_idx %arg8[%add3A_320], %gather3A_319 : memref<16384xf32, #tpu.memory_space<vmem>>[vector<16xi32>], vector<16xf32>,
          %gather3A_321 = tpu.vector_load_idx %arg5[%and3A_315, %add3A_24] : memref<64x256xf32, #tpu.memory_space<vmem>>[vector<16xi32>, vector<16xi32>], vector<16xf32>,
          %add3A_322 = arith.addi %add3A_120, %and3A_315 : vector<16xi32>
          tpu.vector_store_idx %arg8[%add3A_322], %gather3A_321 : memref<16384xf32, #tpu.memory_space<vmem>>[vector<16xi32>], vector<16xf32>,
          %gather3A_323 = tpu.vector_load_idx %arg5[%and3A_315, %add3A_30] : memref<64x256xf32, #tpu.memory_space<vmem>>[vector<16xi32>, vector<16xi32>], vector<16xf32>,
          %add3A_324 = arith.addi %add3A_126, %and3A_315 : vector<16xi32>
          tpu.vector_store_idx %arg8[%add3A_324], %gather3A_323 : memref<16384xf32, #tpu.memory_space<vmem>>[vector<16xi32>], vector<16xf32>,
          %gather3A_325 = tpu.vector_load_idx %arg5[%and3A_315, %add3A_36] : memref<64x256xf32, #tpu.memory_space<vmem>>[vector<16xi32>, vector<16xi32>], vector<16xf32>,
          %add3A_326 = arith.addi %add3A_132, %and3A_315 : vector<16xi32>
          tpu.vector_store_idx %arg8[%add3A_326], %gather3A_325 : memref<16384xf32, #tpu.memory_space<vmem>>[vector<16xi32>], vector<16xf32>,
          %gather3A_327 = tpu.vector_load_idx %arg5[%and3A_315, %add3A_42] : memref<64x256xf32, #tpu.memory_space<vmem>>[vector<16xi32>, vector<16xi32>], vector<16xf32>,
          %add3A_328 = arith.addi %add3A_138, %and3A_315 : vector<16xi32>
          tpu.vector_store_idx %arg8[%add3A_328], %gather3A_327 : memref<16384xf32, #tpu.memory_space<vmem>>[vector<16xi32>], vector<16xf32>,
          %gather3A_329 = tpu.vector_load_idx %arg5[%and3A_315, %add3A_48] : memref<64x256xf32, #tpu.memory_space<vmem>>[vector<16xi32>, vector<16xi32>], vector<16xf32>,
          %add3A_330 = arith.addi %add3A_144, %and3A_315 : vector<16xi32>
          tpu.vector_store_idx %arg8[%add3A_330], %gather3A_329 : memref<16384xf32, #tpu.memory_space<vmem>>[vector<16xi32>], vector<16xf32>,
          %gather3A_331 = tpu.vector_load_idx %arg5[%and3A_315, %add3A_54] : memref<64x256xf32, #tpu.memory_space<vmem>>[vector<16xi32>, vector<16xi32>], vector<16xf32>,
          %add3A_332 = arith.addi %add3A_150, %and3A_315 : vector<16xi32>
          tpu.vector_store_idx %arg8[%add3A_332], %gather3A_331 : memref<16384xf32, #tpu.memory_space<vmem>>[vector<16xi32>], vector<16xf32>,
          %gather3A_333 = tpu.vector_load_idx %arg5[%and3A_315, %add3A_60] : memref<64x256xf32, #tpu.memory_space<vmem>>[vector<16xi32>, vector<16xi32>], vector<16xf32>,
          %add3A_334 = arith.addi %add3A_156, %and3A_315 : vector<16xi32>
          tpu.vector_store_idx %arg8[%add3A_334], %gather3A_333 : memref<16384xf32, #tpu.memory_space<vmem>>[vector<16xi32>], vector<16xf32>,
          %gather3A_335 = tpu.vector_load_idx %arg5[%and3A_315, %add3A_66] : memref<64x256xf32, #tpu.memory_space<vmem>>[vector<16xi32>, vector<16xi32>], vector<16xf32>,
          %add3A_336 = arith.addi %add3A_162, %and3A_315 : vector<16xi32>
          tpu.vector_store_idx %arg8[%add3A_336], %gather3A_335 : memref<16384xf32, #tpu.memory_space<vmem>>[vector<16xi32>], vector<16xf32>,
          %gather3A_337 = tpu.vector_load_idx %arg5[%and3A_315, %add3A_72] : memref<64x256xf32, #tpu.memory_space<vmem>>[vector<16xi32>, vector<16xi32>], vector<16xf32>,
          %add3A_338 = arith.addi %add3A_168, %and3A_315 : vector<16xi32>
          tpu.vector_store_idx %arg8[%add3A_338], %gather3A_337 : memref<16384xf32, #tpu.memory_space<vmem>>[vector<16xi32>], vector<16xf32>,
          %gather3A_339 = tpu.vector_load_idx %arg5[%and3A_315, %add3A_78] : memref<64x256xf32, #tpu.memory_space<vmem>>[vector<16xi32>, vector<16xi32>], vector<16xf32>,
          %add3A_340 = arith.addi %add3A_174, %and3A_315 : vector<16xi32>
          tpu.vector_store_idx %arg8[%add3A_340], %gather3A_339 : memref<16384xf32, #tpu.memory_space<vmem>>[vector<16xi32>], vector<16xf32>,
          %gather3A_341 = tpu.vector_load_idx %arg5[%and3A_315, %add3A_84] : memref<64x256xf32, #tpu.memory_space<vmem>>[vector<16xi32>, vector<16xi32>], vector<16xf32>,
          %add3A_342 = arith.addi %add3A_180, %and3A_315 : vector<16xi32>
          tpu.vector_store_idx %arg8[%add3A_342], %gather3A_341 : memref<16384xf32, #tpu.memory_space<vmem>>[vector<16xi32>], vector<16xf32>,
          %gather3A_343 = tpu.vector_load_idx %arg5[%and3A_315, %add3A_90] : memref<64x256xf32, #tpu.memory_space<vmem>>[vector<16xi32>, vector<16xi32>], vector<16xf32>,
          %add3A_344 = arith.addi %add3A_186, %and3A_315 : vector<16xi32>
          tpu.vector_store_idx %arg8[%add3A_344], %gather3A_343 : memref<16384xf32, #tpu.memory_space<vmem>>[vector<16xi32>], vector<16xf32>,
          %gather3A_345 = tpu.vector_load_idx %arg5[%and3A_315, %add3A_96] : memref<64x256xf32, #tpu.memory_space<vmem>>[vector<16xi32>, vector<16xi32>], vector<16xf32>,
          %add3A_346 = arith.addi %add3A_192, %and3A_315 : vector<16xi32>
          tpu.vector_store_idx %arg8[%add3A_346], %gather3A_345 : memref<16384xf32, #tpu.memory_space<vmem>>[vector<16xi32>], vector<16xf32>,
        }
        %scan3A_303 = arith.constant 64 : i32
        %mul3A_304 = arith.constant 16384 : i32
        %mul3A_305 = arith.muli %add3A_246, %mul3A_304 : i32
        %dma_start3A_306 = arith.constant 0 : i32
        %dma_start3A_307 = tpu.memref_slice %arg4[%mul3A_305] : memref<64000000xf32, #tpu.memory_space<hbm>> -> memref<16384xf32, #tpu.memory_space<hbm>>
        %dma_start3A_308 = tpu.memref_slice %arg13[%dma_start3A_306] : memref<3x!tpu.dma_semaphore, #tpu.memory_space<semaphore_mem>> -> memref<1x!tpu.dma_semaphore, #tpu.memory_space<semaphore_mem>>
        %dma_start3A_309 = tpu.memref_squeeze %dma_start3A_308 : memref<1x!tpu.dma_semaphore, #tpu.memory_space<semaphore_mem>> -> memref<!tpu.dma_semaphore, #tpu.memory_space<semaphore_mem>>
        %dma_start3A_310 = tpu.memref_slice %arg4[%mul3A_305] : memref<64000000xf32, #tpu.memory_space<hbm>> -> memref<16384xf32, #tpu.memory_space<hbm>>
        tpu.enqueue_dma source(%arg8 : memref<16384xf32, #tpu.memory_space<vmem>>) target(%dma_start3A_310 : memref<16384xf32, #tpu.memory_space<hbm>>) target_semaphore(%dma_start3A_309 : memref<!tpu.dma_semaphore, #tpu.memory_space<semaphore_mem>>)
      } else {
      }
      %mul3A_251 = arith.constant 3 : i32
      %mul3A_252 = arith.muli %scan3A_239, %mul3A_251 : i32
      %add3A_253 = arith.constant 1 : i32
      %add3A_254 = arith.addi %mul3A_252, %add3A_253 : i32
      %mul3A_255 = arith.constant 32 : i32
      %mul3A_256 = arith.muli %add3A_254, %mul3A_255 : i32
      %add3A_257 = arith.addi %add3A, %mul3A_256 : i32
      %lt3A_258 = arith.constant 3906 : i32
      %lt3A_259 = arith.cmpi slt, %add3A_257, %lt3A_258 : i32
      %convert_element_type3A_260 = arith.extui %lt3A_259 : i1 to i32
      %cond3A_261 = arith.constant 0 : i32
      %cond3A_262 = arith.cmpi ne, %convert_element_type3A_260, %cond3A_261 : i32
      scf.if %cond3A_262 {
        %add3A_275 = arith.constant 2 : i32
        %add3A_276 = arith.addi %add3A_254, %add3A_275 : i32
        %mul3A_277 = arith.constant 32 : i32
        %mul3A_278 = arith.muli %add3A_276, %mul3A_277 : i32
        %add3A_279 = arith.addi %add3A, %mul3A_278 : i32
        %lt3A_280 = arith.constant 3906 : i32
        %lt3A_281 = arith.cmpi slt, %add3A_279, %lt3A_280 : i32
        %convert_element_type3A_282 = arith.extui %lt3A_281 : i1 to i32
        %cond3A_283 = arith.constant 0 : i32
        %cond3A_284 = arith.cmpi ne, %convert_element_type3A_282, %cond3A_283 : i32
        scf.if %cond3A_284 {
          %mul3A_311 = arith.constant 256 : i32
          %mul3A_312 = arith.muli %add3A_279, %mul3A_311 : i32
          %dma_start3A_313 = arith.constant 0 : i32
          %dma_start3A_314 = arith.constant 0 : i32
          %dma_start3A_315 = tpu.memref_slice %arg2[%dma_start3A_314, %mul3A_312] : memref<64x1000000xf32, #tpu.memory_space<hbm>> -> memref<64x256xf32, #tpu.memory_space<hbm>>
          %dma_start3A_316 = tpu.memref_slice %arg12[%dma_start3A_313] : memref<3x!tpu.dma_semaphore, #tpu.memory_space<semaphore_mem>> -> memref<1x!tpu.dma_semaphore, #tpu.memory_space<semaphore_mem>>
          %dma_start3A_317 = tpu.memref_squeeze %dma_start3A_316 : memref<1x!tpu.dma_semaphore, #tpu.memory_space<semaphore_mem>> -> memref<!tpu.dma_semaphore, #tpu.memory_space<semaphore_mem>>
          %dma_start3A_318 = arith.constant 0 : i32
          %dma_start3A_319 = tpu.memref_slice %arg2[%dma_start3A_318, %mul3A_312] : memref<64x1000000xf32, #tpu.memory_space<hbm>> -> memref<64x256xf32, #tpu.memory_space<hbm>>
          tpu.enqueue_dma source(%dma_start3A_319 : memref<64x256xf32, #tpu.memory_space<hbm>>) target(%arg5 : memref<64x256xf32, #tpu.memory_space<vmem>>) target_semaphore(%dma_start3A_317 : memref<!tpu.dma_semaphore, #tpu.memory_space<semaphore_mem>>)
        } else {
        }
        %dma_wait3A_285 = arith.constant 1 : i32
        %dma_wait3A_286 = arith.constant 0 : i32
        %dma_wait3A_287 = arith.constant 0 : i32
        %dma_wait3A_288 = tpu.memref_slice %arg2[%dma_wait3A_286, %dma_wait3A_287] : memref<64x1000000xf32, #tpu.memory_space<hbm>> -> memref<64x256xf32, #tpu.memory_space<hbm>>
        %dma_wait3A_289 = tpu.memref_slice %arg12[%dma_wait3A_285] : memref<3x!tpu.dma_semaphore, #tpu.memory_space<semaphore_mem>> -> memref<1x!tpu.dma_semaphore, #tpu.memory_space<semaphore_mem>>
        %dma_wait3A_290 = tpu.memref_squeeze %dma_wait3A_289 : memref<1x!tpu.dma_semaphore, #tpu.memory_space<semaphore_mem>> -> memref<!tpu.dma_semaphore, #tpu.memory_space<semaphore_mem>>
        %dma_wait3A_291 = arith.constant 0 : i32
        %dma_wait3A_292 = arith.constant 0 : i32
        %dma_wait3A_293 = tpu.memref_slice %arg2[%dma_wait3A_291, %dma_wait3A_292] : memref<64x1000000xf32, #tpu.memory_space<hbm>> -> memref<64x256xf32, #tpu.memory_space<hbm>>
        tpu.wait_dma2 semaphore(%dma_wait3A_290 : memref<!tpu.dma_semaphore, #tpu.memory_space<semaphore_mem>>) src(%dma_wait3A_293 : memref<64x256xf32, #tpu.memory_space<hbm>>) dst(%arg6 : memref<64x256xf32, #tpu.memory_space<vmem>>)
        %ge3A = arith.constant 3 : i32
        %ge3A_294 = arith.cmpi sge, %add3A_254, %ge3A : i32
        %convert_element_type3A_295 = arith.extui %ge3A_294 : i1 to i32
        %cond3A_296 = arith.constant 0 : i32
        %cond3A_297 = arith.cmpi ne, %convert_element_type3A_295, %cond3A_296 : i32
        scf.if %cond3A_297 {
          %dma_wait3A_311 = arith.constant 1 : i32
          %dma_wait3A_312 = arith.constant 0 : i32
          %dma_wait3A_313 = tpu.memref_slice %arg4[%dma_wait3A_312] : memref<64000000xf32, #tpu.memory_space<hbm>> -> memref<16384xf32, #tpu.memory_space<hbm>>
          %dma_wait3A_314 = tpu.memref_slice %arg13[%dma_wait3A_311] : memref<3x!tpu.dma_semaphore, #tpu.memory_space<semaphore_mem>> -> memref<1x!tpu.dma_semaphore, #tpu.memory_space<semaphore_mem>>
          %dma_wait3A_315 = tpu.memref_squeeze %dma_wait3A_314 : memref<1x!tpu.dma_semaphore, #tpu.memory_space<semaphore_mem>> -> memref<!tpu.dma_semaphore, #tpu.memory_space<semaphore_mem>>
          %dma_wait3A_316 = arith.constant 0 : i32
          %dma_wait3A_317 = tpu.memref_slice %arg4[%dma_wait3A_316] : memref<64000000xf32, #tpu.memory_space<hbm>> -> memref<16384xf32, #tpu.memory_space<hbm>>
          tpu.wait_dma2 semaphore(%dma_wait3A_315 : memref<!tpu.dma_semaphore, #tpu.memory_space<semaphore_mem>>) src(%arg9 : memref<16384xf32, #tpu.memory_space<vmem>>) dst(%dma_wait3A_317 : memref<16384xf32, #tpu.memory_space<hbm>>)
        } else {
        }
        %scan3A_298 = arith.constant 0 : i32
        %scan3A_299 = arith.constant 0 : i32
        %scan3A_300 = arith.constant 64 : i32
        %scan3A_301 = arith.addi %scan3A_299, %scan3A_300 : i32
        %scan3A_302 = arith.constant 1 : i32
        scf.for %scan3A_311 = %scan3A_299 to %scan3A_301 step %scan3A_302  : i32 {
          %add3A_312 = vector.broadcast %scan3A_311 : i32 to vector<16xi32>
          %add3A_313 = arith.addi %add3A_312, %iota3A : vector<16xi32>
          %and3A = arith.constant 63 : i32
          %and3A_314 = vector.broadcast %and3A : i32 to vector<16xi32>
          %and3A_315 = arith.andi %add3A_313, %and3A_314 : vector<16xi32>
          %gather3A = tpu.vector_load_idx %arg6[%and3A_315, %add3A_6] : memref<64x256xf32, #tpu.memory_space<vmem>>[vector<16xi32>, vector<16xi32>], vector<16xf32>,
          %add3A_316 = arith.addi %add3A_102, %and3A_315 : vector<16xi32>
          tpu.vector_store_idx %arg9[%add3A_316], %gather3A : memref<16384xf32, #tpu.memory_space<vmem>>[vector<16xi32>], vector<16xf32>,
          %gather3A_317 = tpu.vector_load_idx %arg6[%and3A_315, %add3A_12] : memref<64x256xf32, #tpu.memory_space<vmem>>[vector<16xi32>, vector<16xi32>], vector<16xf32>,
          %add3A_318 = arith.addi %add3A_108, %and3A_315 : vector<16xi32>
          tpu.vector_store_idx %arg9[%add3A_318], %gather3A_317 : memref<16384xf32, #tpu.memory_space<vmem>>[vector<16xi32>], vector<16xf32>,
          %gather3A_319 = tpu.vector_load_idx %arg6[%and3A_315, %add3A_18] : memref<64x256xf32, #tpu.memory_space<vmem>>[vector<16xi32>, vector<16xi32>], vector<16xf32>,
          %add3A_320 = arith.addi %add3A_114, %and3A_315 : vector<16xi32>
          tpu.vector_store_idx %arg9[%add3A_320], %gather3A_319 : memref<16384xf32, #tpu.memory_space<vmem>>[vector<16xi32>], vector<16xf32>,
          %gather3A_321 = tpu.vector_load_idx %arg6[%and3A_315, %add3A_24] : memref<64x256xf32, #tpu.memory_space<vmem>>[vector<16xi32>, vector<16xi32>], vector<16xf32>,
          %add3A_322 = arith.addi %add3A_120, %and3A_315 : vector<16xi32>
          tpu.vector_store_idx %arg9[%add3A_322], %gather3A_321 : memref<16384xf32, #tpu.memory_space<vmem>>[vector<16xi32>], vector<16xf32>,
          %gather3A_323 = tpu.vector_load_idx %arg6[%and3A_315, %add3A_30] : memref<64x256xf32, #tpu.memory_space<vmem>>[vector<16xi32>, vector<16xi32>], vector<16xf32>,
          %add3A_324 = arith.addi %add3A_126, %and3A_315 : vector<16xi32>
          tpu.vector_store_idx %arg9[%add3A_324], %gather3A_323 : memref<16384xf32, #tpu.memory_space<vmem>>[vector<16xi32>], vector<16xf32>,
          %gather3A_325 = tpu.vector_load_idx %arg6[%and3A_315, %add3A_36] : memref<64x256xf32, #tpu.memory_space<vmem>>[vector<16xi32>, vector<16xi32>], vector<16xf32>,
          %add3A_326 = arith.addi %add3A_132, %and3A_315 : vector<16xi32>
          tpu.vector_store_idx %arg9[%add3A_326], %gather3A_325 : memref<16384xf32, #tpu.memory_space<vmem>>[vector<16xi32>], vector<16xf32>,
          %gather3A_327 = tpu.vector_load_idx %arg6[%and3A_315, %add3A_42] : memref<64x256xf32, #tpu.memory_space<vmem>>[vector<16xi32>, vector<16xi32>], vector<16xf32>,
          %add3A_328 = arith.addi %add3A_138, %and3A_315 : vector<16xi32>
          tpu.vector_store_idx %arg9[%add3A_328], %gather3A_327 : memref<16384xf32, #tpu.memory_space<vmem>>[vector<16xi32>], vector<16xf32>,
          %gather3A_329 = tpu.vector_load_idx %arg6[%and3A_315, %add3A_48] : memref<64x256xf32, #tpu.memory_space<vmem>>[vector<16xi32>, vector<16xi32>], vector<16xf32>,
          %add3A_330 = arith.addi %add3A_144, %and3A_315 : vector<16xi32>
          tpu.vector_store_idx %arg9[%add3A_330], %gather3A_329 : memref<16384xf32, #tpu.memory_space<vmem>>[vector<16xi32>], vector<16xf32>,
          %gather3A_331 = tpu.vector_load_idx %arg6[%and3A_315, %add3A_54] : memref<64x256xf32, #tpu.memory_space<vmem>>[vector<16xi32>, vector<16xi32>], vector<16xf32>,
          %add3A_332 = arith.addi %add3A_150, %and3A_315 : vector<16xi32>
          tpu.vector_store_idx %arg9[%add3A_332], %gather3A_331 : memref<16384xf32, #tpu.memory_space<vmem>>[vector<16xi32>], vector<16xf32>,
          %gather3A_333 = tpu.vector_load_idx %arg6[%and3A_315, %add3A_60] : memref<64x256xf32, #tpu.memory_space<vmem>>[vector<16xi32>, vector<16xi32>], vector<16xf32>,
          %add3A_334 = arith.addi %add3A_156, %and3A_315 : vector<16xi32>
          tpu.vector_store_idx %arg9[%add3A_334], %gather3A_333 : memref<16384xf32, #tpu.memory_space<vmem>>[vector<16xi32>], vector<16xf32>,
          %gather3A_335 = tpu.vector_load_idx %arg6[%and3A_315, %add3A_66] : memref<64x256xf32, #tpu.memory_space<vmem>>[vector<16xi32>, vector<16xi32>], vector<16xf32>,
          %add3A_336 = arith.addi %add3A_162, %and3A_315 : vector<16xi32>
          tpu.vector_store_idx %arg9[%add3A_336], %gather3A_335 : memref<16384xf32, #tpu.memory_space<vmem>>[vector<16xi32>], vector<16xf32>,
          %gather3A_337 = tpu.vector_load_idx %arg6[%and3A_315, %add3A_72] : memref<64x256xf32, #tpu.memory_space<vmem>>[vector<16xi32>, vector<16xi32>], vector<16xf32>,
          %add3A_338 = arith.addi %add3A_168, %and3A_315 : vector<16xi32>
          tpu.vector_store_idx %arg9[%add3A_338], %gather3A_337 : memref<16384xf32, #tpu.memory_space<vmem>>[vector<16xi32>], vector<16xf32>,
          %gather3A_339 = tpu.vector_load_idx %arg6[%and3A_315, %add3A_78] : memref<64x256xf32, #tpu.memory_space<vmem>>[vector<16xi32>, vector<16xi32>], vector<16xf32>,
          %add3A_340 = arith.addi %add3A_174, %and3A_315 : vector<16xi32>
          tpu.vector_store_idx %arg9[%add3A_340], %gather3A_339 : memref<16384xf32, #tpu.memory_space<vmem>>[vector<16xi32>], vector<16xf32>,
          %gather3A_341 = tpu.vector_load_idx %arg6[%and3A_315, %add3A_84] : memref<64x256xf32, #tpu.memory_space<vmem>>[vector<16xi32>, vector<16xi32>], vector<16xf32>,
          %add3A_342 = arith.addi %add3A_180, %and3A_315 : vector<16xi32>
          tpu.vector_store_idx %arg9[%add3A_342], %gather3A_341 : memref<16384xf32, #tpu.memory_space<vmem>>[vector<16xi32>], vector<16xf32>,
          %gather3A_343 = tpu.vector_load_idx %arg6[%and3A_315, %add3A_90] : memref<64x256xf32, #tpu.memory_space<vmem>>[vector<16xi32>, vector<16xi32>], vector<16xf32>,
          %add3A_344 = arith.addi %add3A_186, %and3A_315 : vector<16xi32>
          tpu.vector_store_idx %arg9[%add3A_344], %gather3A_343 : memref<16384xf32, #tpu.memory_space<vmem>>[vector<16xi32>], vector<16xf32>,
          %gather3A_345 = tpu.vector_load_idx %arg6[%and3A_315, %add3A_96] : memref<64x256xf32, #tpu.memory_space<vmem>>[vector<16xi32>, vector<16xi32>], vector<16xf32>,
          %add3A_346 = arith.addi %add3A_192, %and3A_315 : vector<16xi32>
          tpu.vector_store_idx %arg9[%add3A_346], %gather3A_345 : memref<16384xf32, #tpu.memory_space<vmem>>[vector<16xi32>], vector<16xf32>,
        }
        %scan3A_303 = arith.constant 64 : i32
        %mul3A_304 = arith.constant 16384 : i32
        %mul3A_305 = arith.muli %add3A_257, %mul3A_304 : i32
        %dma_start3A_306 = arith.constant 1 : i32
        %dma_start3A_307 = tpu.memref_slice %arg4[%mul3A_305] : memref<64000000xf32, #tpu.memory_space<hbm>> -> memref<16384xf32, #tpu.memory_space<hbm>>
        %dma_start3A_308 = tpu.memref_slice %arg13[%dma_start3A_306] : memref<3x!tpu.dma_semaphore, #tpu.memory_space<semaphore_mem>> -> memref<1x!tpu.dma_semaphore, #tpu.memory_space<semaphore_mem>>
        %dma_start3A_309 = tpu.memref_squeeze %dma_start3A_308 : memref<1x!tpu.dma_semaphore, #tpu.memory_space<semaphore_mem>> -> memref<!tpu.dma_semaphore, #tpu.memory_space<semaphore_mem>>
        %dma_start3A_310 = tpu.memref_slice %arg4[%mul3A_305] : memref<64000000xf32, #tpu.memory_space<hbm>> -> memref<16384xf32, #tpu.memory_space<hbm>>
        tpu.enqueue_dma source(%arg9 : memref<16384xf32, #tpu.memory_space<vmem>>) target(%dma_start3A_310 : memref<16384xf32, #tpu.memory_space<hbm>>) target_semaphore(%dma_start3A_309 : memref<!tpu.dma_semaphore, #tpu.memory_space<semaphore_mem>>)
      } else {
      }
      %mul3A_263 = arith.constant 3 : i32
      %mul3A_264 = arith.muli %scan3A_239, %mul3A_263 : i32
      %add3A_265 = arith.constant 2 : i32
      %add3A_266 = arith.addi %mul3A_264, %add3A_265 : i32
      %mul3A_267 = arith.constant 32 : i32
      %mul3A_268 = arith.muli %add3A_266, %mul3A_267 : i32
      %add3A_269 = arith.addi %add3A, %mul3A_268 : i32
      %lt3A_270 = arith.constant 3906 : i32
      %lt3A_271 = arith.cmpi slt, %add3A_269, %lt3A_270 : i32
      %convert_element_type3A_272 = arith.extui %lt3A_271 : i1 to i32
      %cond3A_273 = arith.constant 0 : i32
      %cond3A_274 = arith.cmpi ne, %convert_element_type3A_272, %cond3A_273 : i32
      scf.if %cond3A_274 {
        %add3A_275 = arith.constant 2 : i32
        %add3A_276 = arith.addi %add3A_266, %add3A_275 : i32
        %mul3A_277 = arith.constant 32 : i32
        %mul3A_278 = arith.muli %add3A_276, %mul3A_277 : i32
        %add3A_279 = arith.addi %add3A, %mul3A_278 : i32
        %lt3A_280 = arith.constant 3906 : i32
        %lt3A_281 = arith.cmpi slt, %add3A_279, %lt3A_280 : i32
        %convert_element_type3A_282 = arith.extui %lt3A_281 : i1 to i32
        %cond3A_283 = arith.constant 0 : i32
        %cond3A_284 = arith.cmpi ne, %convert_element_type3A_282, %cond3A_283 : i32
        scf.if %cond3A_284 {
          %mul3A_311 = arith.constant 256 : i32
          %mul3A_312 = arith.muli %add3A_279, %mul3A_311 : i32
          %dma_start3A_313 = arith.constant 1 : i32
          %dma_start3A_314 = arith.constant 0 : i32
          %dma_start3A_315 = tpu.memref_slice %arg2[%dma_start3A_314, %mul3A_312] : memref<64x1000000xf32, #tpu.memory_space<hbm>> -> memref<64x256xf32, #tpu.memory_space<hbm>>
          %dma_start3A_316 = tpu.memref_slice %arg12[%dma_start3A_313] : memref<3x!tpu.dma_semaphore, #tpu.memory_space<semaphore_mem>> -> memref<1x!tpu.dma_semaphore, #tpu.memory_space<semaphore_mem>>
          %dma_start3A_317 = tpu.memref_squeeze %dma_start3A_316 : memref<1x!tpu.dma_semaphore, #tpu.memory_space<semaphore_mem>> -> memref<!tpu.dma_semaphore, #tpu.memory_space<semaphore_mem>>
          %dma_start3A_318 = arith.constant 0 : i32
          %dma_start3A_319 = tpu.memref_slice %arg2[%dma_start3A_318, %mul3A_312] : memref<64x1000000xf32, #tpu.memory_space<hbm>> -> memref<64x256xf32, #tpu.memory_space<hbm>>
          tpu.enqueue_dma source(%dma_start3A_319 : memref<64x256xf32, #tpu.memory_space<hbm>>) target(%arg6 : memref<64x256xf32, #tpu.memory_space<vmem>>) target_semaphore(%dma_start3A_317 : memref<!tpu.dma_semaphore, #tpu.memory_space<semaphore_mem>>)
        } else {
        }
        %dma_wait3A_285 = arith.constant 2 : i32
        %dma_wait3A_286 = arith.constant 0 : i32
        %dma_wait3A_287 = arith.constant 0 : i32
        %dma_wait3A_288 = tpu.memref_slice %arg2[%dma_wait3A_286, %dma_wait3A_287] : memref<64x1000000xf32, #tpu.memory_space<hbm>> -> memref<64x256xf32, #tpu.memory_space<hbm>>
        %dma_wait3A_289 = tpu.memref_slice %arg12[%dma_wait3A_285] : memref<3x!tpu.dma_semaphore, #tpu.memory_space<semaphore_mem>> -> memref<1x!tpu.dma_semaphore, #tpu.memory_space<semaphore_mem>>
        %dma_wait3A_290 = tpu.memref_squeeze %dma_wait3A_289 : memref<1x!tpu.dma_semaphore, #tpu.memory_space<semaphore_mem>> -> memref<!tpu.dma_semaphore, #tpu.memory_space<semaphore_mem>>
        %dma_wait3A_291 = arith.constant 0 : i32
        %dma_wait3A_292 = arith.constant 0 : i32
        %dma_wait3A_293 = tpu.memref_slice %arg2[%dma_wait3A_291, %dma_wait3A_292] : memref<64x1000000xf32, #tpu.memory_space<hbm>> -> memref<64x256xf32, #tpu.memory_space<hbm>>
        tpu.wait_dma2 semaphore(%dma_wait3A_290 : memref<!tpu.dma_semaphore, #tpu.memory_space<semaphore_mem>>) src(%dma_wait3A_293 : memref<64x256xf32, #tpu.memory_space<hbm>>) dst(%arg7 : memref<64x256xf32, #tpu.memory_space<vmem>>)
        %ge3A = arith.constant 3 : i32
        %ge3A_294 = arith.cmpi sge, %add3A_266, %ge3A : i32
        %convert_element_type3A_295 = arith.extui %ge3A_294 : i1 to i32
        %cond3A_296 = arith.constant 0 : i32
        %cond3A_297 = arith.cmpi ne, %convert_element_type3A_295, %cond3A_296 : i32
        scf.if %cond3A_297 {
          %dma_wait3A_311 = arith.constant 2 : i32
          %dma_wait3A_312 = arith.constant 0 : i32
          %dma_wait3A_313 = tpu.memref_slice %arg4[%dma_wait3A_312] : memref<64000000xf32, #tpu.memory_space<hbm>> -> memref<16384xf32, #tpu.memory_space<hbm>>
          %dma_wait3A_314 = tpu.memref_slice %arg13[%dma_wait3A_311] : memref<3x!tpu.dma_semaphore, #tpu.memory_space<semaphore_mem>> -> memref<1x!tpu.dma_semaphore, #tpu.memory_space<semaphore_mem>>
          %dma_wait3A_315 = tpu.memref_squeeze %dma_wait3A_314 : memref<1x!tpu.dma_semaphore, #tpu.memory_space<semaphore_mem>> -> memref<!tpu.dma_semaphore, #tpu.memory_space<semaphore_mem>>
          %dma_wait3A_316 = arith.constant 0 : i32
          %dma_wait3A_317 = tpu.memref_slice %arg4[%dma_wait3A_316] : memref<64000000xf32, #tpu.memory_space<hbm>> -> memref<16384xf32, #tpu.memory_space<hbm>>
          tpu.wait_dma2 semaphore(%dma_wait3A_315 : memref<!tpu.dma_semaphore, #tpu.memory_space<semaphore_mem>>) src(%arg10 : memref<16384xf32, #tpu.memory_space<vmem>>) dst(%dma_wait3A_317 : memref<16384xf32, #tpu.memory_space<hbm>>)
        } else {
        }
        %scan3A_298 = arith.constant 0 : i32
        %scan3A_299 = arith.constant 0 : i32
        %scan3A_300 = arith.constant 64 : i32
        %scan3A_301 = arith.addi %scan3A_299, %scan3A_300 : i32
        %scan3A_302 = arith.constant 1 : i32
        scf.for %scan3A_311 = %scan3A_299 to %scan3A_301 step %scan3A_302  : i32 {
          %add3A_312 = vector.broadcast %scan3A_311 : i32 to vector<16xi32>
          %add3A_313 = arith.addi %add3A_312, %iota3A : vector<16xi32>
          %and3A = arith.constant 63 : i32
          %and3A_314 = vector.broadcast %and3A : i32 to vector<16xi32>
          %and3A_315 = arith.andi %add3A_313, %and3A_314 : vector<16xi32>
          %gather3A = tpu.vector_load_idx %arg7[%and3A_315, %add3A_6] : memref<64x256xf32, #tpu.memory_space<vmem>>[vector<16xi32>, vector<16xi32>], vector<16xf32>,
          %add3A_316 = arith.addi %add3A_102, %and3A_315 : vector<16xi32>
          tpu.vector_store_idx %arg10[%add3A_316], %gather3A : memref<16384xf32, #tpu.memory_space<vmem>>[vector<16xi32>], vector<16xf32>,
          %gather3A_317 = tpu.vector_load_idx %arg7[%and3A_315, %add3A_12] : memref<64x256xf32, #tpu.memory_space<vmem>>[vector<16xi32>, vector<16xi32>], vector<16xf32>,
          %add3A_318 = arith.addi %add3A_108, %and3A_315 : vector<16xi32>
          tpu.vector_store_idx %arg10[%add3A_318], %gather3A_317 : memref<16384xf32, #tpu.memory_space<vmem>>[vector<16xi32>], vector<16xf32>,
          %gather3A_319 = tpu.vector_load_idx %arg7[%and3A_315, %add3A_18] : memref<64x256xf32, #tpu.memory_space<vmem>>[vector<16xi32>, vector<16xi32>], vector<16xf32>,
          %add3A_320 = arith.addi %add3A_114, %and3A_315 : vector<16xi32>
          tpu.vector_store_idx %arg10[%add3A_320], %gather3A_319 : memref<16384xf32, #tpu.memory_space<vmem>>[vector<16xi32>], vector<16xf32>,
          %gather3A_321 = tpu.vector_load_idx %arg7[%and3A_315, %add3A_24] : memref<64x256xf32, #tpu.memory_space<vmem>>[vector<16xi32>, vector<16xi32>], vector<16xf32>,
          %add3A_322 = arith.addi %add3A_120, %and3A_315 : vector<16xi32>
          tpu.vector_store_idx %arg10[%add3A_322], %gather3A_321 : memref<16384xf32, #tpu.memory_space<vmem>>[vector<16xi32>], vector<16xf32>,
          %gather3A_323 = tpu.vector_load_idx %arg7[%and3A_315, %add3A_30] : memref<64x256xf32, #tpu.memory_space<vmem>>[vector<16xi32>, vector<16xi32>], vector<16xf32>,
          %add3A_324 = arith.addi %add3A_126, %and3A_315 : vector<16xi32>
          tpu.vector_store_idx %arg10[%add3A_324], %gather3A_323 : memref<16384xf32, #tpu.memory_space<vmem>>[vector<16xi32>], vector<16xf32>,
          %gather3A_325 = tpu.vector_load_idx %arg7[%and3A_315, %add3A_36] : memref<64x256xf32, #tpu.memory_space<vmem>>[vector<16xi32>, vector<16xi32>], vector<16xf32>,
          %add3A_326 = arith.addi %add3A_132, %and3A_315 : vector<16xi32>
          tpu.vector_store_idx %arg10[%add3A_326], %gather3A_325 : memref<16384xf32, #tpu.memory_space<vmem>>[vector<16xi32>], vector<16xf32>,
          %gather3A_327 = tpu.vector_load_idx %arg7[%and3A_315, %add3A_42] : memref<64x256xf32, #tpu.memory_space<vmem>>[vector<16xi32>, vector<16xi32>], vector<16xf32>,
          %add3A_328 = arith.addi %add3A_138, %and3A_315 : vector<16xi32>
          tpu.vector_store_idx %arg10[%add3A_328], %gather3A_327 : memref<16384xf32, #tpu.memory_space<vmem>>[vector<16xi32>], vector<16xf32>,
          %gather3A_329 = tpu.vector_load_idx %arg7[%and3A_315, %add3A_48] : memref<64x256xf32, #tpu.memory_space<vmem>>[vector<16xi32>, vector<16xi32>], vector<16xf32>,
          %add3A_330 = arith.addi %add3A_144, %and3A_315 : vector<16xi32>
          tpu.vector_store_idx %arg10[%add3A_330], %gather3A_329 : memref<16384xf32, #tpu.memory_space<vmem>>[vector<16xi32>], vector<16xf32>,
          %gather3A_331 = tpu.vector_load_idx %arg7[%and3A_315, %add3A_54] : memref<64x256xf32, #tpu.memory_space<vmem>>[vector<16xi32>, vector<16xi32>], vector<16xf32>,
          %add3A_332 = arith.addi %add3A_150, %and3A_315 : vector<16xi32>
          tpu.vector_store_idx %arg10[%add3A_332], %gather3A_331 : memref<16384xf32, #tpu.memory_space<vmem>>[vector<16xi32>], vector<16xf32>,
          %gather3A_333 = tpu.vector_load_idx %arg7[%and3A_315, %add3A_60] : memref<64x256xf32, #tpu.memory_space<vmem>>[vector<16xi32>, vector<16xi32>], vector<16xf32>,
          %add3A_334 = arith.addi %add3A_156, %and3A_315 : vector<16xi32>
          tpu.vector_store_idx %arg10[%add3A_334], %gather3A_333 : memref<16384xf32, #tpu.memory_space<vmem>>[vector<16xi32>], vector<16xf32>,
          %gather3A_335 = tpu.vector_load_idx %arg7[%and3A_315, %add3A_66] : memref<64x256xf32, #tpu.memory_space<vmem>>[vector<16xi32>, vector<16xi32>], vector<16xf32>,
          %add3A_336 = arith.addi %add3A_162, %and3A_315 : vector<16xi32>
          tpu.vector_store_idx %arg10[%add3A_336], %gather3A_335 : memref<16384xf32, #tpu.memory_space<vmem>>[vector<16xi32>], vector<16xf32>,
          %gather3A_337 = tpu.vector_load_idx %arg7[%and3A_315, %add3A_72] : memref<64x256xf32, #tpu.memory_space<vmem>>[vector<16xi32>, vector<16xi32>], vector<16xf32>,
          %add3A_338 = arith.addi %add3A_168, %and3A_315 : vector<16xi32>
          tpu.vector_store_idx %arg10[%add3A_338], %gather3A_337 : memref<16384xf32, #tpu.memory_space<vmem>>[vector<16xi32>], vector<16xf32>,
          %gather3A_339 = tpu.vector_load_idx %arg7[%and3A_315, %add3A_78] : memref<64x256xf32, #tpu.memory_space<vmem>>[vector<16xi32>, vector<16xi32>], vector<16xf32>,
          %add3A_340 = arith.addi %add3A_174, %and3A_315 : vector<16xi32>
          tpu.vector_store_idx %arg10[%add3A_340], %gather3A_339 : memref<16384xf32, #tpu.memory_space<vmem>>[vector<16xi32>], vector<16xf32>,
          %gather3A_341 = tpu.vector_load_idx %arg7[%and3A_315, %add3A_84] : memref<64x256xf32, #tpu.memory_space<vmem>>[vector<16xi32>, vector<16xi32>], vector<16xf32>,
          %add3A_342 = arith.addi %add3A_180, %and3A_315 : vector<16xi32>
          tpu.vector_store_idx %arg10[%add3A_342], %gather3A_341 : memref<16384xf32, #tpu.memory_space<vmem>>[vector<16xi32>], vector<16xf32>,
          %gather3A_343 = tpu.vector_load_idx %arg7[%and3A_315, %add3A_90] : memref<64x256xf32, #tpu.memory_space<vmem>>[vector<16xi32>, vector<16xi32>], vector<16xf32>,
          %add3A_344 = arith.addi %add3A_186, %and3A_315 : vector<16xi32>
          tpu.vector_store_idx %arg10[%add3A_344], %gather3A_343 : memref<16384xf32, #tpu.memory_space<vmem>>[vector<16xi32>], vector<16xf32>,
          %gather3A_345 = tpu.vector_load_idx %arg7[%and3A_315, %add3A_96] : memref<64x256xf32, #tpu.memory_space<vmem>>[vector<16xi32>, vector<16xi32>], vector<16xf32>,
          %add3A_346 = arith.addi %add3A_192, %and3A_315 : vector<16xi32>
          tpu.vector_store_idx %arg10[%add3A_346], %gather3A_345 : memref<16384xf32, #tpu.memory_space<vmem>>[vector<16xi32>], vector<16xf32>,
        }
        %scan3A_303 = arith.constant 64 : i32
        %mul3A_304 = arith.constant 16384 : i32
        %mul3A_305 = arith.muli %add3A_269, %mul3A_304 : i32
        %dma_start3A_306 = arith.constant 2 : i32
        %dma_start3A_307 = tpu.memref_slice %arg4[%mul3A_305] : memref<64000000xf32, #tpu.memory_space<hbm>> -> memref<16384xf32, #tpu.memory_space<hbm>>
        %dma_start3A_308 = tpu.memref_slice %arg13[%dma_start3A_306] : memref<3x!tpu.dma_semaphore, #tpu.memory_space<semaphore_mem>> -> memref<1x!tpu.dma_semaphore, #tpu.memory_space<semaphore_mem>>
        %dma_start3A_309 = tpu.memref_squeeze %dma_start3A_308 : memref<1x!tpu.dma_semaphore, #tpu.memory_space<semaphore_mem>> -> memref<!tpu.dma_semaphore, #tpu.memory_space<semaphore_mem>>
        %dma_start3A_310 = tpu.memref_slice %arg4[%mul3A_305] : memref<64000000xf32, #tpu.memory_space<hbm>> -> memref<16384xf32, #tpu.memory_space<hbm>>
        tpu.enqueue_dma source(%arg10 : memref<16384xf32, #tpu.memory_space<vmem>>) target(%dma_start3A_310 : memref<16384xf32, #tpu.memory_space<hbm>>) target_semaphore(%dma_start3A_309 : memref<!tpu.dma_semaphore, #tpu.memory_space<semaphore_mem>>)
      } else {
      }
    }
    %scan3A_216 = arith.constant 41 : i32
    %dma_wait3A = arith.constant 0 : i32
    %dma_wait3A_217 = arith.constant 0 : i32
    %dma_wait3A_218 = tpu.memref_slice %arg4[%dma_wait3A_217] : memref<64000000xf32, #tpu.memory_space<hbm>> -> memref<16384xf32, #tpu.memory_space<hbm>>
    %dma_wait3A_219 = tpu.memref_slice %arg13[%dma_wait3A] : memref<3x!tpu.dma_semaphore, #tpu.memory_space<semaphore_mem>> -> memref<1x!tpu.dma_semaphore, #tpu.memory_space<semaphore_mem>>
    %dma_wait3A_220 = tpu.memref_squeeze %dma_wait3A_219 : memref<1x!tpu.dma_semaphore, #tpu.memory_space<semaphore_mem>> -> memref<!tpu.dma_semaphore, #tpu.memory_space<semaphore_mem>>
    %dma_wait3A_221 = arith.constant 0 : i32
    %dma_wait3A_222 = tpu.memref_slice %arg4[%dma_wait3A_221] : memref<64000000xf32, #tpu.memory_space<hbm>> -> memref<16384xf32, #tpu.memory_space<hbm>>
    tpu.wait_dma2 semaphore(%dma_wait3A_220 : memref<!tpu.dma_semaphore, #tpu.memory_space<semaphore_mem>>) src(%arg8 : memref<16384xf32, #tpu.memory_space<vmem>>) dst(%dma_wait3A_222 : memref<16384xf32, #tpu.memory_space<hbm>>)
    %dma_wait3A_223 = arith.constant 1 : i32
    %dma_wait3A_224 = arith.constant 0 : i32
    %dma_wait3A_225 = tpu.memref_slice %arg4[%dma_wait3A_224] : memref<64000000xf32, #tpu.memory_space<hbm>> -> memref<16384xf32, #tpu.memory_space<hbm>>
    %dma_wait3A_226 = tpu.memref_slice %arg13[%dma_wait3A_223] : memref<3x!tpu.dma_semaphore, #tpu.memory_space<semaphore_mem>> -> memref<1x!tpu.dma_semaphore, #tpu.memory_space<semaphore_mem>>
    %dma_wait3A_227 = tpu.memref_squeeze %dma_wait3A_226 : memref<1x!tpu.dma_semaphore, #tpu.memory_space<semaphore_mem>> -> memref<!tpu.dma_semaphore, #tpu.memory_space<semaphore_mem>>
    %dma_wait3A_228 = arith.constant 0 : i32
    %dma_wait3A_229 = tpu.memref_slice %arg4[%dma_wait3A_228] : memref<64000000xf32, #tpu.memory_space<hbm>> -> memref<16384xf32, #tpu.memory_space<hbm>>
    tpu.wait_dma2 semaphore(%dma_wait3A_227 : memref<!tpu.dma_semaphore, #tpu.memory_space<semaphore_mem>>) src(%arg9 : memref<16384xf32, #tpu.memory_space<vmem>>) dst(%dma_wait3A_229 : memref<16384xf32, #tpu.memory_space<hbm>>)
    %dma_wait3A_230 = arith.constant 2 : i32
    %dma_wait3A_231 = arith.constant 0 : i32
    %dma_wait3A_232 = tpu.memref_slice %arg4[%dma_wait3A_231] : memref<64000000xf32, #tpu.memory_space<hbm>> -> memref<16384xf32, #tpu.memory_space<hbm>>
    %dma_wait3A_233 = tpu.memref_slice %arg13[%dma_wait3A_230] : memref<3x!tpu.dma_semaphore, #tpu.memory_space<semaphore_mem>> -> memref<1x!tpu.dma_semaphore, #tpu.memory_space<semaphore_mem>>
    %dma_wait3A_234 = tpu.memref_squeeze %dma_wait3A_233 : memref<1x!tpu.dma_semaphore, #tpu.memory_space<semaphore_mem>> -> memref<!tpu.dma_semaphore, #tpu.memory_space<semaphore_mem>>
    %dma_wait3A_235 = arith.constant 0 : i32
    %dma_wait3A_236 = tpu.memref_slice %arg4[%dma_wait3A_235] : memref<64000000xf32, #tpu.memory_space<hbm>> -> memref<16384xf32, #tpu.memory_space<hbm>>
    tpu.wait_dma2 semaphore(%dma_wait3A_234 : memref<!tpu.dma_semaphore, #tpu.memory_space<semaphore_mem>>) src(%arg10 : memref<16384xf32, #tpu.memory_space<vmem>>) dst(%dma_wait3A_236 : memref<16384xf32, #tpu.memory_space<hbm>>)
    %eq3A = arith.constant 0 : i32
    %eq3A_237 = arith.cmpi eq, %add3A, %eq3A : i32
    %convert_element_type3A = arith.extui %eq3A_237 : i1 to i32
    %cond3A = arith.constant 0 : i32
    %cond3A_238 = arith.cmpi ne, %convert_element_type3A, %cond3A : i32
    scf.if %cond3A_238 {
      "tpu.region"() ({
        %run_scoped3A = tpu.sem_alloc : memref<!tpu.dma_semaphore, #tpu.memory_space<semaphore_mem>>
        tpu.enqueue_dma source(%arg3 : memref<4096xf32, #tpu.memory_space<hbm>>) target(%arg11 : memref<4096xf32, #tpu.memory_space<vmem>>) target_semaphore(%run_scoped3A : memref<!tpu.dma_semaphore, #tpu.memory_space<semaphore_mem>>)
        tpu.wait_dma2 semaphore(%run_scoped3A : memref<!tpu.dma_semaphore, #tpu.memory_space<semaphore_mem>>) src(%arg3 : memref<4096xf32, #tpu.memory_space<hbm>>) dst(%arg11 : memref<4096xf32, #tpu.memory_space<vmem>>)
        tpu.yield
      }) : () -> ()
      "tpu.region"() ({
        %run_scoped3A = tpu.sem_alloc : memref<!tpu.dma_semaphore, #tpu.memory_space<semaphore_mem>>
        %dma_start3A_239 = arith.constant 63995904 : i32
        %dma_start3A_240 = tpu.memref_slice %arg4[%dma_start3A_239] : memref<64000000xf32, #tpu.memory_space<hbm>> -> memref<4096xf32, #tpu.memory_space<hbm>>
        %dma_start3A_241 = arith.constant 63995904 : i32
        %dma_start3A_242 = tpu.memref_slice %arg4[%dma_start3A_241] : memref<64000000xf32, #tpu.memory_space<hbm>> -> memref<4096xf32, #tpu.memory_space<hbm>>
        tpu.enqueue_dma source(%arg11 : memref<4096xf32, #tpu.memory_space<vmem>>) target(%dma_start3A_242 : memref<4096xf32, #tpu.memory_space<hbm>>) target_semaphore(%run_scoped3A : memref<!tpu.dma_semaphore, #tpu.memory_space<semaphore_mem>>)
        %dma_wait3A_243 = arith.constant 63995904 : i32
        %dma_wait3A_244 = tpu.memref_slice %arg4[%dma_wait3A_243] : memref<64000000xf32, #tpu.memory_space<hbm>> -> memref<4096xf32, #tpu.memory_space<hbm>>
        %dma_wait3A_245 = arith.constant 63995904 : i32
        %dma_wait3A_246 = tpu.memref_slice %arg4[%dma_wait3A_245] : memref<64000000xf32, #tpu.memory_space<hbm>> -> memref<4096xf32, #tpu.memory_space<hbm>>
        tpu.wait_dma2 semaphore(%run_scoped3A : memref<!tpu.dma_semaphore, #tpu.memory_space<semaphore_mem>>) src(%arg11 : memref<4096xf32, #tpu.memory_space<vmem>>) dst(%dma_wait3A_246 : memref<4096xf32, #tpu.memory_space<hbm>>)
        tpu.yield
      }) : () -> ()
    } else {
    }
    return
  }
}

</mosaic_0001>

<sc_bundles>
// kernel: kernel.4.cloned.1.call-start
scs
__scs_entry_jumppad:
0x0: {  	(pc) =	sbr.rel $0x88, $3  }
0x1: {  	(tag) =	ssettag $0x0;
	lr =	simm.s32 $0x1  }
0x2: {  	[smem:$0x3F9F] =	sst lr;
	_ =	strace $0xD0000000  }
0x3: {  	_ = 	snop  }
0x4: {  	_ = 	snop  }
0x5: {  	_ = 	snop  }
0x6: {  	_ = 	snop  }
0x7: {  	_ = 	snop  }
__scs_overlays_trampoline_lowered:
0x8: {  	[smem:$0x3FAE] =	sst s0  }
0x9: {  	[smem:$0x3FAF] =	sst s1  }
0xa: {  	[smem:$0x3FB0] =	sst s2  }
0xb: {  	[smem:$0x3FB1] =	sst s3  }
0xc: {  	[smem:$0x3FB2] =	sst s4  }
0xd: {  	[smem:$0x3FB3] =	sst s5  }
0xe: {  	[smem:$0x3FB4] =	sst s6  }
0xf: {  	[smem:$0x3FB5] =	sst s7  }
0x10: {  	[smem:$0x3FB6] =	sst s8  }
0x11: {  	[smem:$0x3FB7] =	sst s9;
	s0 =	simm.s32 @!p0 $0x0  }
0x12: {  	s1 =	sld [smem:$0x3F9D];
	s0 =	simm.s32 @p0 $0x1  }
0x13: {  	[smem:$0x3FB8] =	sst s0;
	s0 =	simm.s32 @!p1 $0x0  }
0x14: {  	s2 =	sld [smem:$0x3F9C];
	s0 =	simm.s32 @p1 $0x1  }
0x15: {  	[smem:$0x3FB9] =	sst s0;
	s0 =	simm.s32 @!p2 $0x0  }
0x16: {  	s3 =	sld [smem:$0x3FDB];
	s0 =	simm.s32 @p2 $0x1  }
0x17: {  	s4 =	simm.s32 $0x1BF5;
	[smem:$0x3FBB] =	sst s0  }
0x18: {  	s0 =	sld [smem:$0x3F9E];
	_ =	swait.ge [sflag:s4], $0x0  }
0x19: {  	s7 =	sld [smem:$0x3F9F]  }
0x1a: {  	s8 =	sadd.s32 $0xFFFFE003, lr  }
0x1b: {  	s9 =	sadd.s32 $0xFFFFFEF7, lr;
	s5 =	simm.s32 $0xFFFFFFFF;
	p2 =	slt.u32 s8, $0xFFFFF086  }
0x1c: {  	p1 =	slt.u32 s9, $0xF7A;
	s5 =	simm.s32 @!p2 $0x0  }
0x1d: {  	s5 =	simm.s32 @p1 $0x1;
	p0 =	seq.s32 s7, s2  }
0x1e: {  	s7 =	smul.u32 @!p0 $0xF7A, s2;
	p2 =	seq.s32 @!p0 s5, $0x0  }
0x1f: {  	s9 =	smul.u32 $0xF7A, s1;
	s8 =	simm.s32 @!p0 $0x1BF5;
	p2 =	por !p2, p0  }
0x20: {  	[sflag:s8] =	ssyncset.s32 @!p0 $0xFFFFF086;
	s6 =	sadd.s32 @!p0 s3, s7;
	s7 =	simm.s32 @!p0 $0x108  }
0x21: {  	s3 =	sadd.s32 s3, s9;
	s6 =	sadd.s32 @!p0 $0x88, s6;
	s7 =	simm.s32 @p2 $0x1082  }
0x22: {  	[simem:s7], [sflag:s8] =	dma.local @!p0 [hbm:s6], $0xF7A  }
0x23: {  	s9 =	sor.u32 $0xD0000000, s2;
	s6 =	simm.s32 $0x108;
	_ =	swait.ge @!p0 [sflag:s8], $0x0  }
0x24: {  	s3 =	sadd.s32 $0x88, s3;
	s6 =	simm.s32 @!p1 $0x1082;
	[sflag:s4] =	ssyncset.s32 $0xFFFFF086  }
0x25: {  	[simem:s6], [sflag:s4] =	dma.local [hbm:s3], $0xF7A  }
0x26: {  	[smem:$0x3F9F] =	sst s1;
	(tag) =	ssettag s2;
	_ =	strace s9  }
0x27: {  	s1 =	sld [smem:$0x3FAF]  }
0x28: {  	s2 =	sld [smem:$0x3FB0]  }
0x29: {  	s4 =	sld [smem:$0x3FB2]  }
0x2a: {  	p0 =	seq.s32 s5, $0x0;
	s5 =	sld [smem:$0x3FB3]  }
0x2b: {  	s6 =	sld [smem:$0x3FB4]  }
0x2c: {  	s7 =	sld [smem:$0x3FB5]  }
0x2d: {  	s3 =	simm.s32 $0x108;
	s8 =	sld [smem:$0x3FB6]  }
0x2e: {  	s3 =	simm.s32 @!p0 $0x1082;
	s9 =	sld [smem:$0x3FB7]  }
0x2f: {  	lr =	sadd.s32 s0, s3;
	s0 =	sld [smem:$0x3FAE]  }
0x30: {  	s3 =	sld [smem:$0x3FB1]  }
0x31: {  	[smem:$0x3FBA] =	sst s10  }
0x32: {  	s10 =	sld [smem:$0x3FB8];
	_ =	sdelay $0x3  }
0x33: {  	p0 =	seq.s32 s10, $0x1;
	s10 =	sld [smem:$0x3FBA];
	_ =	sdelay $0x3  }
0x34: {  	[smem:$0x3FBA] =	sst s10  }
0x35: {  	s10 =	sld [smem:$0x3FB9];
	_ =	sdelay $0x3  }
0x36: {  	p1 =	seq.s32 s10, $0x1;
	s10 =	sld [smem:$0x3FBA];
	_ =	sdelay $0x3  }
0x37: {  	[smem:$0x3FBA] =	sst s10  }
0x38: {  	s10 =	sld [smem:$0x3FBB]  }
0x39: {  	_ = 	snop;
	(pc) =	sbr.ind lr, $3  }
0x3a: {  	_ = 	snop  }
0x3b: {  	_ = 	snop  }
0x3c: {  	p2 =	seq.s32 s10, $0x1;
	s10 =	sld [smem:$0x3FBA]  }
0x3d: {  	_ =	shalt  }
0x3e: {  	_ =	shalt  }
0x3f: {  	_ =	shalt  }
0x40: {  	_ =	shalt  }
0x41: {  	_ =	shalt  }
0x42: {  	_ =	shalt  }
0x43: {  	_ =	shalt  }
0x44: {  	_ =	shalt  }
0x45: {  	_ =	shalt  }
0x46: {  	_ =	shalt  }
0x47: {  	_ =	shalt  }
0x48: {  	_ =	shalt  }
0x49: {  	_ =	shalt  }
0x4a: {  	_ =	shalt  }
0x4b: {  	_ =	shalt  }
0x4c: {  	_ =	shalt  }
0x4d: {  	_ =	shalt  }
0x4e: {  	_ =	shalt  }
0x4f: {  	_ =	shalt  }
0x50: {  	_ =	shalt  }
0x51: {  	_ =	shalt  }
0x52: {  	_ =	shalt  }
0x53: {  	_ =	shalt  }
0x54: {  	_ =	shalt  }
0x55: {  	_ =	shalt  }
0x56: {  	_ =	shalt  }
0x57: {  	_ =	shalt  }
0x58: {  	_ =	shalt  }
0x59: {  	_ =	shalt  }
0x5a: {  	_ =	shalt  }
0x5b: {  	_ =	shalt  }
0x5c: {  	_ =	shalt  }
0x5d: {  	_ =	shalt  }
0x5e: {  	_ =	shalt  }
0x5f: {  	_ =	shalt  }
0x60: {  	_ =	shalt  }
0x61: {  	_ =	shalt  }
0x62: {  	_ =	shalt  }
0x63: {  	_ =	shalt  }
0x64: {  	_ =	shalt  }
0x65: {  	_ =	shalt  }
0x66: {  	_ =	shalt  }
0x67: {  	_ =	shalt  }
0x68: {  	_ =	shalt  }
0x69: {  	_ =	shalt  }
0x6a: {  	_ =	shalt  }
0x6b: {  	_ =	shalt  }
0x6c: {  	_ =	shalt  }
0x6d: {  	_ =	shalt  }
0x6e: {  	_ =	shalt  }
0x6f: {  	_ =	shalt  }
0x70: {  	_ =	shalt  }
0x71: {  	_ =	shalt  }
0x72: {  	_ =	shalt  }
0x73: {  	_ =	shalt  }
0x74: {  	_ =	shalt  }
0x75: {  	_ =	shalt  }
0x76: {  	_ =	shalt  }
0x77: {  	_ =	shalt  }
0x78: {  	_ =	shalt  }
0x79: {  	_ =	shalt  }
0x7a: {  	_ =	shalt  }
0x7b: {  	_ =	shalt  }
0x7c: {  	_ =	shalt  }
0x7d: {  	_ =	shalt  }
0x7e: {  	_ =	shalt  }
0x7f: {  	_ =	shalt  }
0x80: {  	_ =	shalt  }
0x81: {  	_ =	shalt  }
0x82: {  	_ =	shalt  }
0x83: {  	_ =	shalt  }
0x84: {  	_ =	shalt  }
0x85: {  	_ =	shalt  }
0x86: {  	_ =	shalt  }
0x87: {  	_ =	shalt  }
.Lfunc_end0:
.L_simem_size_0:
called_computation_lowered:
.L_overlay_start_0:
0x88: {  	s2 =	sld [smem:$0x3FD9]  }
0x89: {  	s3 =	sld [smem:$0x3FFE];
	_ =	sdelay $0x1  }
0x8a: {  	s1 =	srdreg.scid  }
0x8b: {  	s0 =	sand.u32 $0x1, s1  }
0x8c: {  	s17 =	sshll.u32 s0, $0xA;
	s2 =	sadd.s32 s3, s2  }
0x8d: {  	s2 =	sadd.s32 s2, s17  }
0x8e: {  	[smem:$0x3FC6] =	sst s2  }
0x8f: {  	_ = 	snop  }
0x90: {  	s2 =	sld [smem:$0x3FC8]  }
0x91: {  	s18 =	sld [smem:$0x3FD0];
	(tm) =	ssettm $0x1  }
0x92: {  	s4 =	sld [smem:$0x3FFB];
	_ =	sdelay $0x3  }
0x93: {  	_ =	strace s4  }
0x94: {  	s4 =	sld [smem:$0x3FFC];
	_ =	sdelay $0x3  }
0x95: {  	_ =	strace s4  }
0x96: {  	s4 =	sld [smem:$0x3FFD];
	_ =	sdelay $0x3  }
0x97: {  	_ =	strace s4  }
0x98: {  	_ =	strace $0x8FFFFFFF  }
0x99: {  	s19 =	sld [smem:$0x3FDB];
	_ =	sdelay $0x1  }
0x9a: {  	s5 =	simm.s32 $_scs_section_size  }
0x9b: {  	s6 =	simm.s32 $_size__tile_overlayer_lowered;
	s7 =	simm.s32 $_tile_overlayer_lowered  }
0x9c: {  	s22 =	simm.s32 $0x1BFF;
	s21 =	sshll.u32 s7, $0x1;
	s4 =	sadd.s32 s5, s19  }
0x9d: {  	s8 =	simm.s32 $0x0;
	s20 =	sshll.u32 s6, $0x1;
	s6 =	sadd.s32 s21, s4  }
0x9e: {  	[timem:s8], [sflag:s22] =	dma.local [hbm:s6], s20  }
0x9f: {  	_ =	swait.ge [sflag:s22], s20  }
0xa0: {  	s5 =	ssub.s32 $0x0, s20;
	[sflag:s22] =	ssyncset.done $0x0  }
0xa1: {  	[sflag:s22] =	ssyncadd.s32 s5;
	_ =	sdelay $0x1  }
0xa2: {  	s23 =	simm.s32 $0x1B8B  }
0xa3: {  	_ =	swait.ge [sflag:s23], $0x1  }
0xa4: {  	[sflag:s23] =	ssyncset.done $0x0  }
0xa5: {  	s25 =	simm.s32 $0x1B8E;
	s24 =	sld [smem:$0x3FFE];
	[sflag:s23] =	ssyncadd.s32 $0xFFFFFFFF  }
0xa6: {  	s26 =	simm.s32 $execute0_lowered;
	[smem:$0x3FD2] =	sst s25  }
0xa7: {  	s6 =	sshll.u32 s26, $0x1;
	_ =	strace $0x80000046;
	[dreg:$0x1] =	wrdreg $0xFFFFFFFF  }
0xa8: {  	s28 =	simm.s32 $_size_execute0_lowered;
	s4 =	sadd.s32 s4, s6;
	[dreg:$0x0] =	wrdreg $0x0  }
0xa9: {  	s6 =	sshll.u32 s28, $0x1;
	[dreg:$0x2] =	wrdreg s4  }
0xaa: {  	[dreg:$0x3] =	wrdreg s6  }
0xab: {  	[dreg:$0x4] =	wrdreg $0xC0  }
0xac: {  	_ =	task [dreg:s8], $0x5FFFF  }
0xad: {  	[dreg:$0x1] =	wrdreg $0xFFFFFFFF  }
0xae: {  	[dreg:$0x0] =	wrdreg $0x60  }
0xaf: {  	[dreg:$0x2] =	wrdreg s2  }
0xb0: {  	[dreg:$0x3] =	wrdreg s18  }
0xb1: {  	[dreg:$0x4] =	wrdreg s24  }
0xb2: {  	[dreg:$0x5] =	wrdreg $0x9  }
0xb3: {  	_ =	task.clear_ibuf [dreg:s8], $0x6FFFF;
	_ =	strace $0x90000046  }
0xb4: {  	s29 =	simm.s32 $0x9;
	_ =	strace $0x80000048  }
0xb5: {  	_ =	swait.ge [sflag:s29], $0x1  }
0xb6: {  	[sflag:s29] =	ssyncadd.s32 $0xFFFFFFFF  }
0xb7: {  	_ =	strace $0x90000048  }
0xb8: {  	_ =	sfence  }
0xb9: {  	s30 =	sld [smem:$0x0];
	_ =	sdelay $0x2  }
0xba: {  	s31 =	sshll.u32 s1, $0xD;
	s1 =	sshrl.u32 s1, $0x2  }
0xbb: {  	s3 =	sand.u32 $0x4000, s31;
	s1 =	sadd.s32 s1, s30  }
0xbc: {  	s0 =	sor.u32 s3, s0;
	s1 =	sshll.u32 s1, $0x11  }
0xbd: {  	s0 =	sor.u32 s1, s0  }
0xbe: {  	s0 =	sadd.s32 $0x8F2B, s0  }
0xbf: {  	[sflag:s0] =	ssyncadd.remote.s32 $0x1  }
0xc0: {  	_ =	sfence.sel $0xFFFF  }
0xc1: {  	[dreg:$0x0] =	wrdreg $0xFFFFFFFF;
	(pc) =	sbr.abs _section_cstart, $3  }
0xc2: {  	[dreg:$0x1] =	wrdreg $0xFFFFFFFF  }
0xc3: {  	_ =	task.clear_ibuf [dreg:s8], $0x2FFFF;
	_ =	strace $0x9FFFFFFF  }
0xc4: {  	(tm) =	ssettm $0x7FFFFFFF  }
0xc5: {  	_ =	shalt  }
tec
execute0_lowered:
.L_overlay_start_1:
0x0: {  	(tag) =	ssettag $0x1  }
0x1: {  	s1 =	rddreg [dreg:$0x0];
	s0 =	srdreg.scid  }
0x2: {  	s3 =	stileid.u32;
	v0 =	vlaneseq.u32;
	s2 =	rddreg [dreg:$0x2]  }
0x3: {  	s4 =	simm.s32 $0x0;
	s17 =	simm.s32 $0x4000;
	s18 =	simm.s32 $0x1;
	v1 =	vmul.u32 $0x40, v0  }
0x4: {  	s19 =	simm.s32 $0xC000;
	s20 =	simm.s32 $0x2;
	s21 =	simm.s32 $0x10000;
	v2 =	vor.u32 $0x10, v0;
	v4 =	vor.u32 $0x20, v0;
	v6 =	vor.u32 $0x30, v0  }
0x5: {  	s22 =	simm.s32 $0x3;
	s23 =	simm.s32 $0x8000;
	s24 =	simm.s32 $0x14000;
	v8 =	vor.u32 $0x40, v0;
	v10 =	vor.u32 $0x50, v0;
	v12 =	vor.u32 $0x60, v0  }
0x6: {  	s25 =	simm.s32 $0x4;
	s26 =	simm.s32 $0x5;
	s28 =	simm.s32 $0x6;
	v14 =	vor.u32 $0x70, v0;
	v16 =	vor.u32 $0x400, v0;
	v18 =	vor.u32 $0x410, v0  }
0x7: {  	s29 =	simm.s32 $0x0;
	s0 =	sand.u32 $0x1, s0;
	[smem:$0x7FF] =	sst s4;
	v20 =	vor.u32 $0x420, v0;
	v22 =	vor.u32 $0x430, v0;
	v24 =	vor.u32 $0x440, v0  }
0x8: {  	s3 =	sshll.u32 s3, $0x1;
	s7 =	sadd.s32 $0x800, s2;
	s13 =	sadd.s32 $0x7A1800, s2;
	v26 =	vor.u32 $0x450, v0;
	v28 =	vor.u32 $0x460, v0;
	v30 =	vor.u32 $0x470, v0  }
.Ltmp0:
0x9: {  	s5 =	sor.u32 s0, s3;
	s0 =	ssub.s32 $0x2, s0;
	v3 =	vor.u32 $0x400, v1;
	v5 =	vor.u32 $0x800, v1;
	v7 =	vor.u32 $0xC00, v1;
	(pc) =	sbr.rel .LBB2_1-.Ltmp0, $4  }
0xa: {  	_ =	strace $0x80000047;
	s3 =	sshll.u32 s5, $0x8;
	s8 =	sshrl.u32 s0, $0x1;
	v9 =	vor.u32 $0x1000, v1;
	v11 =	vor.u32 $0x1400, v1;
	v13 =	vor.u32 $0x1800, v1  }
0xb: {  	s9 =	sor.u32 $0x40, s5;
	s10 =	sor.u32 $0x20, s5;
	s11 =	sor.u32 $0x60, s5;
	v15 =	vor.u32 $0x1C00, v1;
	v17 =	vor.u32 $0x2000, v1;
	v19 =	vor.u32 $0x2400, v1  }
0xc: {  	s12 =	sor.u32 $0x80, s5;
	v21 =	vor.u32 $0x2800, v1;
	v23 =	vor.u32 $0x2C00, v1;
	v25 =	vor.u32 $0x3000, v1;
	s6 =	sadd.s32 s1, s3;
	s0 =	ssub.s32 s0, s8  }
0xd: {  	v27 =	vor.u32 $0x3400, v1;
	p0 =	sne.s32 s5, $0x0;
	v29 =	vor.u32 $0x3800, v1;
	v31 =	vor.u32 $0x3C00, v1;
	s8 =	sadd.s32 $0x2000, s6;
	s15 =	smax.u32 s0, $0x1  }
.LBB2_11:
0xe: {  	_ =	swait.ge [sflag:s25], $0x4000  }
0xf: {  	[sflag:s25] =	ssyncset.done $0x0  }
0x10: {  	[sflag:s25] =	ssyncadd.s32 $0xFFFFC000  }
0x11: {  	_ =	swait.ge [sflag:s26], $0x4000  }
0x12: {  	[sflag:s26] =	ssyncset.done $0x0  }
0x13: {  	[sflag:s26] =	ssyncadd.s32 $0xFFFFC000  }
0x14: {  	_ =	swait.ge [sflag:s28], $0x4000  }
0x15: {  	[sflag:s28] =	ssyncset.done $0x0  }
0x16: {  	[sflag:s28] =	ssyncadd.s32 $0xFFFFC000  }
0x17: {  	s0 =	simm.s32 @!p0 $0x0;
	s2 =	simm.s32 @!p0 $0x18000;
	s3 =	rddreg [dreg:$0x1]  }
0x18: {  	[tilespmem:s2], [sflag:$0x7] =	stream.linear.gather @!p0 [hbm4b:s3+s0], $0x1000, $0x38;
	[tilespmem:$0x19000] =	vst v63  }
0x19: {  	s3 =	simm.s32 @!p0 $0x7  }
0x1a: {  	s29 =	sadd.s32 $0x1, s29;
	_ =	swait.ge @!p0 [sflag:s3], $0x1000  }
0x1b: {  	p1 =	sne.s32 s29, s15;
	[sflag:s3] =	ssyncset.done @!p0 $0x0  }
.Ltmp1:
0x1c: {  	[sflag:s3] =	ssyncadd.s32 @!p0 $0xFFFFF000;
	(pc) =	sbr.rel @!p1 .LBB2_12-.Ltmp1, $4  }
0x1d: {  	[hbm4b:s13+s0] =	stream.linear.scatter @!p0 [tilespmem:s2], [sflag:$0x7], $0x1000, $0x38;
	[tilespmem:$0x19000] =	vst v63  }
0x1e: {  	_ =	swait.ge @!p0 [sflag:s3], $0x1000  }
0x1f: {  	[sflag:s3] =	ssyncset.done @!p0 $0x0  }
0x20: {  	[sflag:s3] =	ssyncadd.s32 @!p0 $0xFFFFF000  }
.LBB2_1:
.Ltmp2:
0x21: {  	(pc) =	sbr.rel .LBB2_2-.Ltmp2, $4  }
0x22: {  	s0 =	simm.s32 $0x800;
	s2 =	simm.s32 $0x7A1400  }
0x23: {  	[tilespmem:s4], [sflag:$0x1] =	stream.strided.gather [hbm4b:s6+s0], $0x4000, s2, s0, $0x38;
	[tilespmem:$0x19000] =	vst v63  }
0x24: {  	s30 =	simm.s32 $0x0  }
0x25: {  	[tilespmem:s17], [sflag:$0x2] =	stream.strided.gather [hbm4b:s8+s0], $0x4000, s2, s0, $0x38;
	[tilespmem:$0x19000] =	vst v63  }
.LBB2_10:
0x26: {  	s30 =	sadd.s32 $0x1, s30  }
0x27: {  	p1 =	sne.s32 s30, $0x29  }
.Ltmp3:
0x28: {  	_ = 	snop;
	(pc) =	sbr.rel @!p1 .LBB2_11-.Ltmp3, $1  }
0x29: {  	_ =	sdelay $0x3  }
.LBB2_2:
0x2a: {  	s3 =	smul.u32 $0x60, s30;
	_ =	sdelay $0x1  }
0x2b: {  	s31 =	sadd.s32 s9, s3  }
0x2c: {  	s2 =	simm.s32 $0x0;
	p2 =	sgt.u32 s31, $0xF41  }
0x2d: {  	v32 =	vadd.s32 s2, v0;
	s0 =	sshll.u32 @!p2 s31, $0x8;
	s2 =	simm.s32 @!p2 $0x800  }
0x2e: {  	v33 =	vshll.u32 v32, $0x8;
	v34 =	vshll.u32 v32, $0x7;
	s14 =	simm.s32 @!p2 $0x7A1400;
	s16 =	simm.s32 @!p2 $0x8000;
	s0 =	sadd.s32 @!p2 s1, s0  }
0x2f: {  	v33 =	vand.u32 $0x3800, v33;
	v34 =	vand.u32 $0x380, v34;
	[tilespmem:s16], [sflag:$0x3] =	stream.strided.gather @!p2 [hbm4b:s0+s2], $0x4000, s14, s2, $0x38;
	[tilespmem:$0x19000] =	vst v63  }
0x30: {  	v33 =	vor.u32 v34, v33;
	_ =	swait.ge [sflag:s18], $0x4000  }
0x31: {  	p1 =	seq.s32 s30, $0x0;
	v34 =	vor.u32 v0, v33;
	[sflag:s18] =	ssyncset.done $0x0  }
0x32: {  	s0 =	simm.s32 @!p1 $0x4;
	[sflag:s18] =	ssyncadd.s32 $0xFFFFC000  }
0x33: {  	_ =	swait.ge @!p1 [sflag:s0], $0x4000  }
0x34: {  	[sflag:s0] =	ssyncset.done @!p1 $0x0  }
0x35: {  	v32 =	vand.u32 $0x3F, v32;
	[sflag:s0] =	ssyncadd.s32 @!p1 $0xFFFFC000  }
0x36: {  	v35 =	vor.u32 v1, v32;
	v34 =	vld.idx.msk [tilespmem:v34+s4+$0x0], $0xffff  }
0x37: {  	v36 =	vor.u32 v2, v33;
	_ =	sdelay $0x3  }
0x38: {  	[tilespmem:v35+s19+$0x0] =	vst.idx.msk $0xffff, v34  }
0x39: {  	v62 =	vor.u32 v3, v32;
	v34 =	vld.idx.msk [tilespmem:v36+s4+$0x0], $0xffff  }
0x3a: {  	v63 =	vor.u32 v4, v33;
	_ =	sdelay $0x3  }
0x3b: {  	[tilespmem:v62+s19+$0x0] =	vst.idx.msk $0xffff, v34  }
0x3c: {  	v40 =	vor.u32 v5, v32;
	v34 =	vld.idx.msk [tilespmem:v63+s4+$0x0], $0xffff  }
0x3d: {  	v41 =	vor.u32 v6, v33;
	_ =	sdelay $0x3  }
0x3e: {  	[tilespmem:v40+s19+$0x0] =	vst.idx.msk $0xffff, v34  }
0x3f: {  	v42 =	vor.u32 v7, v32;
	v34 =	vld.idx.msk [tilespmem:v41+s4+$0x0], $0xffff  }
0x40: {  	v43 =	vor.u32 v8, v33;
	_ =	sdelay $0x3  }
0x41: {  	[tilespmem:v42+s19+$0x0] =	vst.idx.msk $0xffff, v34  }
0x42: {  	v44 =	vor.u32 v9, v32;
	v34 =	vld.idx.msk [tilespmem:v43+s4+$0x0], $0xffff  }
0x43: {  	v45 =	vor.u32 v10, v33;
	_ =	sdelay $0x3  }
0x44: {  	[tilespmem:v44+s19+$0x0] =	vst.idx.msk $0xffff, v34  }
0x45: {  	v46 =	vor.u32 v11, v32;
	v34 =	vld.idx.msk [tilespmem:v45+s4+$0x0], $0xffff  }
0x46: {  	v47 =	vor.u32 v12, v33;
	_ =	sdelay $0x3  }
0x47: {  	[tilespmem:v46+s19+$0x0] =	vst.idx.msk $0xffff, v34  }
0x48: {  	v48 =	vor.u32 v13, v32;
	v34 =	vld.idx.msk [tilespmem:v47+s4+$0x0], $0xffff  }
0x49: {  	v49 =	vor.u32 v14, v33;
	_ =	sdelay $0x3  }
0x4a: {  	[tilespmem:v48+s19+$0x0] =	vst.idx.msk $0xffff, v34  }
0x4b: {  	v50 =	vor.u32 v15, v32;
	v34 =	vld.idx.msk [tilespmem:v49+s4+$0x0], $0xffff  }
0x4c: {  	v51 =	vor.u32 v16, v33;
	_ =	sdelay $0x3  }
0x4d: {  	[tilespmem:v50+s19+$0x0] =	vst.idx.msk $0xffff, v34  }
0x4e: {  	v52 =	vor.u32 v17, v32;
	v34 =	vld.idx.msk [tilespmem:v51+s4+$0x0], $0xffff  }
0x4f: {  	v53 =	vor.u32 v18, v33;
	_ =	sdelay $0x3  }
0x50: {  	[tilespmem:v52+s19+$0x0] =	vst.idx.msk $0xffff, v34  }
0x51: {  	v54 =	vor.u32 v19, v32;
	v34 =	vld.idx.msk [tilespmem:v53+s4+$0x0], $0xffff  }
0x52: {  	v55 =	vor.u32 v20, v33;
	_ =	sdelay $0x3  }
0x53: {  	[tilespmem:v54+s19+$0x0] =	vst.idx.msk $0xffff, v34  }
0x54: {  	v56 =	vor.u32 v21, v32;
	v34 =	vld.idx.msk [tilespmem:v55+s4+$0x0], $0xffff  }
0x55: {  	v57 =	vor.u32 v22, v33;
	_ =	sdelay $0x3  }
0x56: {  	[tilespmem:v56+s19+$0x0] =	vst.idx.msk $0xffff, v34  }
0x57: {  	v58 =	vor.u32 v23, v32;
	v34 =	vld.idx.msk [tilespmem:v57+s4+$0x0], $0xffff  }
0x58: {  	v59 =	vor.u32 v24, v33;
	_ =	sdelay $0x3  }
0x59: {  	[tilespmem:v58+s19+$0x0] =	vst.idx.msk $0xffff, v34  }
0x5a: {  	v60 =	vor.u32 v25, v32;
	v34 =	vld.idx.msk [tilespmem:v59+s4+$0x0], $0xffff  }
0x5b: {  	v61 =	vor.u32 v26, v33;
	_ =	sdelay $0x3  }
0x5c: {  	[tilespmem:v60+s19+$0x0] =	vst.idx.msk $0xffff, v34  }
0x5d: {  	v62 =	vor.u32 v27, v32;
	v34 =	vld.idx.msk [tilespmem:v61+s4+$0x0], $0xffff  }
0x5e: {  	v63 =	vor.u32 v28, v33;
	_ =	sdelay $0x3  }
0x5f: {  	[tilespmem:v62+s19+$0x0] =	vst.idx.msk $0xffff, v34  }
0x60: {  	v36 =	vor.u32 v29, v32;
	v35 =	vld.idx.msk [tilespmem:v63+s4+$0x0], $0xffff  }
0x61: {  	v33 =	vor.u32 v30, v33;
	_ =	sdelay $0x1  }
0x62: {  	s16 =	simm.s32 $0x1  }
0x63: {  	s2 =	simm.s32 $0x2;
	s0 =	sor.u32 s5, s3;
	v34 =	vadd.s32 s16, v0  }
.LBB2_3:
0x64: {  	p3 =	sne.s32 s2, $0x3F;
	v37 =	vshll.u32 v34, $0x8;
	v38 =	vshll.u32 v34, $0x7;
	[tilespmem:v36+s19+$0x0] =	vst.idx.msk $0xffff, v35  }
0x65: {  	v35 =	vand.u32 $0x3800, v37;
	v36 =	vand.u32 $0x380, v38;
	v37 =	vld.idx.msk [tilespmem:v33+s4+$0x0], $0xffff  }
0x66: {  	v32 =	vor.u32 v31, v32;
	v33 =	vor.u32 v36, v35  }
0x67: {  	v35 =	vor.u32 v0, v33;
	_ =	sdelay $0x3  }
0x68: {  	[tilespmem:v32+s19+$0x0] =	vst.idx.msk $0xffff, v37  }
0x69: {  	v32 =	vand.u32 $0x3F, v34;
	v34 =	vld.idx.msk [tilespmem:v35+s4+$0x0], $0xffff  }
0x6a: {  	v35 =	vor.u32 v1, v32  }
0x6b: {  	v36 =	vor.u32 v2, v33;
	_ =	sdelay $0x3  }
0x6c: {  	[tilespmem:v35+s19+$0x0] =	vst.idx.msk $0xffff, v34  }
0x6d: {  	v34 =	vld.idx.msk [tilespmem:v36+s4+$0x0], $0xffff  }
0x6e: {  	v35 =	vor.u32 v3, v32  }
0x6f: {  	v36 =	vor.u32 v4, v33;
	_ =	sdelay $0x3  }
0x70: {  	[tilespmem:v35+s19+$0x0] =	vst.idx.msk $0xffff, v34  }
0x71: {  	v34 =	vld.idx.msk [tilespmem:v36+s4+$0x0], $0xffff  }
0x72: {  	v35 =	vor.u32 v5, v32  }
0x73: {  	v36 =	vor.u32 v6, v33;
	_ =	sdelay $0x3  }
0x74: {  	[tilespmem:v35+s19+$0x0] =	vst.idx.msk $0xffff, v34  }
0x75: {  	v34 =	vld.idx.msk [tilespmem:v36+s4+$0x0], $0xffff  }
0x76: {  	v35 =	vor.u32 v7, v32  }
0x77: {  	v36 =	vor.u32 v8, v33;
	_ =	sdelay $0x3  }
0x78: {  	[tilespmem:v35+s19+$0x0] =	vst.idx.msk $0xffff, v34  }
0x79: {  	v34 =	vld.idx.msk [tilespmem:v36+s4+$0x0], $0xffff  }
0x7a: {  	v35 =	vor.u32 v9, v32  }
0x7b: {  	v36 =	vor.u32 v10, v33;
	_ =	sdelay $0x3  }
0x7c: {  	[tilespmem:v35+s19+$0x0] =	vst.idx.msk $0xffff, v34  }
0x7d: {  	v34 =	vld.idx.msk [tilespmem:v36+s4+$0x0], $0xffff  }
0x7e: {  	v35 =	vor.u32 v11, v32  }
0x7f: {  	v36 =	vor.u32 v12, v33;
	_ =	sdelay $0x3  }
0x80: {  	[tilespmem:v35+s19+$0x0] =	vst.idx.msk $0xffff, v34  }
0x81: {  	v34 =	vld.idx.msk [tilespmem:v36+s4+$0x0], $0xffff  }
0x82: {  	v35 =	vor.u32 v13, v32  }
0x83: {  	v36 =	vor.u32 v14, v33;
	_ =	sdelay $0x3  }
0x84: {  	[tilespmem:v35+s19+$0x0] =	vst.idx.msk $0xffff, v34  }
0x85: {  	v34 =	vld.idx.msk [tilespmem:v36+s4+$0x0], $0xffff  }
0x86: {  	v35 =	vor.u32 v15, v32  }
0x87: {  	v36 =	vor.u32 v16, v33;
	_ =	sdelay $0x3  }
0x88: {  	[tilespmem:v35+s19+$0x0] =	vst.idx.msk $0xffff, v34  }
0x89: {  	v34 =	vld.idx.msk [tilespmem:v36+s4+$0x0], $0xffff  }
0x8a: {  	v35 =	vor.u32 v17, v32  }
0x8b: {  	v36 =	vor.u32 v18, v33;
	_ =	sdelay $0x3  }
0x8c: {  	[tilespmem:v35+s19+$0x0] =	vst.idx.msk $0xffff, v34  }
0x8d: {  	v34 =	vld.idx.msk [tilespmem:v36+s4+$0x0], $0xffff  }
0x8e: {  	v35 =	vor.u32 v19, v32  }
0x8f: {  	v36 =	vor.u32 v20, v33;
	_ =	sdelay $0x3  }
0x90: {  	[tilespmem:v35+s19+$0x0] =	vst.idx.msk $0xffff, v34  }
0x91: {  	v34 =	vld.idx.msk [tilespmem:v36+s4+$0x0], $0xffff  }
0x92: {  	v35 =	vor.u32 v21, v32  }
0x93: {  	v36 =	vor.u32 v22, v33;
	_ =	sdelay $0x3  }
0x94: {  	[tilespmem:v35+s19+$0x0] =	vst.idx.msk $0xffff, v34  }
0x95: {  	v34 =	vld.idx.msk [tilespmem:v36+s4+$0x0], $0xffff  }
0x96: {  	v35 =	vor.u32 v23, v32  }
0x97: {  	v36 =	vor.u32 v24, v33;
	_ =	sdelay $0x3  }
0x98: {  	[tilespmem:v35+s19+$0x0] =	vst.idx.msk $0xffff, v34  }
0x99: {  	v34 =	vld.idx.msk [tilespmem:v36+s4+$0x0], $0xffff  }
0x9a: {  	v35 =	vor.u32 v25, v32  }
0x9b: {  	v36 =	vor.u32 v26, v33;
	_ =	sdelay $0x3  }
0x9c: {  	[tilespmem:v35+s19+$0x0] =	vst.idx.msk $0xffff, v34  }
0x9d: {  	v34 =	vld.idx.msk [tilespmem:v36+s4+$0x0], $0xffff  }
0x9e: {  	v35 =	vor.u32 v27, v32  }
0x9f: {  	v36 =	vor.u32 v28, v33;
	_ =	sdelay $0x3  }
0xa0: {  	[tilespmem:v35+s19+$0x0] =	vst.idx.msk $0xffff, v34  }
0xa1: {  	v35 =	vld.idx.msk [tilespmem:v36+s4+$0x0], $0xffff  }
.Ltmp4:
0xa2: {  	v36 =	vor.u32 v29, v32;
	(pc) =	sbr.rel @p3 .LBB2_3-.Ltmp4, $2  }
0xa3: {  	v33 =	vor.u32 v30, v33;
	_ =	sdelay $0x2  }
0xa4: {  	v34 =	vadd.s32 s2, v0;
	s2 =	sadd.s32 $0x1, s2  }
0xa5: {  	_ =	sdelay $0x2  }
0xa6: {  	v37 =	vshll.u32 v34, $0x8;
	v38 =	vshll.u32 v34, $0x7  }
0xa7: {  	[tilespmem:v36+s19+$0x0] =	vst.idx.msk $0xffff, v35;
	v51 =	vand.u32 $0x3800, v37;
	v52 =	vand.u32 $0x380, v38  }
0xa8: {  	v32 =	vor.u32 v31, v32;
	v33 =	vld.idx.msk [tilespmem:v33+s4+$0x0], $0xffff;
	v35 =	vor.u32 v52, v51  }
0xa9: {  	v36 =	vor.u32 v0, v35;
	_ =	sdelay $0x3  }
0xaa: {  	[tilespmem:v32+s19+$0x0] =	vst.idx.msk $0xffff, v33;
	v32 =	vand.u32 $0x3F, v34  }
0xab: {  	v34 =	vor.u32 v1, v32;
	v33 =	vld.idx.msk [tilespmem:v36+s4+$0x0], $0xffff  }
0xac: {  	v53 =	vor.u32 v2, v35;
	_ =	sdelay $0x3  }
0xad: {  	[tilespmem:v34+s19+$0x0] =	vst.idx.msk $0xffff, v33  }
0xae: {  	v54 =	vor.u32 v3, v32;
	v33 =	vld.idx.msk [tilespmem:v53+s4+$0x0], $0xffff  }
0xaf: {  	v55 =	vor.u32 v4, v35;
	_ =	sdelay $0x3  }
0xb0: {  	[tilespmem:v54+s19+$0x0] =	vst.idx.msk $0xffff, v33  }
0xb1: {  	v56 =	vor.u32 v5, v32;
	v33 =	vld.idx.msk [tilespmem:v55+s4+$0x0], $0xffff  }
0xb2: {  	v57 =	vor.u32 v6, v35;
	_ =	sdelay $0x3  }
0xb3: {  	[tilespmem:v56+s19+$0x0] =	vst.idx.msk $0xffff, v33  }
0xb4: {  	v58 =	vor.u32 v7, v32;
	v33 =	vld.idx.msk [tilespmem:v57+s4+$0x0], $0xffff  }
0xb5: {  	v59 =	vor.u32 v8, v35;
	_ =	sdelay $0x3  }
0xb6: {  	[tilespmem:v58+s19+$0x0] =	vst.idx.msk $0xffff, v33  }
0xb7: {  	v60 =	vor.u32 v9, v32;
	v33 =	vld.idx.msk [tilespmem:v59+s4+$0x0], $0xffff  }
0xb8: {  	v61 =	vor.u32 v10, v35;
	_ =	sdelay $0x3  }
0xb9: {  	[tilespmem:v60+s19+$0x0] =	vst.idx.msk $0xffff, v33  }
0xba: {  	v62 =	vor.u32 v11, v32;
	v33 =	vld.idx.msk [tilespmem:v61+s4+$0x0], $0xffff  }
0xbb: {  	v63 =	vor.u32 v12, v35;
	_ =	sdelay $0x3  }
0xbc: {  	[tilespmem:v62+s19+$0x0] =	vst.idx.msk $0xffff, v33  }
0xbd: {  	v40 =	vor.u32 v13, v32;
	v33 =	vld.idx.msk [tilespmem:v63+s4+$0x0], $0xffff  }
0xbe: {  	v41 =	vor.u32 v14, v35;
	_ =	sdelay $0x3  }
0xbf: {  	[tilespmem:v40+s19+$0x0] =	vst.idx.msk $0xffff, v33  }
0xc0: {  	v42 =	vor.u32 v15, v32;
	v33 =	vld.idx.msk [tilespmem:v41+s4+$0x0], $0xffff  }
0xc1: {  	v43 =	vor.u32 v16, v35;
	_ =	sdelay $0x3  }
0xc2: {  	[tilespmem:v42+s19+$0x0] =	vst.idx.msk $0xffff, v33  }
0xc3: {  	v44 =	vor.u32 v17, v32;
	v33 =	vld.idx.msk [tilespmem:v43+s4+$0x0], $0xffff  }
0xc4: {  	v45 =	vor.u32 v18, v35;
	_ =	sdelay $0x3  }
0xc5: {  	[tilespmem:v44+s19+$0x0] =	vst.idx.msk $0xffff, v33  }
0xc6: {  	v46 =	vor.u32 v19, v32;
	v33 =	vld.idx.msk [tilespmem:v45+s4+$0x0], $0xffff  }
0xc7: {  	v47 =	vor.u32 v20, v35;
	_ =	sdelay $0x3  }
0xc8: {  	[tilespmem:v46+s19+$0x0] =	vst.idx.msk $0xffff, v33  }
0xc9: {  	v48 =	vor.u32 v21, v32;
	v33 =	vld.idx.msk [tilespmem:v47+s4+$0x0], $0xffff  }
0xca: {  	v49 =	vor.u32 v22, v35;
	_ =	sdelay $0x3  }
0xcb: {  	[tilespmem:v48+s19+$0x0] =	vst.idx.msk $0xffff, v33  }
0xcc: {  	v50 =	vor.u32 v23, v32;
	v33 =	vld.idx.msk [tilespmem:v49+s4+$0x0], $0xffff  }
0xcd: {  	v51 =	vor.u32 v24, v35;
	_ =	sdelay $0x3  }
0xce: {  	[tilespmem:v50+s19+$0x0] =	vst.idx.msk $0xffff, v33  }
0xcf: {  	v52 =	vor.u32 v25, v32;
	v33 =	vld.idx.msk [tilespmem:v51+s4+$0x0], $0xffff  }
0xd0: {  	v53 =	vor.u32 v26, v35;
	_ =	sdelay $0x3  }
0xd1: {  	[tilespmem:v52+s19+$0x0] =	vst.idx.msk $0xffff, v33  }
0xd2: {  	v54 =	vor.u32 v27, v32;
	v33 =	vld.idx.msk [tilespmem:v53+s4+$0x0], $0xffff  }
0xd3: {  	v55 =	vor.u32 v28, v35;
	_ =	sdelay $0x3  }
0xd4: {  	[tilespmem:v54+s19+$0x0] =	vst.idx.msk $0xffff, v33  }
0xd5: {  	v56 =	vor.u32 v29, v32;
	v33 =	vld.idx.msk [tilespmem:v55+s4+$0x0], $0xffff  }
0xd6: {  	v35 =	vor.u32 v30, v35;
	_ =	sdelay $0x3  }
0xd7: {  	[tilespmem:v56+s19+$0x0] =	vst.idx.msk $0xffff, v33  }
0xd8: {  	v32 =	vor.u32 v31, v32;
	v33 =	vld.idx.msk [tilespmem:v35+s4+$0x0], $0xffff;
	_ =	sdelay $0x3  }
0xd9: {  	s0 =	sshll.u32 s0, $0xB  }
0xda: {  	s0 =	sadd.s32 s7, s0;
	[tilespmem:v32+s19+$0x0] =	vst.idx.msk $0xffff, v33  }
0xdb: {  	[hbm4b:s0+s4] =	stream.linear.scatter [tilespmem:s19], [sflag:$0x4], $0x4000, $0x38;
	[tilespmem:$0x19000] =	vst v63  }
0xdc: {  	s0 =	sadd.s32 s11, s3  }
0xdd: {  	s2 =	simm.s32 $0x0;
	p3 =	sgt.u32 s0, $0xF41  }
0xde: {  	v57 =	vadd.s32 s2, v0;
	s0 =	sshll.u32 @!p3 s0, $0x8;
	s2 =	simm.s32 @!p3 $0x800  }
0xdf: {  	v58 =	vshll.u32 v57, $0x8;
	v59 =	vshll.u32 v57, $0x7;
	s14 =	simm.s32 @!p3 $0x7A1400;
	s16 =	simm.s32 @!p3 $0x0;
	s0 =	sadd.s32 @!p3 s1, s0  }
0xe0: {  	v34 =	vand.u32 $0x380, v59;
	v33 =	vand.u32 $0x3800, v58;
	[tilespmem:s16], [sflag:$0x1] =	stream.strided.gather @!p3 [hbm4b:s0+s2], $0x4000, s14, s2, $0x38;
	[tilespmem:$0x19000] =	vst v63  }
0xe1: {  	v33 =	vor.u32 v34, v33;
	_ =	swait.ge [sflag:s20], $0x4000  }
0xe2: {  	v34 =	vor.u32 v0, v33;
	[sflag:s20] =	ssyncset.done $0x0  }
0xe3: {  	s0 =	simm.s32 @!p1 $0x5;
	[sflag:s20] =	ssyncadd.s32 $0xFFFFC000  }
0xe4: {  	_ =	swait.ge @!p1 [sflag:s0], $0x4000  }
0xe5: {  	[sflag:s0] =	ssyncset.done @!p1 $0x0  }
0xe6: {  	v32 =	vand.u32 $0x3F, v57;
	[sflag:s0] =	ssyncadd.s32 @!p1 $0xFFFFC000  }
0xe7: {  	v60 =	vor.u32 v1, v32;
	v34 =	vld.idx.msk [tilespmem:v34+s17+$0x0], $0xffff  }
0xe8: {  	v61 =	vor.u32 v2, v33;
	_ =	sdelay $0x3  }
0xe9: {  	[tilespmem:v60+s21+$0x0] =	vst.idx.msk $0xffff, v34  }
0xea: {  	v62 =	vor.u32 v3, v32;
	v34 =	vld.idx.msk [tilespmem:v61+s17+$0x0], $0xffff  }
0xeb: {  	v63 =	vor.u32 v4, v33;
	_ =	sdelay $0x3  }
0xec: {  	[tilespmem:v62+s21+$0x0] =	vst.idx.msk $0xffff, v34  }
0xed: {  	v40 =	vor.u32 v5, v32;
	v34 =	vld.idx.msk [tilespmem:v63+s17+$0x0], $0xffff  }
0xee: {  	v41 =	vor.u32 v6, v33;
	_ =	sdelay $0x3  }
0xef: {  	[tilespmem:v40+s21+$0x0] =	vst.idx.msk $0xffff, v34  }
0xf0: {  	v42 =	vor.u32 v7, v32;
	v34 =	vld.idx.msk [tilespmem:v41+s17+$0x0], $0xffff  }
0xf1: {  	v43 =	vor.u32 v8, v33;
	_ =	sdelay $0x3  }
0xf2: {  	[tilespmem:v42+s21+$0x0] =	vst.idx.msk $0xffff, v34  }
0xf3: {  	v44 =	vor.u32 v9, v32;
	v34 =	vld.idx.msk [tilespmem:v43+s17+$0x0], $0xffff  }
0xf4: {  	v45 =	vor.u32 v10, v33;
	_ =	sdelay $0x3  }
0xf5: {  	[tilespmem:v44+s21+$0x0] =	vst.idx.msk $0xffff, v34  }
0xf6: {  	v46 =	vor.u32 v11, v32;
	v34 =	vld.idx.msk [tilespmem:v45+s17+$0x0], $0xffff  }
0xf7: {  	v47 =	vor.u32 v12, v33;
	_ =	sdelay $0x3  }
0xf8: {  	[tilespmem:v46+s21+$0x0] =	vst.idx.msk $0xffff, v34  }
0xf9: {  	v48 =	vor.u32 v13, v32;
	v34 =	vld.idx.msk [tilespmem:v47+s17+$0x0], $0xffff  }
0xfa: {  	v49 =	vor.u32 v14, v33;
	_ =	sdelay $0x3  }
0xfb: {  	[tilespmem:v48+s21+$0x0] =	vst.idx.msk $0xffff, v34  }
0xfc: {  	v50 =	vor.u32 v15, v32;
	v34 =	vld.idx.msk [tilespmem:v49+s17+$0x0], $0xffff  }
0xfd: {  	v51 =	vor.u32 v16, v33;
	_ =	sdelay $0x3  }
0xfe: {  	[tilespmem:v50+s21+$0x0] =	vst.idx.msk $0xffff, v34  }
0xff: {  	v52 =	vor.u32 v17, v32;
	v34 =	vld.idx.msk [tilespmem:v51+s17+$0x0], $0xffff  }
0x100: {  	v53 =	vor.u32 v18, v33;
	_ =	sdelay $0x3  }
0x101: {  	[tilespmem:v52+s21+$0x0] =	vst.idx.msk $0xffff, v34  }
0x102: {  	v54 =	vor.u32 v19, v32;
	v34 =	vld.idx.msk [tilespmem:v53+s17+$0x0], $0xffff  }
0x103: {  	v55 =	vor.u32 v20, v33;
	_ =	sdelay $0x3  }
0x104: {  	[tilespmem:v54+s21+$0x0] =	vst.idx.msk $0xffff, v34  }
0x105: {  	v56 =	vor.u32 v21, v32;
	v34 =	vld.idx.msk [tilespmem:v55+s17+$0x0], $0xffff  }
0x106: {  	v57 =	vor.u32 v22, v33;
	_ =	sdelay $0x3  }
0x107: {  	[tilespmem:v56+s21+$0x0] =	vst.idx.msk $0xffff, v34  }
0x108: {  	v58 =	vor.u32 v23, v32;
	v34 =	vld.idx.msk [tilespmem:v57+s17+$0x0], $0xffff  }
0x109: {  	v59 =	vor.u32 v24, v33;
	_ =	sdelay $0x3  }
0x10a: {  	[tilespmem:v58+s21+$0x0] =	vst.idx.msk $0xffff, v34  }
0x10b: {  	v60 =	vor.u32 v25, v32;
	v34 =	vld.idx.msk [tilespmem:v59+s17+$0x0], $0xffff  }
0x10c: {  	v61 =	vor.u32 v26, v33;
	_ =	sdelay $0x3  }
0x10d: {  	[tilespmem:v60+s21+$0x0] =	vst.idx.msk $0xffff, v34  }
0x10e: {  	v62 =	vor.u32 v27, v32;
	v34 =	vld.idx.msk [tilespmem:v61+s17+$0x0], $0xffff  }
0x10f: {  	v63 =	vor.u32 v28, v33;
	_ =	sdelay $0x3  }
0x110: {  	[tilespmem:v62+s21+$0x0] =	vst.idx.msk $0xffff, v34  }
0x111: {  	v36 =	vor.u32 v29, v32;
	v35 =	vld.idx.msk [tilespmem:v63+s17+$0x0], $0xffff  }
0x112: {  	v33 =	vor.u32 v30, v33;
	_ =	sdelay $0x1  }
0x113: {  	s16 =	simm.s32 $0x1  }
0x114: {  	s2 =	simm.s32 $0x2;
	s0 =	sadd.s32 s10, s3;
	v34 =	vadd.s32 s16, v0  }
.LBB2_5:
0x115: {  	p3 =	sne.s32 s2, $0x3F;
	v37 =	vshll.u32 v34, $0x8;
	v38 =	vshll.u32 v34, $0x7;
	[tilespmem:v36+s21+$0x0] =	vst.idx.msk $0xffff, v35  }
0x116: {  	v35 =	vand.u32 $0x3800, v37;
	v36 =	vand.u32 $0x380, v38;
	v37 =	vld.idx.msk [tilespmem:v33+s17+$0x0], $0xffff  }
0x117: {  	v32 =	vor.u32 v31, v32;
	v33 =	vor.u32 v36, v35  }
0x118: {  	v35 =	vor.u32 v0, v33;
	_ =	sdelay $0x3  }
0x119: {  	[tilespmem:v32+s21+$0x0] =	vst.idx.msk $0xffff, v37  }
0x11a: {  	v32 =	vand.u32 $0x3F, v34;
	v34 =	vld.idx.msk [tilespmem:v35+s17+$0x0], $0xffff  }
0x11b: {  	v35 =	vor.u32 v1, v32  }
0x11c: {  	v36 =	vor.u32 v2, v33;
	_ =	sdelay $0x3  }
0x11d: {  	[tilespmem:v35+s21+$0x0] =	vst.idx.msk $0xffff, v34  }
0x11e: {  	v34 =	vld.idx.msk [tilespmem:v36+s17+$0x0], $0xffff  }
0x11f: {  	v35 =	vor.u32 v3, v32  }
0x120: {  	v36 =	vor.u32 v4, v33;
	_ =	sdelay $0x3  }
0x121: {  	[tilespmem:v35+s21+$0x0] =	vst.idx.msk $0xffff, v34  }
0x122: {  	v34 =	vld.idx.msk [tilespmem:v36+s17+$0x0], $0xffff  }
0x123: {  	v35 =	vor.u32 v5, v32  }
0x124: {  	v36 =	vor.u32 v6, v33;
	_ =	sdelay $0x3  }
0x125: {  	[tilespmem:v35+s21+$0x0] =	vst.idx.msk $0xffff, v34  }
0x126: {  	v34 =	vld.idx.msk [tilespmem:v36+s17+$0x0], $0xffff  }
0x127: {  	v35 =	vor.u32 v7, v32  }
0x128: {  	v36 =	vor.u32 v8, v33;
	_ =	sdelay $0x3  }
0x129: {  	[tilespmem:v35+s21+$0x0] =	vst.idx.msk $0xffff, v34  }
0x12a: {  	v34 =	vld.idx.msk [tilespmem:v36+s17+$0x0], $0xffff  }
0x12b: {  	v35 =	vor.u32 v9, v32  }
0x12c: {  	v36 =	vor.u32 v10, v33;
	_ =	sdelay $0x3  }
0x12d: {  	[tilespmem:v35+s21+$0x0] =	vst.idx.msk $0xffff, v34  }
0x12e: {  	v34 =	vld.idx.msk [tilespmem:v36+s17+$0x0], $0xffff  }
0x12f: {  	v35 =	vor.u32 v11, v32  }
0x130: {  	v36 =	vor.u32 v12, v33;
	_ =	sdelay $0x3  }
0x131: {  	[tilespmem:v35+s21+$0x0] =	vst.idx.msk $0xffff, v34  }
0x132: {  	v34 =	vld.idx.msk [tilespmem:v36+s17+$0x0], $0xffff  }
0x133: {  	v35 =	vor.u32 v13, v32  }
0x134: {  	v36 =	vor.u32 v14, v33;
	_ =	sdelay $0x3  }
0x135: {  	[tilespmem:v35+s21+$0x0] =	vst.idx.msk $0xffff, v34  }
0x136: {  	v34 =	vld.idx.msk [tilespmem:v36+s17+$0x0], $0xffff  }
0x137: {  	v35 =	vor.u32 v15, v32  }
0x138: {  	v36 =	vor.u32 v16, v33;
	_ =	sdelay $0x3  }
0x139: {  	[tilespmem:v35+s21+$0x0] =	vst.idx.msk $0xffff, v34  }
0x13a: {  	v34 =	vld.idx.msk [tilespmem:v36+s17+$0x0], $0xffff  }
0x13b: {  	v35 =	vor.u32 v17, v32  }
0x13c: {  	v36 =	vor.u32 v18, v33;
	_ =	sdelay $0x3  }
0x13d: {  	[tilespmem:v35+s21+$0x0] =	vst.idx.msk $0xffff, v34  }
0x13e: {  	v34 =	vld.idx.msk [tilespmem:v36+s17+$0x0], $0xffff  }
0x13f: {  	v35 =	vor.u32 v19, v32  }
0x140: {  	v36 =	vor.u32 v20, v33;
	_ =	sdelay $0x3  }
0x141: {  	[tilespmem:v35+s21+$0x0] =	vst.idx.msk $0xffff, v34  }
0x142: {  	v34 =	vld.idx.msk [tilespmem:v36+s17+$0x0], $0xffff  }
0x143: {  	v35 =	vor.u32 v21, v32  }
0x144: {  	v36 =	vor.u32 v22, v33;
	_ =	sdelay $0x3  }
0x145: {  	[tilespmem:v35+s21+$0x0] =	vst.idx.msk $0xffff, v34  }
0x146: {  	v34 =	vld.idx.msk [tilespmem:v36+s17+$0x0], $0xffff  }
0x147: {  	v35 =	vor.u32 v23, v32  }
0x148: {  	v36 =	vor.u32 v24, v33;
	_ =	sdelay $0x3  }
0x149: {  	[tilespmem:v35+s21+$0x0] =	vst.idx.msk $0xffff, v34  }
0x14a: {  	v34 =	vld.idx.msk [tilespmem:v36+s17+$0x0], $0xffff  }
0x14b: {  	v35 =	vor.u32 v25, v32  }
0x14c: {  	v36 =	vor.u32 v26, v33;
	_ =	sdelay $0x3  }
0x14d: {  	[tilespmem:v35+s21+$0x0] =	vst.idx.msk $0xffff, v34  }
0x14e: {  	v34 =	vld.idx.msk [tilespmem:v36+s17+$0x0], $0xffff  }
0x14f: {  	v35 =	vor.u32 v27, v32  }
0x150: {  	v36 =	vor.u32 v28, v33;
	_ =	sdelay $0x3  }
0x151: {  	[tilespmem:v35+s21+$0x0] =	vst.idx.msk $0xffff, v34  }
0x152: {  	v35 =	vld.idx.msk [tilespmem:v36+s17+$0x0], $0xffff  }
.Ltmp5:
0x153: {  	v36 =	vor.u32 v29, v32;
	(pc) =	sbr.rel @p3 .LBB2_5-.Ltmp5, $2  }
0x154: {  	v33 =	vor.u32 v30, v33;
	_ =	sdelay $0x2  }
0x155: {  	v34 =	vadd.s32 s2, v0;
	s2 =	sadd.s32 $0x1, s2  }
0x156: {  	_ =	sdelay $0x2  }
0x157: {  	v37 =	vshll.u32 v34, $0x8;
	v38 =	vshll.u32 v34, $0x7  }
0x158: {  	[tilespmem:v36+s21+$0x0] =	vst.idx.msk $0xffff, v35;
	v58 =	vand.u32 $0x3800, v37;
	v59 =	vand.u32 $0x380, v38  }
0x159: {  	v32 =	vor.u32 v31, v32;
	v33 =	vld.idx.msk [tilespmem:v33+s17+$0x0], $0xffff;
	v35 =	vor.u32 v59, v58  }
0x15a: {  	v36 =	vor.u32 v0, v35;
	_ =	sdelay $0x3  }
0x15b: {  	[tilespmem:v32+s21+$0x0] =	vst.idx.msk $0xffff, v33;
	v32 =	vand.u32 $0x3F, v34  }
0x15c: {  	v34 =	vor.u32 v1, v32;
	v33 =	vld.idx.msk [tilespmem:v36+s17+$0x0], $0xffff  }
0x15d: {  	v60 =	vor.u32 v2, v35;
	_ =	sdelay $0x3  }
0x15e: {  	[tilespmem:v34+s21+$0x0] =	vst.idx.msk $0xffff, v33  }
0x15f: {  	v61 =	vor.u32 v3, v32;
	v33 =	vld.idx.msk [tilespmem:v60+s17+$0x0], $0xffff  }
0x160: {  	v62 =	vor.u32 v4, v35;
	_ =	sdelay $0x3  }
0x161: {  	[tilespmem:v61+s21+$0x0] =	vst.idx.msk $0xffff, v33  }
0x162: {  	v63 =	vor.u32 v5, v32;
	v33 =	vld.idx.msk [tilespmem:v62+s17+$0x0], $0xffff  }
0x163: {  	v40 =	vor.u32 v6, v35;
	_ =	sdelay $0x3  }
0x164: {  	[tilespmem:v63+s21+$0x0] =	vst.idx.msk $0xffff, v33  }
0x165: {  	v41 =	vor.u32 v7, v32;
	v33 =	vld.idx.msk [tilespmem:v40+s17+$0x0], $0xffff  }
0x166: {  	v42 =	vor.u32 v8, v35;
	_ =	sdelay $0x3  }
0x167: {  	[tilespmem:v41+s21+$0x0] =	vst.idx.msk $0xffff, v33  }
0x168: {  	v43 =	vor.u32 v9, v32;
	v33 =	vld.idx.msk [tilespmem:v42+s17+$0x0], $0xffff  }
0x169: {  	v44 =	vor.u32 v10, v35;
	_ =	sdelay $0x3  }
0x16a: {  	[tilespmem:v43+s21+$0x0] =	vst.idx.msk $0xffff, v33  }
0x16b: {  	v45 =	vor.u32 v11, v32;
	v33 =	vld.idx.msk [tilespmem:v44+s17+$0x0], $0xffff  }
0x16c: {  	v46 =	vor.u32 v12, v35;
	_ =	sdelay $0x3  }
0x16d: {  	[tilespmem:v45+s21+$0x0] =	vst.idx.msk $0xffff, v33  }
0x16e: {  	v47 =	vor.u32 v13, v32;
	v33 =	vld.idx.msk [tilespmem:v46+s17+$0x0], $0xffff  }
0x16f: {  	v48 =	vor.u32 v14, v35;
	_ =	sdelay $0x3  }
0x170: {  	[tilespmem:v47+s21+$0x0] =	vst.idx.msk $0xffff, v33  }
0x171: {  	v49 =	vor.u32 v15, v32;
	v33 =	vld.idx.msk [tilespmem:v48+s17+$0x0], $0xffff  }
0x172: {  	v50 =	vor.u32 v16, v35;
	_ =	sdelay $0x3  }
0x173: {  	[tilespmem:v49+s21+$0x0] =	vst.idx.msk $0xffff, v33  }
0x174: {  	v51 =	vor.u32 v17, v32;
	v33 =	vld.idx.msk [tilespmem:v50+s17+$0x0], $0xffff  }
0x175: {  	v52 =	vor.u32 v18, v35;
	_ =	sdelay $0x3  }
0x176: {  	[tilespmem:v51+s21+$0x0] =	vst.idx.msk $0xffff, v33  }
0x177: {  	v53 =	vor.u32 v19, v32;
	v33 =	vld.idx.msk [tilespmem:v52+s17+$0x0], $0xffff  }
0x178: {  	v54 =	vor.u32 v20, v35;
	_ =	sdelay $0x3  }
0x179: {  	[tilespmem:v53+s21+$0x0] =	vst.idx.msk $0xffff, v33  }
0x17a: {  	v55 =	vor.u32 v21, v32;
	v33 =	vld.idx.msk [tilespmem:v54+s17+$0x0], $0xffff  }
0x17b: {  	v56 =	vor.u32 v22, v35;
	_ =	sdelay $0x3  }
0x17c: {  	[tilespmem:v55+s21+$0x0] =	vst.idx.msk $0xffff, v33  }
0x17d: {  	v57 =	vor.u32 v23, v32;
	v33 =	vld.idx.msk [tilespmem:v56+s17+$0x0], $0xffff  }
0x17e: {  	v58 =	vor.u32 v24, v35;
	_ =	sdelay $0x3  }
0x17f: {  	[tilespmem:v57+s21+$0x0] =	vst.idx.msk $0xffff, v33  }
0x180: {  	v59 =	vor.u32 v25, v32;
	v33 =	vld.idx.msk [tilespmem:v58+s17+$0x0], $0xffff  }
0x181: {  	v60 =	vor.u32 v26, v35;
	_ =	sdelay $0x3  }
0x182: {  	[tilespmem:v59+s21+$0x0] =	vst.idx.msk $0xffff, v33  }
0x183: {  	v61 =	vor.u32 v27, v32;
	v33 =	vld.idx.msk [tilespmem:v60+s17+$0x0], $0xffff  }
0x184: {  	v62 =	vor.u32 v28, v35;
	_ =	sdelay $0x3  }
0x185: {  	[tilespmem:v61+s21+$0x0] =	vst.idx.msk $0xffff, v33  }
0x186: {  	v63 =	vor.u32 v29, v32;
	v33 =	vld.idx.msk [tilespmem:v62+s17+$0x0], $0xffff  }
0x187: {  	v35 =	vor.u32 v30, v35;
	_ =	sdelay $0x3  }
0x188: {  	[tilespmem:v63+s21+$0x0] =	vst.idx.msk $0xffff, v33  }
0x189: {  	v32 =	vor.u32 v31, v32;
	v33 =	vld.idx.msk [tilespmem:v35+s17+$0x0], $0xffff;
	_ =	sdelay $0x1  }
.Ltmp6:
0x18a: {  	_ = 	snop;
	(pc) =	sbr.rel @p2 .LBB2_10-.Ltmp6, $4  }
0x18b: {  	_ = 	snop  }
0x18c: {  	s0 =	sshll.u32 s0, $0xB  }
0x18d: {  	s0 =	sadd.s32 s7, s0;
	[tilespmem:v32+s21+$0x0] =	vst.idx.msk $0xffff, v33  }
0x18e: {  	[hbm4b:s0+s4] =	stream.linear.scatter [tilespmem:s21], [sflag:$0x5], $0x4000, $0x38;
	[tilespmem:$0x19000] =	vst v63  }
0x18f: {  	s0 =	sadd.s32 s12, s3  }
0x190: {  	s2 =	simm.s32 $0x0;
	p2 =	sgt.u32 s0, $0xF41  }
0x191: {  	v32 =	vadd.s32 s2, v0;
	s0 =	sshll.u32 @!p2 s0, $0x8;
	s2 =	simm.s32 @!p2 $0x800  }
0x192: {  	s3 =	simm.s32 @!p2 $0x7A1400;
	s14 =	simm.s32 @!p2 $0x4000;
	v33 =	vshll.u32 v32, $0x8;
	v34 =	vshll.u32 v32, $0x7;
	s0 =	sadd.s32 @!p2 s1, s0  }
0x193: {  	v33 =	vand.u32 $0x3800, v33;
	v34 =	vand.u32 $0x380, v34;
	[tilespmem:s14], [sflag:$0x2] =	stream.strided.gather @!p2 [hbm4b:s0+s2], $0x4000, s3, s2, $0x38;
	[tilespmem:$0x19000] =	vst v63  }
0x194: {  	v33 =	vor.u32 v34, v33;
	_ =	swait.ge [sflag:s22], $0x4000  }
0x195: {  	v34 =	vor.u32 v0, v33;
	[sflag:s22] =	ssyncset.done $0x0  }
0x196: {  	s0 =	simm.s32 @!p1 $0x6;
	[sflag:s22] =	ssyncadd.s32 $0xFFFFC000  }
0x197: {  	_ =	swait.ge @!p1 [sflag:s0], $0x4000  }
0x198: {  	[sflag:s0] =	ssyncset.done @!p1 $0x0  }
0x199: {  	v32 =	vand.u32 $0x3F, v32;
	[sflag:s0] =	ssyncadd.s32 @!p1 $0xFFFFC000  }
0x19a: {  	v35 =	vor.u32 v1, v32;
	v34 =	vld.idx.msk [tilespmem:v34+s23+$0x0], $0xffff  }
0x19b: {  	v36 =	vor.u32 v2, v33;
	_ =	sdelay $0x3  }
0x19c: {  	[tilespmem:v35+s24+$0x0] =	vst.idx.msk $0xffff, v34  }
0x19d: {  	v62 =	vor.u32 v3, v32;
	v34 =	vld.idx.msk [tilespmem:v36+s23+$0x0], $0xffff  }
0x19e: {  	v63 =	vor.u32 v4, v33;
	_ =	sdelay $0x3  }
0x19f: {  	[tilespmem:v62+s24+$0x0] =	vst.idx.msk $0xffff, v34  }
0x1a0: {  	v40 =	vor.u32 v5, v32;
	v34 =	vld.idx.msk [tilespmem:v63+s23+$0x0], $0xffff  }
0x1a1: {  	v41 =	vor.u32 v6, v33;
	_ =	sdelay $0x3  }
0x1a2: {  	[tilespmem:v40+s24+$0x0] =	vst.idx.msk $0xffff, v34  }
0x1a3: {  	v42 =	vor.u32 v7, v32;
	v34 =	vld.idx.msk [tilespmem:v41+s23+$0x0], $0xffff  }
0x1a4: {  	v43 =	vor.u32 v8, v33;
	_ =	sdelay $0x3  }
0x1a5: {  	[tilespmem:v42+s24+$0x0] =	vst.idx.msk $0xffff, v34  }
0x1a6: {  	v44 =	vor.u32 v9, v32;
	v34 =	vld.idx.msk [tilespmem:v43+s23+$0x0], $0xffff  }
0x1a7: {  	v45 =	vor.u32 v10, v33;
	_ =	sdelay $0x3  }
0x1a8: {  	[tilespmem:v44+s24+$0x0] =	vst.idx.msk $0xffff, v34  }
0x1a9: {  	v46 =	vor.u32 v11, v32;
	v34 =	vld.idx.msk [tilespmem:v45+s23+$0x0], $0xffff  }
0x1aa: {  	v47 =	vor.u32 v12, v33;
	_ =	sdelay $0x3  }
0x1ab: {  	[tilespmem:v46+s24+$0x0] =	vst.idx.msk $0xffff, v34  }
0x1ac: {  	v48 =	vor.u32 v13, v32;
	v34 =	vld.idx.msk [tilespmem:v47+s23+$0x0], $0xffff  }
0x1ad: {  	v49 =	vor.u32 v14, v33;
	_ =	sdelay $0x3  }
0x1ae: {  	[tilespmem:v48+s24+$0x0] =	vst.idx.msk $0xffff, v34  }
0x1af: {  	v50 =	vor.u32 v15, v32;
	v34 =	vld.idx.msk [tilespmem:v49+s23+$0x0], $0xffff  }
0x1b0: {  	v51 =	vor.u32 v16, v33;
	_ =	sdelay $0x3  }
0x1b1: {  	[tilespmem:v50+s24+$0x0] =	vst.idx.msk $0xffff, v34  }
0x1b2: {  	v52 =	vor.u32 v17, v32;
	v34 =	vld.idx.msk [tilespmem:v51+s23+$0x0], $0xffff  }
0x1b3: {  	v53 =	vor.u32 v18, v33;
	_ =	sdelay $0x3  }
0x1b4: {  	[tilespmem:v52+s24+$0x0] =	vst.idx.msk $0xffff, v34  }
0x1b5: {  	v54 =	vor.u32 v19, v32;
	v34 =	vld.idx.msk [tilespmem:v53+s23+$0x0], $0xffff  }
0x1b6: {  	v55 =	vor.u32 v20, v33;
	_ =	sdelay $0x3  }
0x1b7: {  	[tilespmem:v54+s24+$0x0] =	vst.idx.msk $0xffff, v34  }
0x1b8: {  	v56 =	vor.u32 v21, v32;
	v34 =	vld.idx.msk [tilespmem:v55+s23+$0x0], $0xffff  }
0x1b9: {  	v57 =	vor.u32 v22, v33;
	_ =	sdelay $0x3  }
0x1ba: {  	[tilespmem:v56+s24+$0x0] =	vst.idx.msk $0xffff, v34  }
0x1bb: {  	v58 =	vor.u32 v23, v32;
	v34 =	vld.idx.msk [tilespmem:v57+s23+$0x0], $0xffff  }
0x1bc: {  	v59 =	vor.u32 v24, v33;
	_ =	sdelay $0x3  }
0x1bd: {  	[tilespmem:v58+s24+$0x0] =	vst.idx.msk $0xffff, v34  }
0x1be: {  	v60 =	vor.u32 v25, v32;
	v34 =	vld.idx.msk [tilespmem:v59+s23+$0x0], $0xffff  }
0x1bf: {  	v61 =	vor.u32 v26, v33;
	_ =	sdelay $0x3  }
0x1c0: {  	[tilespmem:v60+s24+$0x0] =	vst.idx.msk $0xffff, v34  }
0x1c1: {  	v62 =	vor.u32 v27, v32;
	v34 =	vld.idx.msk [tilespmem:v61+s23+$0x0], $0xffff  }
0x1c2: {  	v63 =	vor.u32 v28, v33;
	_ =	sdelay $0x3  }
0x1c3: {  	[tilespmem:v62+s24+$0x0] =	vst.idx.msk $0xffff, v34  }
0x1c4: {  	v36 =	vor.u32 v29, v32;
	v35 =	vld.idx.msk [tilespmem:v63+s23+$0x0], $0xffff  }
0x1c5: {  	v33 =	vor.u32 v30, v33;
	_ =	sdelay $0x1  }
0x1c6: {  	s16 =	simm.s32 $0x1  }
0x1c7: {  	s0 =	simm.s32 $0x2;
	v34 =	vadd.s32 s16, v0  }
.LBB2_8:
0x1c8: {  	p1 =	sne.s32 s0, $0x3F;
	v37 =	vshll.u32 v34, $0x8;
	v38 =	vshll.u32 v34, $0x7;
	[tilespmem:v36+s24+$0x0] =	vst.idx.msk $0xffff, v35  }
0x1c9: {  	v35 =	vand.u32 $0x3800, v37;
	v36 =	vand.u32 $0x380, v38;
	v37 =	vld.idx.msk [tilespmem:v33+s23+$0x0], $0xffff  }
0x1ca: {  	v32 =	vor.u32 v31, v32;
	v33 =	vor.u32 v36, v35  }
0x1cb: {  	v35 =	vor.u32 v0, v33;
	_ =	sdelay $0x3  }
0x1cc: {  	[tilespmem:v32+s24+$0x0] =	vst.idx.msk $0xffff, v37  }
0x1cd: {  	v32 =	vand.u32 $0x3F, v34;
	v34 =	vld.idx.msk [tilespmem:v35+s23+$0x0], $0xffff  }
0x1ce: {  	v35 =	vor.u32 v1, v32  }
0x1cf: {  	v36 =	vor.u32 v2, v33;
	_ =	sdelay $0x3  }
0x1d0: {  	[tilespmem:v35+s24+$0x0] =	vst.idx.msk $0xffff, v34  }
0x1d1: {  	v34 =	vld.idx.msk [tilespmem:v36+s23+$0x0], $0xffff  }
0x1d2: {  	v35 =	vor.u32 v3, v32  }
0x1d3: {  	v36 =	vor.u32 v4, v33;
	_ =	sdelay $0x3  }
0x1d4: {  	[tilespmem:v35+s24+$0x0] =	vst.idx.msk $0xffff, v34  }
0x1d5: {  	v34 =	vld.idx.msk [tilespmem:v36+s23+$0x0], $0xffff  }
0x1d6: {  	v35 =	vor.u32 v5, v32  }
0x1d7: {  	v36 =	vor.u32 v6, v33;
	_ =	sdelay $0x3  }
0x1d8: {  	[tilespmem:v35+s24+$0x0] =	vst.idx.msk $0xffff, v34  }
0x1d9: {  	v34 =	vld.idx.msk [tilespmem:v36+s23+$0x0], $0xffff  }
0x1da: {  	v35 =	vor.u32 v7, v32  }
0x1db: {  	v36 =	vor.u32 v8, v33;
	_ =	sdelay $0x3  }
0x1dc: {  	[tilespmem:v35+s24+$0x0] =	vst.idx.msk $0xffff, v34  }
0x1dd: {  	v34 =	vld.idx.msk [tilespmem:v36+s23+$0x0], $0xffff  }
0x1de: {  	v35 =	vor.u32 v9, v32  }
0x1df: {  	v36 =	vor.u32 v10, v33;
	_ =	sdelay $0x3  }
0x1e0: {  	[tilespmem:v35+s24+$0x0] =	vst.idx.msk $0xffff, v34  }
0x1e1: {  	v34 =	vld.idx.msk [tilespmem:v36+s23+$0x0], $0xffff  }
0x1e2: {  	v35 =	vor.u32 v11, v32  }
0x1e3: {  	v36 =	vor.u32 v12, v33;
	_ =	sdelay $0x3  }
0x1e4: {  	[tilespmem:v35+s24+$0x0] =	vst.idx.msk $0xffff, v34  }
0x1e5: {  	v34 =	vld.idx.msk [tilespmem:v36+s23+$0x0], $0xffff  }
0x1e6: {  	v35 =	vor.u32 v13, v32  }
0x1e7: {  	v36 =	vor.u32 v14, v33;
	_ =	sdelay $0x3  }
0x1e8: {  	[tilespmem:v35+s24+$0x0] =	vst.idx.msk $0xffff, v34  }
0x1e9: {  	v34 =	vld.idx.msk [tilespmem:v36+s23+$0x0], $0xffff  }
0x1ea: {  	v35 =	vor.u32 v15, v32  }
0x1eb: {  	v36 =	vor.u32 v16, v33;
	_ =	sdelay $0x3  }
0x1ec: {  	[tilespmem:v35+s24+$0x0] =	vst.idx.msk $0xffff, v34  }
0x1ed: {  	v34 =	vld.idx.msk [tilespmem:v36+s23+$0x0], $0xffff  }
0x1ee: {  	v35 =	vor.u32 v17, v32  }
0x1ef: {  	v36 =	vor.u32 v18, v33;
	_ =	sdelay $0x3  }
0x1f0: {  	[tilespmem:v35+s24+$0x0] =	vst.idx.msk $0xffff, v34  }
0x1f1: {  	v34 =	vld.idx.msk [tilespmem:v36+s23+$0x0], $0xffff  }
0x1f2: {  	v35 =	vor.u32 v19, v32  }
0x1f3: {  	v36 =	vor.u32 v20, v33;
	_ =	sdelay $0x3  }
0x1f4: {  	[tilespmem:v35+s24+$0x0] =	vst.idx.msk $0xffff, v34  }
0x1f5: {  	v34 =	vld.idx.msk [tilespmem:v36+s23+$0x0], $0xffff  }
0x1f6: {  	v35 =	vor.u32 v21, v32  }
0x1f7: {  	v36 =	vor.u32 v22, v33;
	_ =	sdelay $0x3  }
0x1f8: {  	[tilespmem:v35+s24+$0x0] =	vst.idx.msk $0xffff, v34  }
0x1f9: {  	v34 =	vld.idx.msk [tilespmem:v36+s23+$0x0], $0xffff  }
0x1fa: {  	v35 =	vor.u32 v23, v32  }
0x1fb: {  	v36 =	vor.u32 v24, v33;
	_ =	sdelay $0x3  }
0x1fc: {  	[tilespmem:v35+s24+$0x0] =	vst.idx.msk $0xffff, v34  }
0x1fd: {  	v34 =	vld.idx.msk [tilespmem:v36+s23+$0x0], $0xffff  }
0x1fe: {  	v35 =	vor.u32 v25, v32  }
0x1ff: {  	v36 =	vor.u32 v26, v33;
	_ =	sdelay $0x3  }
0x200: {  	[tilespmem:v35+s24+$0x0] =	vst.idx.msk $0xffff, v34  }
0x201: {  	v34 =	vld.idx.msk [tilespmem:v36+s23+$0x0], $0xffff  }
0x202: {  	v35 =	vor.u32 v27, v32  }
0x203: {  	v36 =	vor.u32 v28, v33;
	_ =	sdelay $0x3  }
0x204: {  	[tilespmem:v35+s24+$0x0] =	vst.idx.msk $0xffff, v34  }
0x205: {  	v35 =	vld.idx.msk [tilespmem:v36+s23+$0x0], $0xffff  }
.Ltmp7:
0x206: {  	v36 =	vor.u32 v29, v32;
	(pc) =	sbr.rel @p1 .LBB2_8-.Ltmp7, $2  }
0x207: {  	v33 =	vor.u32 v30, v33;
	_ =	sdelay $0x2  }
0x208: {  	v34 =	vadd.s32 s0, v0;
	s0 =	sadd.s32 $0x1, s0  }
0x209: {  	_ =	sdelay $0x2  }
0x20a: {  	v37 =	vshll.u32 v34, $0x8;
	v38 =	vshll.u32 v34, $0x7  }
0x20b: {  	[tilespmem:v36+s24+$0x0] =	vst.idx.msk $0xffff, v35;
	v58 =	vand.u32 $0x3800, v37;
	v59 =	vand.u32 $0x380, v38  }
0x20c: {  	v32 =	vor.u32 v31, v32;
	v33 =	vld.idx.msk [tilespmem:v33+s23+$0x0], $0xffff;
	v35 =	vor.u32 v59, v58  }
0x20d: {  	v36 =	vor.u32 v0, v35;
	_ =	sdelay $0x3  }
0x20e: {  	[tilespmem:v32+s24+$0x0] =	vst.idx.msk $0xffff, v33;
	v32 =	vand.u32 $0x3F, v34  }
0x20f: {  	v34 =	vor.u32 v1, v32;
	v33 =	vld.idx.msk [tilespmem:v36+s23+$0x0], $0xffff  }
0x210: {  	v60 =	vor.u32 v2, v35;
	_ =	sdelay $0x3  }
0x211: {  	[tilespmem:v34+s24+$0x0] =	vst.idx.msk $0xffff, v33  }
0x212: {  	v61 =	vor.u32 v3, v32;
	v33 =	vld.idx.msk [tilespmem:v60+s23+$0x0], $0xffff  }
0x213: {  	v62 =	vor.u32 v4, v35;
	_ =	sdelay $0x3  }
0x214: {  	[tilespmem:v61+s24+$0x0] =	vst.idx.msk $0xffff, v33  }
0x215: {  	v63 =	vor.u32 v5, v32;
	v33 =	vld.idx.msk [tilespmem:v62+s23+$0x0], $0xffff  }
0x216: {  	v40 =	vor.u32 v6, v35;
	_ =	sdelay $0x3  }
0x217: {  	[tilespmem:v63+s24+$0x0] =	vst.idx.msk $0xffff, v33  }
0x218: {  	v41 =	vor.u32 v7, v32;
	v33 =	vld.idx.msk [tilespmem:v40+s23+$0x0], $0xffff  }
0x219: {  	v42 =	vor.u32 v8, v35;
	_ =	sdelay $0x3  }
0x21a: {  	[tilespmem:v41+s24+$0x0] =	vst.idx.msk $0xffff, v33  }
0x21b: {  	v43 =	vor.u32 v9, v32;
	v33 =	vld.idx.msk [tilespmem:v42+s23+$0x0], $0xffff  }
0x21c: {  	v44 =	vor.u32 v10, v35;
	_ =	sdelay $0x3  }
0x21d: {  	[tilespmem:v43+s24+$0x0] =	vst.idx.msk $0xffff, v33  }
0x21e: {  	v45 =	vor.u32 v11, v32;
	v33 =	vld.idx.msk [tilespmem:v44+s23+$0x0], $0xffff  }
0x21f: {  	v46 =	vor.u32 v12, v35;
	_ =	sdelay $0x3  }
0x220: {  	[tilespmem:v45+s24+$0x0] =	vst.idx.msk $0xffff, v33  }
0x221: {  	v47 =	vor.u32 v13, v32;
	v33 =	vld.idx.msk [tilespmem:v46+s23+$0x0], $0xffff  }
0x222: {  	v48 =	vor.u32 v14, v35;
	_ =	sdelay $0x3  }
0x223: {  	[tilespmem:v47+s24+$0x0] =	vst.idx.msk $0xffff, v33  }
0x224: {  	v49 =	vor.u32 v15, v32;
	v33 =	vld.idx.msk [tilespmem:v48+s23+$0x0], $0xffff  }
0x225: {  	v50 =	vor.u32 v16, v35;
	_ =	sdelay $0x3  }
0x226: {  	[tilespmem:v49+s24+$0x0] =	vst.idx.msk $0xffff, v33  }
0x227: {  	v51 =	vor.u32 v17, v32;
	v33 =	vld.idx.msk [tilespmem:v50+s23+$0x0], $0xffff  }
0x228: {  	v52 =	vor.u32 v18, v35;
	_ =	sdelay $0x3  }
0x229: {  	[tilespmem:v51+s24+$0x0] =	vst.idx.msk $0xffff, v33  }
0x22a: {  	v53 =	vor.u32 v19, v32;
	v33 =	vld.idx.msk [tilespmem:v52+s23+$0x0], $0xffff  }
0x22b: {  	v54 =	vor.u32 v20, v35;
	_ =	sdelay $0x3  }
0x22c: {  	[tilespmem:v53+s24+$0x0] =	vst.idx.msk $0xffff, v33  }
0x22d: {  	v55 =	vor.u32 v21, v32;
	v33 =	vld.idx.msk [tilespmem:v54+s23+$0x0], $0xffff  }
0x22e: {  	v56 =	vor.u32 v22, v35;
	_ =	sdelay $0x3  }
0x22f: {  	[tilespmem:v55+s24+$0x0] =	vst.idx.msk $0xffff, v33  }
0x230: {  	v57 =	vor.u32 v23, v32;
	v33 =	vld.idx.msk [tilespmem:v56+s23+$0x0], $0xffff  }
0x231: {  	v58 =	vor.u32 v24, v35;
	_ =	sdelay $0x3  }
0x232: {  	[tilespmem:v57+s24+$0x0] =	vst.idx.msk $0xffff, v33  }
0x233: {  	v59 =	vor.u32 v25, v32;
	v33 =	vld.idx.msk [tilespmem:v58+s23+$0x0], $0xffff  }
0x234: {  	v60 =	vor.u32 v26, v35;
	_ =	sdelay $0x3  }
0x235: {  	[tilespmem:v59+s24+$0x0] =	vst.idx.msk $0xffff, v33  }
0x236: {  	v61 =	vor.u32 v27, v32;
	v33 =	vld.idx.msk [tilespmem:v60+s23+$0x0], $0xffff  }
0x237: {  	v62 =	vor.u32 v28, v35;
	_ =	sdelay $0x3  }
0x238: {  	[tilespmem:v61+s24+$0x0] =	vst.idx.msk $0xffff, v33  }
0x239: {  	v63 =	vor.u32 v29, v32;
	v33 =	vld.idx.msk [tilespmem:v62+s23+$0x0], $0xffff  }
0x23a: {  	v35 =	vor.u32 v30, v35;
	_ =	sdelay $0x3  }
0x23b: {  	[tilespmem:v63+s24+$0x0] =	vst.idx.msk $0xffff, v33  }
0x23c: {  	v32 =	vor.u32 v31, v32;
	v33 =	vld.idx.msk [tilespmem:v35+s23+$0x0], $0xffff;
	_ =	sdelay $0x1  }
.Ltmp8:
0x23d: {  	_ = 	snop;
	(pc) =	sbr.rel .LBB2_10-.Ltmp8, $4  }
0x23e: {  	_ = 	snop  }
0x23f: {  	s0 =	sshll.u32 s31, $0xB  }
0x240: {  	s0 =	sadd.s32 s7, s0;
	[tilespmem:v32+s24+$0x0] =	vst.idx.msk $0xffff, v33  }
0x241: {  	[hbm4b:s0+s4] =	stream.linear.scatter [tilespmem:s24], [sflag:$0x6], $0x4000, $0x38;
	[tilespmem:$0x19000] =	vst v63  }
.LBB2_12:
0x242: {  	_ =	sfence.sel $0x180000  }
0x243: {  	[bflag:$0x0] =	sbarrier.arrive $0xFFFF  }
0x244: {  	_ =	strace $0x90000047  }
0x245: {  	s0 =	stileid.u32;
	[bflag:$0x2] =	sbarrier.arrive $0xFFFF  }
0x246: {  	p0 =	sne.s32 s0, $0x0;
	s0 =	rddreg [dreg:$0x3]  }
0x247: {  	s0 =	sadd.s32 @!p0 $0x100000, s0  }
0x248: {  	[sflag:s0] =	ssyncadd.tile.s32 @!p0 $0x1;
	_ =	shalt  }
.Lfunc_end2:
_tile_overlayer_lowered:
.L_overlay_start_2:
0x249: {  	(tag) =	ssettag $0x2  }
0x24a: {  	s0 =	rddreg [dreg:$0x0];
	s2 =	stileid.u32  }
0x24b: {  	s1 =	rddreg [dreg:$0x1];
	p0 =	sne.s32 s2, $0x0  }
0x24c: {  	s3 =	rddreg [dreg:$0x2];
	[bflag:$0x3] =	sbarrier.arrive $0xFFFF;
	s2 =	simm.s32 @!p0 $0x1C07  }
0x24d: {  	[timem:s3], [sflag:s2] =	dma.local @!p0 [hbm:s0], s1  }
0x24e: {  	s0 =	simm.s32 @!p0 $0x7  }
0x24f: {  	_ =	swait.ge @!p0 [sflag:s0], s1  }
0x250: {  	s1 =	ssub.s32 @!p0 $0x0, s1;
	[sflag:s0] =	ssyncset.done @!p0 $0x0  }
0x251: {  	[sflag:s0] =	ssyncadd.s32 @!p0 s1  }
0x252: {  	[bflag:$0x3] =	sbarrier.arrive $0xFFFF  }
0x253: {  	_ =	shalt  }

// kernel: kernel.7.cloned.1.call-start
scs
__scs_entry_jumppad:
0x0: {  	(pc) =	sbr.rel $0x88, $3  }
0x1: {  	(tag) =	ssettag $0x0;
	lr =	simm.s32 $0x1  }
0x2: {  	[smem:$0x3F9F] =	sst lr;
	_ =	strace $0xD0000000  }
0x3: {  	_ = 	snop  }
0x4: {  	_ = 	snop  }
0x5: {  	_ = 	snop  }
0x6: {  	_ = 	snop  }
0x7: {  	_ = 	snop  }
__scs_overlays_trampoline_lowered:
0x8: {  	[smem:$0x3FAE] =	sst s0  }
0x9: {  	[smem:$0x3FAF] =	sst s1  }
0xa: {  	[smem:$0x3FB0] =	sst s2  }
0xb: {  	[smem:$0x3FB1] =	sst s3  }
0xc: {  	[smem:$0x3FB2] =	sst s4  }
0xd: {  	[smem:$0x3FB3] =	sst s5  }
0xe: {  	[smem:$0x3FB4] =	sst s6  }
0xf: {  	[smem:$0x3FB5] =	sst s7  }
0x10: {  	[smem:$0x3FB6] =	sst s8  }
0x11: {  	[smem:$0x3FB7] =	sst s9;
	s0 =	simm.s32 @!p0 $0x0  }
0x12: {  	s1 =	sld [smem:$0x3F9D];
	s0 =	simm.s32 @p0 $0x1  }
0x13: {  	[smem:$0x3FB8] =	sst s0;
	s0 =	simm.s32 @!p1 $0x0  }
0x14: {  	s2 =	sld [smem:$0x3F9C];
	s0 =	simm.s32 @p1 $0x1  }
0x15: {  	[smem:$0x3FB9] =	sst s0;
	s0 =	simm.s32 @!p2 $0x0  }
0x16: {  	s3 =	sld [smem:$0x3FDB];
	s0 =	simm.s32 @p2 $0x1  }
0x17: {  	s4 =	simm.s32 $0x1BF5;
	[smem:$0x3FBB] =	sst s0  }
0x18: {  	s0 =	sld [smem:$0x3F9E];
	_ =	swait.ge [sflag:s4], $0x0  }
0x19: {  	s7 =	sld [smem:$0x3F9F]  }
0x1a: {  	s8 =	sadd.s32 $0xFFFFE003, lr  }
0x1b: {  	s9 =	sadd.s32 $0xFFFFFEF7, lr;
	s5 =	simm.s32 $0xFFFFFFFF;
	p2 =	slt.u32 s8, $0xFFFFF086  }
0x1c: {  	p1 =	slt.u32 s9, $0xF7A;
	s5 =	simm.s32 @!p2 $0x0  }
0x1d: {  	s5 =	simm.s32 @p1 $0x1;
	p0 =	seq.s32 s7, s2  }
0x1e: {  	s7 =	smul.u32 @!p0 $0xF7A, s2;
	p2 =	seq.s32 @!p0 s5, $0x0  }
0x1f: {  	s9 =	smul.u32 $0xF7A, s1;
	s8 =	simm.s32 @!p0 $0x1BF5;
	p2 =	por !p2, p0  }
0x20: {  	[sflag:s8] =	ssyncset.s32 @!p0 $0xFFFFF086;
	s6 =	sadd.s32 @!p0 s3, s7;
	s7 =	simm.s32 @!p0 $0x108  }
0x21: {  	s3 =	sadd.s32 s3, s9;
	s6 =	sadd.s32 @!p0 $0x88, s6;
	s7 =	simm.s32 @p2 $0x1082  }
0x22: {  	[simem:s7], [sflag:s8] =	dma.local @!p0 [hbm:s6], $0xF7A  }
0x23: {  	s9 =	sor.u32 $0xD0000000, s2;
	s6 =	simm.s32 $0x108;
	_ =	swait.ge @!p0 [sflag:s8], $0x0  }
0x24: {  	s3 =	sadd.s32 $0x88, s3;
	s6 =	simm.s32 @!p1 $0x1082;
	[sflag:s4] =	ssyncset.s32 $0xFFFFF086  }
0x25: {  	[simem:s6], [sflag:s4] =	dma.local [hbm:s3], $0xF7A  }
0x26: {  	[smem:$0x3F9F] =	sst s1;
	(tag) =	ssettag s2;
	_ =	strace s9  }
0x27: {  	s1 =	sld [smem:$0x3FAF]  }
0x28: {  	s2 =	sld [smem:$0x3FB0]  }
0x29: {  	s4 =	sld [smem:$0x3FB2]  }
0x2a: {  	p0 =	seq.s32 s5, $0x0;
	s5 =	sld [smem:$0x3FB3]  }
0x2b: {  	s6 =	sld [smem:$0x3FB4]  }
0x2c: {  	s7 =	sld [smem:$0x3FB5]  }
0x2d: {  	s3 =	simm.s32 $0x108;
	s8 =	sld [smem:$0x3FB6]  }
0x2e: {  	s3 =	simm.s32 @!p0 $0x1082;
	s9 =	sld [smem:$0x3FB7]  }
0x2f: {  	lr =	sadd.s32 s0, s3;
	s0 =	sld [smem:$0x3FAE]  }
0x30: {  	s3 =	sld [smem:$0x3FB1]  }
0x31: {  	[smem:$0x3FBA] =	sst s10  }
0x32: {  	s10 =	sld [smem:$0x3FB8];
	_ =	sdelay $0x3  }
0x33: {  	p0 =	seq.s32 s10, $0x1;
	s10 =	sld [smem:$0x3FBA];
	_ =	sdelay $0x3  }
0x34: {  	[smem:$0x3FBA] =	sst s10  }
0x35: {  	s10 =	sld [smem:$0x3FB9];
	_ =	sdelay $0x3  }
0x36: {  	p1 =	seq.s32 s10, $0x1;
	s10 =	sld [smem:$0x3FBA];
	_ =	sdelay $0x3  }
0x37: {  	[smem:$0x3FBA] =	sst s10  }
0x38: {  	s10 =	sld [smem:$0x3FBB]  }
0x39: {  	_ = 	snop;
	(pc) =	sbr.ind lr, $3  }
0x3a: {  	_ = 	snop  }
0x3b: {  	_ = 	snop  }
0x3c: {  	p2 =	seq.s32 s10, $0x1;
	s10 =	sld [smem:$0x3FBA]  }
0x3d: {  	_ =	shalt  }
0x3e: {  	_ =	shalt  }
0x3f: {  	_ =	shalt  }
0x40: {  	_ =	shalt  }
0x41: {  	_ =	shalt  }
0x42: {  	_ =	shalt  }
0x43: {  	_ =	shalt  }
0x44: {  	_ =	shalt  }
0x45: {  	_ =	shalt  }
0x46: {  	_ =	shalt  }
0x47: {  	_ =	shalt  }
0x48: {  	_ =	shalt  }
0x49: {  	_ =	shalt  }
0x4a: {  	_ =	shalt  }
0x4b: {  	_ =	shalt  }
0x4c: {  	_ =	shalt  }
0x4d: {  	_ =	shalt  }
0x4e: {  	_ =	shalt  }
0x4f: {  	_ =	shalt  }
0x50: {  	_ =	shalt  }
0x51: {  	_ =	shalt  }
0x52: {  	_ =	shalt  }
0x53: {  	_ =	shalt  }
0x54: {  	_ =	shalt  }
0x55: {  	_ =	shalt  }
0x56: {  	_ =	shalt  }
0x57: {  	_ =	shalt  }
0x58: {  	_ =	shalt  }
0x59: {  	_ =	shalt  }
0x5a: {  	_ =	shalt  }
0x5b: {  	_ =	shalt  }
0x5c: {  	_ =	shalt  }
0x5d: {  	_ =	shalt  }
0x5e: {  	_ =	shalt  }
0x5f: {  	_ =	shalt  }
0x60: {  	_ =	shalt  }
0x61: {  	_ =	shalt  }
0x62: {  	_ =	shalt  }
0x63: {  	_ =	shalt  }
0x64: {  	_ =	shalt  }
0x65: {  	_ =	shalt  }
0x66: {  	_ =	shalt  }
0x67: {  	_ =	shalt  }
0x68: {  	_ =	shalt  }
0x69: {  	_ =	shalt  }
0x6a: {  	_ =	shalt  }
0x6b: {  	_ =	shalt  }
0x6c: {  	_ =	shalt  }
0x6d: {  	_ =	shalt  }
0x6e: {  	_ =	shalt  }
0x6f: {  	_ =	shalt  }
0x70: {  	_ =	shalt  }
0x71: {  	_ =	shalt  }
0x72: {  	_ =	shalt  }
0x73: {  	_ =	shalt  }
0x74: {  	_ =	shalt  }
0x75: {  	_ =	shalt  }
0x76: {  	_ =	shalt  }
0x77: {  	_ =	shalt  }
0x78: {  	_ =	shalt  }
0x79: {  	_ =	shalt  }
0x7a: {  	_ =	shalt  }
0x7b: {  	_ =	shalt  }
0x7c: {  	_ =	shalt  }
0x7d: {  	_ =	shalt  }
0x7e: {  	_ =	shalt  }
0x7f: {  	_ =	shalt  }
0x80: {  	_ =	shalt  }
0x81: {  	_ =	shalt  }
0x82: {  	_ =	shalt  }
0x83: {  	_ =	shalt  }
0x84: {  	_ =	shalt  }
0x85: {  	_ =	shalt  }
0x86: {  	_ =	shalt  }
0x87: {  	_ =	shalt  }
.Lfunc_end0:
.L_simem_size_0:
called_computation.1_lowered:
.L_overlay_start_0:
0x88: {  	s2 =	sld [smem:$0x3FD9]  }
0x89: {  	s3 =	sld [smem:$0x3FFE];
	_ =	sdelay $0x1  }
0x8a: {  	s1 =	srdreg.scid  }
0x8b: {  	s0 =	sand.u32 $0x1, s1  }
0x8c: {  	s17 =	sshll.u32 s0, $0xA;
	s2 =	sadd.s32 s3, s2  }
0x8d: {  	s2 =	sadd.s32 s2, s17  }
0x8e: {  	[smem:$0x3FC6] =	sst s2  }
0x8f: {  	_ = 	snop  }
0x90: {  	s2 =	sld [smem:$0x3FC9]  }
0x91: {  	s18 =	sld [smem:$0x3FD0];
	(tm) =	ssettm $0x1  }
0x92: {  	s4 =	sld [smem:$0x3FFB];
	_ =	sdelay $0x3  }
0x93: {  	_ =	strace s4  }
0x94: {  	s4 =	sld [smem:$0x3FFC];
	_ =	sdelay $0x3  }
0x95: {  	_ =	strace s4  }
0x96: {  	s4 =	sld [smem:$0x3FFD];
	_ =	sdelay $0x3  }
0x97: {  	_ =	strace s4  }
0x98: {  	_ =	strace $0x8FFFFFFF  }
0x99: {  	s19 =	sld [smem:$0x3FDB];
	_ =	sdelay $0x1  }
0x9a: {  	s5 =	simm.s32 $_scs_section_size  }
0x9b: {  	s6 =	simm.s32 $_size__tile_overlayer_lowered;
	s7 =	simm.s32 $_tile_overlayer_lowered  }
0x9c: {  	s22 =	simm.s32 $0x1BFF;
	s21 =	sshll.u32 s7, $0x1;
	s4 =	sadd.s32 s5, s19  }
0x9d: {  	s8 =	simm.s32 $0x0;
	s20 =	sshll.u32 s6, $0x1;
	s6 =	sadd.s32 s21, s4  }
0x9e: {  	[timem:s8], [sflag:s22] =	dma.local [hbm:s6], s20  }
0x9f: {  	_ =	swait.ge [sflag:s22], s20  }
0xa0: {  	s5 =	ssub.s32 $0x0, s20;
	[sflag:s22] =	ssyncset.done $0x0  }
0xa1: {  	[sflag:s22] =	ssyncadd.s32 s5;
	_ =	sdelay $0x1  }
0xa2: {  	s23 =	simm.s32 $0x1B8B  }
0xa3: {  	_ =	swait.ge [sflag:s23], $0x1  }
0xa4: {  	[sflag:s23] =	ssyncset.done $0x0  }
0xa5: {  	s25 =	simm.s32 $0x1B8E;
	s24 =	sld [smem:$0x3FFE];
	[sflag:s23] =	ssyncadd.s32 $0xFFFFFFFF  }
0xa6: {  	s26 =	simm.s32 $execute0_lowered;
	[smem:$0x3FD2] =	sst s25  }
0xa7: {  	s6 =	sshll.u32 s26, $0x1;
	_ =	strace $0x80000049;
	[dreg:$0x1] =	wrdreg $0xFFFFFFFF  }
0xa8: {  	s28 =	simm.s32 $_size_execute0_lowered;
	s4 =	sadd.s32 s4, s6;
	[dreg:$0x0] =	wrdreg $0x0  }
0xa9: {  	s6 =	sshll.u32 s28, $0x1;
	[dreg:$0x2] =	wrdreg s4  }
0xaa: {  	[dreg:$0x3] =	wrdreg s6  }
0xab: {  	[dreg:$0x4] =	wrdreg $0xC0  }
0xac: {  	_ =	task [dreg:s8], $0x5FFFF  }
0xad: {  	[dreg:$0x1] =	wrdreg $0xFFFFFFFF  }
0xae: {  	[dreg:$0x0] =	wrdreg $0x60  }
0xaf: {  	[dreg:$0x2] =	wrdreg s2  }
0xb0: {  	[dreg:$0x3] =	wrdreg s24  }
0xb1: {  	[dreg:$0x4] =	wrdreg s18  }
0xb2: {  	[dreg:$0x5] =	wrdreg $0x9  }
0xb3: {  	_ =	task.clear_ibuf [dreg:s8], $0x6FFFF;
	_ =	strace $0x90000049  }
0xb4: {  	s29 =	simm.s32 $0x9;
	_ =	strace $0x8000004B  }
0xb5: {  	_ =	swait.ge [sflag:s29], $0x1  }
0xb6: {  	[sflag:s29] =	ssyncadd.s32 $0xFFFFFFFF  }
0xb7: {  	_ =	strace $0x9000004B  }
0xb8: {  	_ =	sfence  }
0xb9: {  	s30 =	sld [smem:$0x0];
	_ =	sdelay $0x2  }
0xba: {  	s31 =	sshll.u32 s1, $0xD;
	s1 =	sshrl.u32 s1, $0x2  }
0xbb: {  	s3 =	sand.u32 $0x4000, s31;
	s1 =	sadd.s32 s1, s30  }
0xbc: {  	s0 =	sor.u32 s3, s0;
	s1 =	sshll.u32 s1, $0x11  }
0xbd: {  	s0 =	sor.u32 s1, s0  }
0xbe: {  	s0 =	sadd.s32 $0x8F2B, s0  }
0xbf: {  	[sflag:s0] =	ssyncadd.remote.s32 $0x1  }
0xc0: {  	_ =	sfence.sel $0xFFFF  }
0xc1: {  	[dreg:$0x0] =	wrdreg $0xFFFFFFFF;
	(pc) =	sbr.abs _section_cstart, $3  }
0xc2: {  	[dreg:$0x1] =	wrdreg $0xFFFFFFFF  }
0xc3: {  	_ =	task.clear_ibuf [dreg:s8], $0x2FFFF;
	_ =	strace $0x9FFFFFFF  }
0xc4: {  	(tm) =	ssettm $0x7FFFFFFF  }
0xc5: {  	_ =	shalt  }
tec
execute0_lowered:
.L_overlay_start_1:
0x0: {  	(tag) =	ssettag $0x1  }
0x1: {  	s6 =	rddreg [dreg:$0x0]  }
0x2: {  	s5 =	rddreg [dreg:$0x1]  }
0x3: {  	s1 =	rddreg [dreg:$0x2]  }
0x4: {  	s0 =	rddreg [dreg:$0x3]  }
0x5: {  	s3 =	simm.s32 $0x0;
	s4 =	srdreg.scid;
	s2 =	stileid.u32  }
0x6: {  	s10 =	simm.s32 $0x5;
	s11 =	simm.s32 $0x80;
	s12 =	simm.s32 $0xC800  }
0x7: {  	s13 =	simm.s32 $0x10800;
	s14 =	simm.s32 $0x1;
	s15 =	simm.s32 $0x14800  }
0x8: {  	s16 =	simm.s32 $0x2;
	s17 =	simm.s32 $0x16800;
	s18 =	simm.s32 $0x3  }
0x9: {  	v0 =	vlaneseq.u32;
	s19 =	simm.s32 $0x4;
	s20 =	simm.s32 $0x0;
	[smem:$0x7FF] =	sst s3  }
.Ltmp0:
0xa: {  	s4 =	sand.u32 $0x1, s4;
	s8 =	sshll.u32 s2, $0xB;
	v1 =	vmul.u32 $0x80, v0;
	v3 =	vor.u32 $0x10, v0;
	v5 =	vor.u32 $0x20, v0;
	(pc) =	sbr.rel .LBB2_1-.Ltmp0, $4  }
0xb: {  	s5 =	sadd.s32 $0x800, s5;
	v7 =	vor.u32 $0x30, v0;
	v9 =	vor.u32 $0x40, v0;
	v11 =	vor.u32 $0x50, v0;
	s7 =	ssub.s32 $0x2, s4;
	s4 =	sshll.u32 s4, $0xA  }
0xc: {  	v13 =	vor.u32 $0x60, v0;
	v15 =	vor.u32 $0x70, v0;
	_ =	strace $0x8000004A;
	s9 =	sshrl.u32 s7, $0x1;
	s4 =	sor.u32 s4, s8;
	v2 =	vor.u32 $0x800, v1  }
0xd: {  	v4 =	vor.u32 $0x1000, v1;
	v6 =	vor.u32 $0x1800, v1;
	v8 =	vor.u32 $0x2000, v1;
	s7 =	ssub.s32 s7, s9;
	s8 =	sshrl.u32 s4, $0x3;
	s9 =	simm.s32 $0x8000  }
0xe: {  	v10 =	vor.u32 $0x2800, v1;
	v12 =	vor.u32 $0x3000, v1;
	v14 =	vor.u32 $0x3800, v1;
	s6 =	sadd.s32 s6, s8;
	s7 =	smax.u32 s7, $0x1;
	s8 =	simm.s32 $0x400  }
.LBB2_10:
0xf: {  	s20 =	sadd.s32 $0x1, s20  }
0x10: {  	_ =	swait.ge [sflag:s18], $0x2000;
	p0 =	sne.s32 s20, s7  }
.Ltmp1:
0x11: {  	[sflag:s18] =	ssyncset.done $0x0;
	(pc) =	sbr.rel @!p0 .LBB2_11-.Ltmp1, $4  }
0x12: {  	[sflag:s18] =	ssyncadd.s32 $0xFFFFE000  }
0x13: {  	_ =	swait.ge [sflag:s19], $0x2000  }
0x14: {  	[sflag:s19] =	ssyncset.done $0x0  }
0x15: {  	[sflag:s19] =	ssyncadd.s32 $0xFFFFE000  }
.LBB2_1:
0x16: {  	[tilespmem:s3], [sflag:$0x5] =	stream.strided.gather [hbm4b:s6+s8], $0x6400, s9, s8, $0x38;
	[tilespmem:$0x18800] =	vst v63  }
0x17: {  	_ =	swait.ge [sflag:s10], $0x6400  }
0x18: {  	[sflag:s10] =	ssyncset.done $0x0  }
0x19: {  	s21 =	simm.s32 $0x0;
	[sflag:s10] =	ssyncadd.s32 $0xFFFF9C00  }
0x1a: {  	v17 =	vld [tilespmem:s21+$0x0]  }
0x1b: {  	v20 =	vld [tilespmem:s21+$0x10]  }
0x1c: {  	v19 =	vld [tilespmem:s21+$0x20]  }
0x1d: {  	v18 =	vld [tilespmem:s21+$0x30]  }
0x1e: {  	v16 =	vld [tilespmem:s21+$0x40]  }
0x1f: {  	s22 =	simm.s32 $0x200;
	v21 =	vshll.u32 v17, $0x6;
	v22 =	vshra.s32 v17, $0x1;
	v17 =	vld [tilespmem:s21+$0x50]  }
.LBB2_2:
0x20: {  	p0 =	sne.s32 s22, $0x18E00;
	v21 =	vand.u32 $0x40, v21;
	[tilespmem:s21+$0x0] =	vst v22;
	v22 =	vshll.u32 v20, $0x6;
	v20 =	vshra.s32 v20, $0x1;
	v23 =	vld [tilespmem:s21+$0x60]  }
0x21: {  	v22 =	vand.u32 $0x40, v22;
	[tilespmem:s21+$0x10] =	vst v20;
	v20 =	vshll.u32 v19, $0x6;
	v19 =	vshra.s32 v19, $0x1;
	v24 =	vld [tilespmem:s21+$0x70]  }
0x22: {  	v20 =	vand.u32 $0x40, v20;
	[tilespmem:s21+$0x20] =	vst v19;
	v19 =	vshll.u32 v18, $0x6;
	v18 =	vshra.s32 v18, $0x1  }
0x23: {  	v19 =	vand.u32 $0x40, v19;
	[tilespmem:s21+$0x30] =	vst v18;
	v18 =	vshll.u32 v16, $0x6;
	v16 =	vshra.s32 v16, $0x1  }
0x24: {  	v18 =	vand.u32 $0x40, v18;
	[tilespmem:s21+$0x40] =	vst v16;
	v16 =	vshll.u32 v17, $0x6;
	v17 =	vshra.s32 v17, $0x1  }
0x25: {  	v16 =	vand.u32 $0x40, v16;
	[tilespmem:s21+$0x50] =	vst v17;
	v17 =	vshll.u32 v23, $0x6;
	v23 =	vshra.s32 v23, $0x1  }
0x26: {  	v17 =	vand.u32 $0x40, v17;
	[tilespmem:s21+$0x60] =	vst v23;
	v23 =	vshll.u32 v24, $0x6;
	v24 =	vshra.s32 v24, $0x1  }
0x27: {  	v23 =	vand.u32 $0x40, v23;
	[tilespmem:s21+$0x70] =	vst v24  }
0x28: {  	[tilespmem:s21+$0x6400] =	vst v21  }
0x29: {  	s23 =	sshra.s32 s22, $0x2;
	[tilespmem:s21+$0x6410] =	vst v22  }
0x2a: {  	v22 =	vld [tilespmem:s23+$0x0];
	[tilespmem:s21+$0x6420] =	vst v20  }
.Ltmp2:
0x2b: {  	v20 =	vld [tilespmem:s23+$0x10];
	[tilespmem:s21+$0x6430] =	vst v19;
	(pc) =	sbr.rel @p0 .LBB2_2-.Ltmp2, $4  }
0x2c: {  	v19 =	vld [tilespmem:s23+$0x20];
	[tilespmem:s21+$0x6440] =	vst v18  }
0x2d: {  	v18 =	vld [tilespmem:s23+$0x30];
	[tilespmem:s21+$0x6450] =	vst v16  }
0x2e: {  	v16 =	vld [tilespmem:s23+$0x40];
	[tilespmem:s21+$0x6460] =	vst v17  }
0x2f: {  	s22 =	sadd.s32 $0x200, s22;
	v21 =	vshll.u32 v22, $0x6;
	v22 =	vshra.s32 v22, $0x1;
	v17 =	vld [tilespmem:s23+$0x50];
	[tilespmem:s21+$0x6470] =	vst v23;
	s21 =	smov.u32 s23  }
0x30: {  	[tilespmem:s21+$0x0] =	vst v22;
	v52 =	vshra.s32 v20, $0x1  }
0x31: {  	v21 =	vand.u32 $0x40, v21;
	[tilespmem:s21+$0x10] =	vst v52  }
0x32: {  	v59 =	vshll.u32 v20, $0x6;
	v53 =	vshra.s32 v19, $0x1;
	[tilespmem:s21+$0x6400] =	vst v21  }
0x33: {  	v20 =	vand.u32 $0x40, v59;
	[tilespmem:s21+$0x20] =	vst v53  }
0x34: {  	v60 =	vshll.u32 v19, $0x6;
	v54 =	vshra.s32 v18, $0x1;
	[tilespmem:s21+$0x6410] =	vst v20  }
0x35: {  	v23 =	vld [tilespmem:s21+$0x60];
	v19 =	vand.u32 $0x40, v60;
	[tilespmem:s21+$0x30] =	vst v54  }
0x36: {  	v24 =	vld [tilespmem:s21+$0x70];
	v61 =	vshll.u32 v18, $0x6;
	v55 =	vshra.s32 v16, $0x1;
	[tilespmem:s21+$0x6420] =	vst v19  }
0x37: {  	v18 =	vand.u32 $0x40, v61;
	[tilespmem:s21+$0x40] =	vst v55  }
0x38: {  	v16 =	vshll.u32 v16, $0x6;
	v56 =	vshra.s32 v17, $0x1;
	[tilespmem:s21+$0x6430] =	vst v18  }
0x39: {  	v16 =	vand.u32 $0x40, v16;
	[tilespmem:s21+$0x50] =	vst v56  }
0x3a: {  	v57 =	vshra.s32 v23, $0x1;
	[tilespmem:s21+$0x6440] =	vst v16  }
0x3b: {  	v17 =	vshll.u32 v17, $0x6;
	v58 =	vshra.s32 v24, $0x1;
	[tilespmem:s21+$0x60] =	vst v57  }
0x3c: {  	v17 =	vand.u32 $0x40, v17;
	v62 =	vshll.u32 v23, $0x6;
	[tilespmem:s21+$0x70] =	vst v58  }
0x3d: {  	v63 =	vshll.u32 v24, $0x6;
	v16 =	vand.u32 $0x40, v62;
	[tilespmem:s21+$0x6450] =	vst v17  }
0x3e: {  	v17 =	vand.u32 $0x40, v63;
	[tilespmem:s21+$0x6460] =	vst v16  }
0x3f: {  	[tilespmem:s21+$0x6470] =	vst v17;
	s21 =	simm.s32 $0x0  }
0x40: {  	[tilespmem:s12], [sflag:$0x1] =	stream.indirect.gather [hbm4b:s5+s11], $0x80, s21, s11, $0xb8;
	[tilespmem:$0x18800] =	vst v63  }
0x41: {  	s22 =	simm.s32 $0x0  }
0x42: {  	[tilespmem:s13], [sflag:$0x2] =	stream.indirect.gather [hbm4b:s5+s11], $0x80, s11, s11, $0xb8;
	[tilespmem:$0x18800] =	vst v63  }
.LBB2_4:
0x43: {  	_ =	swait.ge [sflag:s14], $0x4000  }
0x44: {  	p0 =	seq.s32 s22, $0x0;
	[sflag:s14] =	ssyncset.done $0x0  }
0x45: {  	s23 =	simm.s32 @!p0 $0x3;
	[sflag:s14] =	ssyncadd.s32 $0xFFFFC000  }
0x46: {  	_ =	swait.ge @!p0 [sflag:s23], $0x2000  }
0x47: {  	s24 =	sshll.u32 s22, $0xA;
	[sflag:s23] =	ssyncset.done @!p0 $0x0  }
0x48: {  	[sflag:s23] =	ssyncadd.s32 @!p0 $0xFFFFE000;
	s23 =	sshrl.u32 s24, $0x2  }
0x49: {  	v23 =	vld [tilespmem:s23+$0x6400];
	_ =	sdelay $0x2  }
0x4a: {  	v16 =	vadd.s32 s21, v0  }
0x4b: {  	v25 =	vand.u32 $0x3F, v16  }
0x4c: {  	v16 =	vadd.s32 v23, v25  }
0x4d: {  	v22 =	vld [tilespmem:s23+$0x6410];
	v16 =	vadd.s32 v1, v16;
	_ =	sdelay $0x3  }
0x4e: {  	v24 =	vshll.u32 v25, $0x7;
	v21 =	vld [tilespmem:s23+$0x6420]  }
0x4f: {  	v27 =	vor.u32 v0, v24;
	v26 =	vld.idx.msk [tilespmem:v16+s12+$0x0], $0xffff;
	v16 =	vadd.s32 v22, v25  }
0x50: {  	v19 =	vld [tilespmem:s23+$0x6430];
	v28 =	vadd.s32 v2, v16  }
0x51: {  	v20 =	vld [tilespmem:s23+$0x6440]  }
0x52: {  	v18 =	vld [tilespmem:s23+$0x6450]  }
0x53: {  	v17 =	vld [tilespmem:s23+$0x6460]  }
0x54: {  	v16 =	vld [tilespmem:s23+$0x6470];
	[tilespmem:v27+s15+$0x0] =	vst.idx.msk $0xffff, v26  }
0x55: {  	v58 =	vadd.s32 v21, v25;
	v27 =	vor.u32 v3, v24;
	v26 =	vld.idx.msk [tilespmem:v28+s12+$0x0], $0xffff  }
0x56: {  	v28 =	vadd.s32 v4, v58;
	_ =	sdelay $0x3  }
0x57: {  	[tilespmem:v27+s15+$0x0] =	vst.idx.msk $0xffff, v26  }
0x58: {  	v59 =	vadd.s32 v19, v25;
	v27 =	vor.u32 v5, v24;
	v26 =	vld.idx.msk [tilespmem:v28+s12+$0x0], $0xffff  }
0x59: {  	v28 =	vadd.s32 v6, v59;
	_ =	sdelay $0x3  }
0x5a: {  	[tilespmem:v27+s15+$0x0] =	vst.idx.msk $0xffff, v26  }
0x5b: {  	v60 =	vadd.s32 v20, v25;
	v27 =	vor.u32 v7, v24;
	v26 =	vld.idx.msk [tilespmem:v28+s12+$0x0], $0xffff  }
0x5c: {  	v28 =	vadd.s32 v8, v60;
	_ =	sdelay $0x3  }
0x5d: {  	[tilespmem:v27+s15+$0x0] =	vst.idx.msk $0xffff, v26  }
0x5e: {  	v61 =	vadd.s32 v18, v25;
	v27 =	vor.u32 v9, v24;
	v26 =	vld.idx.msk [tilespmem:v28+s12+$0x0], $0xffff  }
0x5f: {  	v28 =	vadd.s32 v10, v61;
	_ =	sdelay $0x3  }
0x60: {  	[tilespmem:v27+s15+$0x0] =	vst.idx.msk $0xffff, v26  }
0x61: {  	v62 =	vadd.s32 v17, v25;
	v27 =	vor.u32 v11, v24;
	v26 =	vld.idx.msk [tilespmem:v28+s12+$0x0], $0xffff  }
0x62: {  	v28 =	vadd.s32 v12, v62;
	_ =	sdelay $0x3  }
0x63: {  	[tilespmem:v27+s15+$0x0] =	vst.idx.msk $0xffff, v26  }
0x64: {  	v63 =	vor.u32 v13, v24;
	v25 =	vadd.s32 v16, v25;
	v27 =	vld.idx.msk [tilespmem:v28+s12+$0x0], $0xffff  }
0x65: {  	v25 =	vadd.s32 v14, v25;
	_ =	sdelay $0x2  }
0x66: {  	s26 =	simm.s32 $0x1  }
0x67: {  	s25 =	sshll.u32 s22, $0x1;
	v26 =	vadd.s32 s26, v0;
	s26 =	simm.s32 $0x2;
	[tilespmem:v63+s15+$0x0] =	vst.idx.msk $0xffff, v27  }
.LBB2_5:
0x68: {  	p1 =	sne.s32 s26, $0x3F;
	v26 =	vand.u32 $0x3F, v26;
	v25 =	vld.idx.msk [tilespmem:v25+s12+$0x0], $0xffff  }
0x69: {  	v24 =	vor.u32 v15, v24;
	v27 =	vadd.s32 v23, v26  }
0x6a: {  	v27 =	vadd.s32 v1, v27;
	_ =	sdelay $0x3  }
0x6b: {  	[tilespmem:v24+s15+$0x0] =	vst.idx.msk $0xffff, v25  }
0x6c: {  	v24 =	vshll.u32 v26, $0x7;
	v25 =	vld.idx.msk [tilespmem:v27+s12+$0x0], $0xffff  }
0x6d: {  	v28 =	vadd.s32 v22, v26;
	v27 =	vor.u32 v0, v24  }
0x6e: {  	v28 =	vadd.s32 v2, v28;
	_ =	sdelay $0x3  }
0x6f: {  	[tilespmem:v27+s15+$0x0] =	vst.idx.msk $0xffff, v25  }
0x70: {  	v25 =	vld.idx.msk [tilespmem:v28+s12+$0x0], $0xffff  }
0x71: {  	v27 =	vor.u32 v3, v24;
	v28 =	vadd.s32 v21, v26  }
0x72: {  	v28 =	vadd.s32 v4, v28;
	_ =	sdelay $0x3  }
0x73: {  	[tilespmem:v27+s15+$0x0] =	vst.idx.msk $0xffff, v25  }
0x74: {  	v25 =	vld.idx.msk [tilespmem:v28+s12+$0x0], $0xffff  }
0x75: {  	v27 =	vor.u32 v5, v24;
	v28 =	vadd.s32 v19, v26  }
0x76: {  	v28 =	vadd.s32 v6, v28;
	_ =	sdelay $0x3  }
0x77: {  	[tilespmem:v27+s15+$0x0] =	vst.idx.msk $0xffff, v25  }
0x78: {  	v25 =	vld.idx.msk [tilespmem:v28+s12+$0x0], $0xffff  }
0x79: {  	v27 =	vor.u32 v7, v24;
	v28 =	vadd.s32 v20, v26  }
0x7a: {  	v28 =	vadd.s32 v8, v28;
	_ =	sdelay $0x3  }
0x7b: {  	[tilespmem:v27+s15+$0x0] =	vst.idx.msk $0xffff, v25  }
0x7c: {  	v25 =	vld.idx.msk [tilespmem:v28+s12+$0x0], $0xffff  }
0x7d: {  	v27 =	vor.u32 v9, v24;
	v28 =	vadd.s32 v18, v26  }
0x7e: {  	v28 =	vadd.s32 v10, v28;
	_ =	sdelay $0x3  }
0x7f: {  	[tilespmem:v27+s15+$0x0] =	vst.idx.msk $0xffff, v25  }
0x80: {  	v25 =	vld.idx.msk [tilespmem:v28+s12+$0x0], $0xffff  }
0x81: {  	v27 =	vor.u32 v11, v24;
	v28 =	vadd.s32 v17, v26  }
0x82: {  	v28 =	vadd.s32 v12, v28;
	_ =	sdelay $0x3  }
0x83: {  	[tilespmem:v27+s15+$0x0] =	vst.idx.msk $0xffff, v25  }
0x84: {  	v27 =	vld.idx.msk [tilespmem:v28+s12+$0x0], $0xffff  }
0x85: {  	v25 =	vadd.s32 v16, v26;
	v28 =	vor.u32 v13, v24  }
.Ltmp3:
0x86: {  	v25 =	vadd.s32 v14, v25;
	(pc) =	sbr.rel @p1 .LBB2_5-.Ltmp3, $2  }
0x87: {  	_ =	sdelay $0x2  }
0x88: {  	v26 =	vadd.s32 s26, v0;
	s26 =	sadd.s32 $0x1, s26;
	[tilespmem:v28+s15+$0x0] =	vst.idx.msk $0xffff, v27  }
0x89: {  	_ =	sdelay $0x2  }
0x8a: {  	v26 =	vand.u32 $0x3F, v26  }
0x8b: {  	v25 =	vld.idx.msk [tilespmem:v25+s12+$0x0], $0xffff;
	v24 =	vor.u32 v15, v24;
	v23 =	vadd.s32 v23, v26  }
0x8c: {  	v23 =	vadd.s32 v1, v23;
	_ =	sdelay $0x3  }
0x8d: {  	[tilespmem:v24+s15+$0x0] =	vst.idx.msk $0xffff, v25;
	v24 =	vshll.u32 v26, $0x7  }
0x8e: {  	v22 =	vadd.s32 v22, v26;
	v25 =	vor.u32 v0, v24;
	v23 =	vld.idx.msk [tilespmem:v23+s12+$0x0], $0xffff  }
0x8f: {  	v22 =	vadd.s32 v2, v22;
	_ =	sdelay $0x3  }
0x90: {  	[tilespmem:v25+s15+$0x0] =	vst.idx.msk $0xffff, v23  }
0x91: {  	v21 =	vadd.s32 v21, v26;
	v23 =	vor.u32 v3, v24;
	v22 =	vld.idx.msk [tilespmem:v22+s12+$0x0], $0xffff  }
0x92: {  	v21 =	vadd.s32 v4, v21;
	_ =	sdelay $0x3  }
0x93: {  	[tilespmem:v23+s15+$0x0] =	vst.idx.msk $0xffff, v22  }
0x94: {  	v19 =	vadd.s32 v19, v26;
	v22 =	vor.u32 v5, v24;
	v21 =	vld.idx.msk [tilespmem:v21+s12+$0x0], $0xffff  }
0x95: {  	v19 =	vadd.s32 v6, v19;
	_ =	sdelay $0x3  }
0x96: {  	[tilespmem:v22+s15+$0x0] =	vst.idx.msk $0xffff, v21  }
0x97: {  	v20 =	vadd.s32 v20, v26;
	v21 =	vor.u32 v7, v24;
	v19 =	vld.idx.msk [tilespmem:v19+s12+$0x0], $0xffff  }
0x98: {  	v20 =	vadd.s32 v8, v20;
	_ =	sdelay $0x3  }
0x99: {  	[tilespmem:v21+s15+$0x0] =	vst.idx.msk $0xffff, v19  }
0x9a: {  	v18 =	vadd.s32 v18, v26;
	v19 =	vld.idx.msk [tilespmem:v20+s12+$0x0], $0xffff;
	v20 =	vor.u32 v9, v24  }
0x9b: {  	v18 =	vadd.s32 v10, v18;
	_ =	sdelay $0x3  }
0x9c: {  	[tilespmem:v20+s15+$0x0] =	vst.idx.msk $0xffff, v19  }
0x9d: {  	v17 =	vadd.s32 v17, v26;
	v19 =	vor.u32 v11, v24;
	v18 =	vld.idx.msk [tilespmem:v18+s12+$0x0], $0xffff  }
0x9e: {  	v17 =	vadd.s32 v12, v17;
	_ =	sdelay $0x3  }
0x9f: {  	[tilespmem:v19+s15+$0x0] =	vst.idx.msk $0xffff, v18  }
0xa0: {  	v16 =	vadd.s32 v16, v26;
	v18 =	vor.u32 v13, v24;
	v17 =	vld.idx.msk [tilespmem:v17+s12+$0x0], $0xffff  }
0xa1: {  	v16 =	vadd.s32 v14, v16;
	_ =	sdelay $0x3  }
0xa2: {  	[tilespmem:v18+s15+$0x0] =	vst.idx.msk $0xffff, v17  }
0xa3: {  	v17 =	vor.u32 v15, v24;
	v16 =	vld.idx.msk [tilespmem:v16+s12+$0x0], $0xffff;
	_ =	sdelay $0x1  }
0xa4: {  	s26 =	sshll.u32 s22, $0x13  }
0xa5: {  	s26 =	sor.u32 s4, s26  }
0xa6: {  	p1 =	seq.s32 s22, $0x63;
	s26 =	sshrl.u32 s26, $0x3  }
0xa7: {  	s24 =	sshrl.u32 @!p1 s24, $0x2;
	s26 =	sadd.s32 s1, s26;
	[tilespmem:v17+s15+$0x0] =	vst.idx.msk $0xffff, v16  }
0xa8: {  	[hbm4b:s26+s8] =	stream.strided.scatter [tilespmem:s15], [sflag:$0x3], $0x2000, s9, s8, $0x38;
	[tilespmem:$0x18800] =	vst v63  }
0xa9: {  	s28 =	simm.s32 @!p1 $0xC800;
	s24 =	sadd.s32 @!p1 $0x100, s24;
	s26 =	simm.s32 @!p1 $0x80  }
0xaa: {  	[tilespmem:s28], [sflag:$0x1] =	stream.indirect.gather @!p1 [hbm4b:s5+s26], $0x80, s24, s26, $0xb8;
	[tilespmem:$0x18800] =	vst v63  }
0xab: {  	_ =	swait.ge [sflag:s16], $0x4000  }
0xac: {  	[sflag:s16] =	ssyncset.done $0x0  }
0xad: {  	s26 =	simm.s32 @!p0 $0x4;
	[sflag:s16] =	ssyncadd.s32 $0xFFFFC000  }
0xae: {  	s24 =	sor.u32 $0x1, s25;
	_ =	swait.ge @!p0 [sflag:s26], $0x2000  }
0xaf: {  	s25 =	sshll.u32 s24, $0x7;
	[sflag:s26] =	ssyncset.done @!p0 $0x0  }
0xb0: {  	s25 =	sand.u32 $0x3FFFFF80, s25;
	[sflag:s26] =	ssyncadd.s32 @!p0 $0xFFFFE000  }
0xb1: {  	v23 =	vld [tilespmem:s25+$0x6400];
	_ =	sdelay $0x1  }
0xb2: {  	s30 =	simm.s32 $0x0  }
0xb3: {  	v16 =	vadd.s32 s30, v0  }
0xb4: {  	v25 =	vand.u32 $0x3F, v16  }
0xb5: {  	v16 =	vadd.s32 v23, v25  }
0xb6: {  	v22 =	vld [tilespmem:s25+$0x6410];
	v16 =	vadd.s32 v1, v16;
	_ =	sdelay $0x3  }
0xb7: {  	v24 =	vshll.u32 v25, $0x7;
	v21 =	vld [tilespmem:s25+$0x6420]  }
0xb8: {  	v27 =	vor.u32 v0, v24;
	v26 =	vld.idx.msk [tilespmem:v16+s13+$0x0], $0xffff;
	v16 =	vadd.s32 v22, v25  }
0xb9: {  	v19 =	vld [tilespmem:s25+$0x6430];
	v28 =	vadd.s32 v2, v16  }
0xba: {  	v20 =	vld [tilespmem:s25+$0x6440]  }
0xbb: {  	v18 =	vld [tilespmem:s25+$0x6450]  }
0xbc: {  	v17 =	vld [tilespmem:s25+$0x6460]  }
0xbd: {  	v16 =	vld [tilespmem:s25+$0x6470];
	[tilespmem:v27+s17+$0x0] =	vst.idx.msk $0xffff, v26  }
0xbe: {  	v58 =	vadd.s32 v21, v25;
	v27 =	vor.u32 v3, v24;
	v26 =	vld.idx.msk [tilespmem:v28+s13+$0x0], $0xffff  }
0xbf: {  	v28 =	vadd.s32 v4, v58;
	_ =	sdelay $0x3  }
0xc0: {  	[tilespmem:v27+s17+$0x0] =	vst.idx.msk $0xffff, v26  }
0xc1: {  	v59 =	vadd.s32 v19, v25;
	v27 =	vor.u32 v5, v24;
	v26 =	vld.idx.msk [tilespmem:v28+s13+$0x0], $0xffff  }
0xc2: {  	v28 =	vadd.s32 v6, v59;
	_ =	sdelay $0x3  }
0xc3: {  	[tilespmem:v27+s17+$0x0] =	vst.idx.msk $0xffff, v26  }
0xc4: {  	v60 =	vadd.s32 v20, v25;
	v27 =	vor.u32 v7, v24;
	v26 =	vld.idx.msk [tilespmem:v28+s13+$0x0], $0xffff  }
0xc5: {  	v28 =	vadd.s32 v8, v60;
	_ =	sdelay $0x3  }
0xc6: {  	[tilespmem:v27+s17+$0x0] =	vst.idx.msk $0xffff, v26  }
0xc7: {  	v61 =	vadd.s32 v18, v25;
	v27 =	vor.u32 v9, v24;
	v26 =	vld.idx.msk [tilespmem:v28+s13+$0x0], $0xffff  }
0xc8: {  	v28 =	vadd.s32 v10, v61;
	_ =	sdelay $0x3  }
0xc9: {  	[tilespmem:v27+s17+$0x0] =	vst.idx.msk $0xffff, v26  }
0xca: {  	v62 =	vadd.s32 v17, v25;
	v27 =	vor.u32 v11, v24;
	v26 =	vld.idx.msk [tilespmem:v28+s13+$0x0], $0xffff  }
0xcb: {  	v28 =	vadd.s32 v12, v62;
	_ =	sdelay $0x3  }
0xcc: {  	[tilespmem:v27+s17+$0x0] =	vst.idx.msk $0xffff, v26  }
0xcd: {  	v63 =	vor.u32 v13, v24;
	v25 =	vadd.s32 v16, v25;
	v27 =	vld.idx.msk [tilespmem:v28+s13+$0x0], $0xffff  }
0xce: {  	v25 =	vadd.s32 v14, v25;
	_ =	sdelay $0x2  }
0xcf: {  	s31 =	simm.s32 $0x1  }
0xd0: {  	s25 =	simm.s32 $0x2;
	v26 =	vadd.s32 s31, v0;
	[tilespmem:v63+s17+$0x0] =	vst.idx.msk $0xffff, v27  }
.LBB2_7:
0xd1: {  	p0 =	sne.s32 s25, $0x3F;
	v26 =	vand.u32 $0x3F, v26;
	v25 =	vld.idx.msk [tilespmem:v25+s13+$0x0], $0xffff  }
0xd2: {  	v24 =	vor.u32 v15, v24;
	v27 =	vadd.s32 v23, v26  }
0xd3: {  	v27 =	vadd.s32 v1, v27;
	_ =	sdelay $0x3  }
0xd4: {  	[tilespmem:v24+s17+$0x0] =	vst.idx.msk $0xffff, v25  }
0xd5: {  	v24 =	vshll.u32 v26, $0x7;
	v25 =	vld.idx.msk [tilespmem:v27+s13+$0x0], $0xffff  }
0xd6: {  	v28 =	vadd.s32 v22, v26;
	v27 =	vor.u32 v0, v24  }
0xd7: {  	v28 =	vadd.s32 v2, v28;
	_ =	sdelay $0x3  }
0xd8: {  	[tilespmem:v27+s17+$0x0] =	vst.idx.msk $0xffff, v25  }
0xd9: {  	v25 =	vld.idx.msk [tilespmem:v28+s13+$0x0], $0xffff  }
0xda: {  	v27 =	vor.u32 v3, v24;
	v28 =	vadd.s32 v21, v26  }
0xdb: {  	v28 =	vadd.s32 v4, v28;
	_ =	sdelay $0x3  }
0xdc: {  	[tilespmem:v27+s17+$0x0] =	vst.idx.msk $0xffff, v25  }
0xdd: {  	v25 =	vld.idx.msk [tilespmem:v28+s13+$0x0], $0xffff  }
0xde: {  	v27 =	vor.u32 v5, v24;
	v28 =	vadd.s32 v19, v26  }
0xdf: {  	v28 =	vadd.s32 v6, v28;
	_ =	sdelay $0x3  }
0xe0: {  	[tilespmem:v27+s17+$0x0] =	vst.idx.msk $0xffff, v25  }
0xe1: {  	v25 =	vld.idx.msk [tilespmem:v28+s13+$0x0], $0xffff  }
0xe2: {  	v27 =	vor.u32 v7, v24;
	v28 =	vadd.s32 v20, v26  }
0xe3: {  	v28 =	vadd.s32 v8, v28;
	_ =	sdelay $0x3  }
0xe4: {  	[tilespmem:v27+s17+$0x0] =	vst.idx.msk $0xffff, v25  }
0xe5: {  	v25 =	vld.idx.msk [tilespmem:v28+s13+$0x0], $0xffff  }
0xe6: {  	v27 =	vor.u32 v9, v24;
	v28 =	vadd.s32 v18, v26  }
0xe7: {  	v28 =	vadd.s32 v10, v28;
	_ =	sdelay $0x3  }
0xe8: {  	[tilespmem:v27+s17+$0x0] =	vst.idx.msk $0xffff, v25  }
0xe9: {  	v25 =	vld.idx.msk [tilespmem:v28+s13+$0x0], $0xffff  }
0xea: {  	v27 =	vor.u32 v11, v24;
	v28 =	vadd.s32 v17, v26  }
0xeb: {  	v28 =	vadd.s32 v12, v28;
	_ =	sdelay $0x3  }
0xec: {  	[tilespmem:v27+s17+$0x0] =	vst.idx.msk $0xffff, v25  }
0xed: {  	v27 =	vld.idx.msk [tilespmem:v28+s13+$0x0], $0xffff  }
0xee: {  	v25 =	vadd.s32 v16, v26;
	v28 =	vor.u32 v13, v24  }
.Ltmp4:
0xef: {  	v25 =	vadd.s32 v14, v25;
	(pc) =	sbr.rel @p0 .LBB2_7-.Ltmp4, $2  }
0xf0: {  	_ =	sdelay $0x2  }
0xf1: {  	v26 =	vadd.s32 s25, v0;
	s25 =	sadd.s32 $0x1, s25;
	[tilespmem:v28+s17+$0x0] =	vst.idx.msk $0xffff, v27  }
0xf2: {  	_ =	sdelay $0x2  }
0xf3: {  	v26 =	vand.u32 $0x3F, v26  }
0xf4: {  	v25 =	vld.idx.msk [tilespmem:v25+s13+$0x0], $0xffff;
	v24 =	vor.u32 v15, v24;
	v23 =	vadd.s32 v23, v26  }
0xf5: {  	v23 =	vadd.s32 v1, v23;
	_ =	sdelay $0x3  }
0xf6: {  	v56 =	vshll.u32 v26, $0x7;
	[tilespmem:v24+s17+$0x0] =	vst.idx.msk $0xffff, v25  }
0xf7: {  	v22 =	vadd.s32 v22, v26;
	v57 =	vor.u32 v0, v56;
	v23 =	vld.idx.msk [tilespmem:v23+s13+$0x0], $0xffff  }
0xf8: {  	v22 =	vadd.s32 v2, v22;
	_ =	sdelay $0x3  }
0xf9: {  	[tilespmem:v57+s17+$0x0] =	vst.idx.msk $0xffff, v23  }
0xfa: {  	v21 =	vadd.s32 v21, v26;
	v58 =	vor.u32 v3, v56;
	v22 =	vld.idx.msk [tilespmem:v22+s13+$0x0], $0xffff  }
0xfb: {  	v21 =	vadd.s32 v4, v21;
	_ =	sdelay $0x3  }
0xfc: {  	[tilespmem:v58+s17+$0x0] =	vst.idx.msk $0xffff, v22  }
0xfd: {  	v19 =	vadd.s32 v19, v26;
	v59 =	vor.u32 v5, v56;
	v21 =	vld.idx.msk [tilespmem:v21+s13+$0x0], $0xffff  }
0xfe: {  	v19 =	vadd.s32 v6, v19;
	_ =	sdelay $0x3  }
0xff: {  	[tilespmem:v59+s17+$0x0] =	vst.idx.msk $0xffff, v21  }
0x100: {  	v20 =	vadd.s32 v20, v26;
	v60 =	vor.u32 v7, v56;
	v19 =	vld.idx.msk [tilespmem:v19+s13+$0x0], $0xffff  }
0x101: {  	v20 =	vadd.s32 v8, v20;
	_ =	sdelay $0x3  }
0x102: {  	[tilespmem:v60+s17+$0x0] =	vst.idx.msk $0xffff, v19  }
0x103: {  	v18 =	vadd.s32 v18, v26;
	v61 =	vor.u32 v9, v56;
	v19 =	vld.idx.msk [tilespmem:v20+s13+$0x0], $0xffff  }
0x104: {  	v18 =	vadd.s32 v10, v18;
	_ =	sdelay $0x3  }
0x105: {  	[tilespmem:v61+s17+$0x0] =	vst.idx.msk $0xffff, v19  }
0x106: {  	v17 =	vadd.s32 v17, v26;
	v62 =	vor.u32 v11, v56;
	v18 =	vld.idx.msk [tilespmem:v18+s13+$0x0], $0xffff  }
0x107: {  	v17 =	vadd.s32 v12, v17;
	_ =	sdelay $0x3  }
0x108: {  	[tilespmem:v62+s17+$0x0] =	vst.idx.msk $0xffff, v18  }
0x109: {  	v16 =	vadd.s32 v16, v26;
	v63 =	vor.u32 v13, v56;
	v17 =	vld.idx.msk [tilespmem:v17+s13+$0x0], $0xffff  }
0x10a: {  	v16 =	vadd.s32 v14, v16;
	_ =	sdelay $0x3  }
0x10b: {  	[tilespmem:v63+s17+$0x0] =	vst.idx.msk $0xffff, v17  }
0x10c: {  	v17 =	vor.u32 v15, v56;
	v16 =	vld.idx.msk [tilespmem:v16+s13+$0x0], $0xffff;
	_ =	sdelay $0x1  }
.Ltmp5:
0x10d: {  	s24 =	sshll.u32 s24, $0x12;
	(pc) =	sbr.rel @p1 .LBB2_10-.Ltmp5, $4  }
0x10e: {  	s24 =	sor.u32 s4, s24  }
0x10f: {  	s24 =	sshrl.u32 s24, $0x3  }
0x110: {  	s24 =	sadd.s32 s1, s24;
	[tilespmem:v17+s17+$0x0] =	vst.idx.msk $0xffff, v16  }
0x111: {  	[hbm4b:s24+s8] =	stream.strided.scatter [tilespmem:s17], [sflag:$0x4], $0x2000, s9, s8, $0x38;
	[tilespmem:$0x18800] =	vst v63  }
.Ltmp6:
0x112: {  	(pc) =	sbr.rel .LBB2_4-.Ltmp6, $3  }
0x113: {  	_ =	sdelay $0x1  }
0x114: {  	s23 =	sadd.s32 $0x180, s23;
	s22 =	sadd.s32 $0x1, s22  }
0x115: {  	[tilespmem:s13], [sflag:$0x2] =	stream.indirect.gather [hbm4b:s5+s11], $0x80, s23, s11, $0xb8;
	[tilespmem:$0x18800] =	vst v63  }
.LBB2_11:
0x116: {  	_ =	sfence.sel $0x180000  }
0x117: {  	[bflag:$0x0] =	sbarrier.arrive $0xFFFF  }
0x118: {  	p0 =	sne.s32 s2, $0x0;
	_ =	strace $0x9000004A  }
0x119: {  	s0 =	sadd.s32 @!p0 $0x100000, s0;
	[bflag:$0x2] =	sbarrier.arrive $0xFFFF  }
0x11a: {  	[sflag:s0] =	ssyncadd.tile.s32 @!p0 $0x1;
	_ =	shalt  }
.Lfunc_end2:
_tile_overlayer_lowered:
.L_overlay_start_2:
0x11b: {  	(tag) =	ssettag $0x2  }
0x11c: {  	s0 =	rddreg [dreg:$0x0];
	s2 =	stileid.u32  }
0x11d: {  	s1 =	rddreg [dreg:$0x1];
	p0 =	sne.s32 s2, $0x0  }
0x11e: {  	s3 =	rddreg [dreg:$0x2];
	[bflag:$0x3] =	sbarrier.arrive $0xFFFF;
	s2 =	simm.s32 @!p0 $0x1C05  }
0x11f: {  	[timem:s3], [sflag:s2] =	dma.local @!p0 [hbm:s0], s1  }
0x120: {  	s0 =	simm.s32 @!p0 $0x5  }
0x121: {  	_ =	swait.ge @!p0 [sflag:s0], s1  }
0x122: {  	s1 =	ssub.s32 @!p0 $0x0, s1;
	[sflag:s0] =	ssyncset.done @!p0 $0x0  }
0x123: {  	[sflag:s0] =	ssyncadd.s32 @!p0 s1  }
0x124: {  	[bflag:$0x3] =	sbarrier.arrive $0xFFFF  }
0x125: {  	_ =	shalt  }

</sc_bundles>
